<compile_context>
chip_gen: v7x
topology: tpu7x:2x2x1
jax: 0.10.2.dev20260603
libtpu: 0.0.44.dev20260713+nightly
codegen_flags: <defaults>
</compile_context>

<pallas_src>
import functools

import jax
import jax.numpy as jnp
from jax import lax
from jax.experimental import pallas as pl
from jax.experimental.pallas import tpu as pltpu
from jax.experimental.pallas import tpu_sc as plsc

_BINS = 64
_B = 16
_N = 512 * 512
_NW = 32
_EPW = _B * _N // _NW
_RB = 128
_CB = _RB * 128
_NCHUNK = _EPW // _CB
_LANES = 16
_SLOTS = _BINS + 1


def _hist_body(x_hbm, y_hbm, out_hbm, xb0, xb1, yb0, yb1, hist, hist2,
               sx0, sx1, sy0, sy1):
    cid = lax.axis_index("c")
    sid = lax.axis_index("s")
    wid = sid * 2 + cid
    sample = wid // 2
    half = wid % 2
    lane = lax.iota(jnp.int32, 16)
    lane_base = lane * _SLOTS
    ones = jnp.ones((16,), jnp.float32)
    zeros = jnp.zeros((16,), jnp.float32)

    def _zero(i, _):
        hist[pl.ds(i * 16, 16)] = zeros
        return 0
    lax.fori_loop(0, _SLOTS, _zero, 0)

    xbufs = (xb0, xb1)
    ybufs = (yb0, yb1)
    sxs = (sx0, sx1)
    sys_ = (sy0, sy1)

    def _start(ck):
        slot = ck % 2
        rb = half * 256 + (ck // 4) * _RB
        cb = (ck % 4) * 128
        hx = pltpu.async_copy(
            x_hbm.at[sample, 0, pl.ds(rb, _RB), pl.ds(cb, 128)],
            xbufs[slot], sxs[slot])
        hy = pltpu.async_copy(
            y_hbm.at[sample, 0, pl.ds(rb, _RB), pl.ds(cb, 128)],
            ybufs[slot], sys_[slot])
        return hx, hy

    def _consume(ck, carry):
        slot = ck % 2
        xb = xbufs[slot]
        yb = ybufs[slot]

        def _inner(i, prev):
            pairs = []
            for k in range(8):
                xv = xb[i, pl.ds(k * 16, 16)]
                yv = yb[i, pl.ds(k * 16, 16)]
                v = xv * jnp.float32(_BINS) + yv
                iv = v.astype(jnp.int32)
                m = v <= jnp.float32(_BINS)
                pairs.append((iv + lane_base, m))
            for flat, m in zip(prev[0], prev[1]):
                plsc.addupdate_scatter(hist, [flat], ones, mask=m)
            return (tuple(p[0] for p in pairs), tuple(p[1] for p in pairs))
        return lax.fori_loop(0, _RB, _inner, carry)

    carry = (tuple(lane_base for _ in range(8)),
             tuple(lane < 0 for _ in range(8)))
    pending = _start(0)
    for ck in range(_NCHUNK):
        nxt = _start(ck + 1) if ck + 1 < _NCHUNK else None
        pending[0].wait()
        pending[1].wait()
        carry = _consume(ck, carry)
        pending = nxt
    for flat, m in zip(carry[0], carry[1]):
        plsc.addupdate_scatter(hist, [flat], ones, mask=m)

    for g in range(4):
        acc = hist[pl.ds(g * 16, 16)]
        for l in range(1, 16):
            acc = acc + hist[pl.ds(l * _SLOTS + g * 16, 16)]
        if g == 3:
            e64 = plsc.load_gather(hist, [lane * _SLOTS + (_SLOTS - 1)])
            s64 = jnp.sum(e64)
            acc = acc + jnp.where(lane == 15, s64, jnp.float32(0.0))
        hist2[pl.ds(g * 16, 16)] = acc

    r = half * 16 + sample
    pltpu.sync_copy(hist2, out_hbm.at[r])


_hist_sc = functools.partial(
    pl.kernel,
    out_type=jax.ShapeDtypeStruct((_NW, _BINS), jnp.float32),
    mesh=plsc.VectorSubcoreMesh(core_axis_name="c", subcore_axis_name="s"),
    compiler_params=pltpu.CompilerParams(
        needs_layout_passes=False, use_tc_tiling_on_sc=True),
    scratch_types=[
        pltpu.VMEM((_RB, 128), jnp.float32),
        pltpu.VMEM((_RB, 128), jnp.float32),
        pltpu.VMEM((_RB, 128), jnp.float32),
        pltpu.VMEM((_RB, 128), jnp.float32),
        pltpu.VMEM((_SLOTS * _LANES,), jnp.float32),
        pltpu.VMEM((_BINS,), jnp.float32),
        pltpu.SemaphoreType.DMA,
        pltpu.SemaphoreType.DMA,
        pltpu.SemaphoreType.DMA,
        pltpu.SemaphoreType.DMA,
    ],
)(_hist_body)


def _mi_body(h_ref, o_ref):
    hcat = h_ref[...]
    h = hcat[0:16, :] + hcat[16:32, :]
    tot = jnp.sum(h, axis=1, keepdims=True)
    p = h / tot + jnp.float32(1e-8)
    s = jnp.sum(p, axis=1, keepdims=True)
    mi = p * jnp.log(p / (s * s))
    per_sample = jnp.sum(mi, axis=1, keepdims=True)
    total = jnp.sum(per_sample, axis=0, keepdims=True)
    o_ref[...] = -total / jnp.float32(_B)


_mi_tc = pl.pallas_call(
    _mi_body,
    out_shape=jax.ShapeDtypeStruct((1, 1), jnp.float32),
)


def kernel(x, y):
    part = _hist_sc(x, y)
    return _mi_tc(part)[0, 0]

# --- scband reference (transcript-rebuilt; emitter-appended) ---
"""Pipeline reference for scband-mutual-information-48954037239885 (READ-ONLY COPY).

The authoritative reference and input builder live on the scoring server;
editing this copy changes nothing except your own understanding.
"""

import jax, jax.numpy as jnp
import numpy as np

NUM_BINS = 64

def _histc(v, bins, vmin, vmax):
    # faithful torch.histc semantics: bins evenly spaced in [vmin, vmax],
    # values outside [vmin, vmax] ignored, values == vmax go in last bin.
    width = (vmax - vmin) / bins
    idx = jnp.floor((v - vmin) / width).astype(jnp.int32)
    idx = jnp.where(v == vmax, bins - 1, idx)
    mask = (v >= vmin) & (v <= vmax)
    idx = jnp.clip(idx, 0, bins - 1)
    weights = jnp.where(mask, jnp.ones_like(v), jnp.zeros_like(v))
    return jnp.zeros((bins,), dtype=v.dtype).at[idx].add(weights)

def setup_inputs(seed: int = 0) -> dict:
    key = jax.random.key(seed)
    k1, k2 = jax.random.split(key)
    x = jax.random.uniform(k1, (16, 1, 512, 512), dtype=jnp.float32)
    y = jax.random.uniform(k2, (16, 1, 512, 512), dtype=jnp.float32)
    return {"x": x, "y": y}

def reference(x, y):
    B = x.shape[0]
    xf = x.reshape(B, -1)
    yf = y.reshape(B, -1)

    def per_sample(xi, yi):
        v = xi * NUM_BINS + yi
        joint_hist = _histc(v, NUM_BINS, 0.0, float(NUM_BINS))
        joint_prob = joint_hist / jnp.sum(joint_hist) + 1e-08
        px = jnp.sum(joint_prob)
        py = jnp.sum(joint_prob)
        mi = jnp.sum(joint_prob * jnp.log(joint_prob / (px * py)))
        return mi

    mi_per_sample = jax.vmap(per_sample)(xf, yf)
    mi_total = jnp.sum(mi_per_sample)
    return -mi_total / B

if __name__ == "__main__":
    import jax
    _d = setup_inputs()
    print(jax.jit(kernel)(*tuple(_d.values())))

</pallas_src>

<mosaic_0001>
#map = affine_map<(d0, d1) -> (0, 0, 0, 0)>
#map1 = affine_map<(d0, d1) -> (0, 0)>
module attributes {stable_mosaic.version = 14 : i64} {
  func.func @_hist_body(%arg0: i32, %arg1: i32, %arg2: memref<16x1x512x512xf32, #tpu.memory_space<hbm>>, %arg3: memref<16x1x512x512xf32, #tpu.memory_space<hbm>>, %arg4: memref<32x64xf32, #tpu.memory_space<hbm>>, %arg5: memref<128x128xf32, #tpu.memory_space<vmem>>, %arg6: memref<128x128xf32, #tpu.memory_space<vmem>>, %arg7: memref<128x128xf32, #tpu.memory_space<vmem>>, %arg8: memref<128x128xf32, #tpu.memory_space<vmem>>, %arg9: memref<1040xf32, #tpu.memory_space<vmem>>, %arg10: memref<64xf32, #tpu.memory_space<vmem>>, %arg11: memref<!tpu.dma_semaphore, #tpu.memory_space<semaphore_mem>>, %arg12: memref<!tpu.dma_semaphore, #tpu.memory_space<semaphore_mem>>, %arg13: memref<!tpu.dma_semaphore, #tpu.memory_space<semaphore_mem>>, %arg14: memref<!tpu.dma_semaphore, #tpu.memory_space<semaphore_mem>>) attributes {dimension_semantics = [#tpu.dimension_semantics<core_parallel>, #tpu.dimension_semantics<subcore_parallel>], iteration_bounds = array<i64: 2, 16>, scalar_prefetch = 0 : i64, scratch_operands = 10 : i64, tpu.core_type = #tpu.core_type<sc_vector_subcore>, window_params = [{transform_indices = #map}, {transform_indices = #map}, {transform_indices = #map1}]} {
    %mul3A = arith.constant 2 : i32
    %mul3A_0 = arith.muli %arg1, %mul3A : i32
    %add3A = arith.addi %mul3A_0, %arg0 : i32
    %jit3A = arith.constant 2 : i32
    %div3A = arith.divsi %add3A, %jit3A : i32
    %sign3A = arith.constant 0 : i32
    %sign3A_1 = arith.cmpi sgt, %add3A, %sign3A : i32
    %sign3A_2 = arith.extui %sign3A_1 : i1 to i32
    %sign3A_3 = arith.constant 0 : i32
    %sign3A_4 = arith.cmpi slt, %add3A, %sign3A_3 : i32
    %sign3A_5 = arith.extui %sign3A_4 : i1 to i32
    %sign3A_6 = arith.subi %sign3A_2, %sign3A_5 : i32
    %sign3A_7 = arith.constant 0 : i32
    %sign3A_8 = arith.cmpi sgt, %jit3A, %sign3A_7 : i32
    %sign3A_9 = arith.extui %sign3A_8 : i1 to i32
    %sign3A_10 = arith.constant 0 : i32
    %sign3A_11 = arith.cmpi slt, %jit3A, %sign3A_10 : i32
    %sign3A_12 = arith.extui %sign3A_11 : i1 to i32
    %sign3A_13 = arith.subi %sign3A_9, %sign3A_12 : i32
    %ne3A = arith.cmpi ne, %sign3A_6, %sign3A_13 : i32
    %rem3A = arith.remsi %add3A, %jit3A : i32
    %ne3A_14 = arith.constant 0 : i32
    %ne3A_15 = arith.cmpi ne, %rem3A, %ne3A_14 : i32
    %and3A = arith.andi %ne3A, %ne3A_15 : i1
    %sub3A = arith.constant 1 : i32
    %sub3A_16 = arith.subi %div3A, %sub3A : i32
    %select_n3A = arith.select %and3A, %sub3A_16, %div3A : i32
    %jit3A_17 = arith.constant 2 : i32
    %eq3A = arith.constant 0 : i32
    %eq3A_18 = arith.cmpi eq, %jit3A_17, %eq3A : i32
    %jit3A_19 = arith.constant 1 : i32
    %select_n3A_20 = arith.select %eq3A_18, %jit3A_19, %jit3A_17 : i32
    %rem3A_21 = arith.remsi %add3A, %select_n3A_20 : i32
    %ne3A_22 = arith.constant 0 : i32
    %ne3A_23 = arith.cmpi ne, %rem3A_21, %ne3A_22 : i32
    %lt3A = arith.constant 0 : i32
    %lt3A_24 = arith.cmpi slt, %rem3A_21, %lt3A : i32
    %lt3A_25 = arith.constant 0 : i32
    %lt3A_26 = arith.cmpi slt, %select_n3A_20, %lt3A_25 : i32
    %ne3A_27 = arith.xori %lt3A_24, %lt3A_26 : i1
    %and3A_28 = arith.andi %ne3A_27, %ne3A_23 : i1
    %add3A_29 = arith.addi %rem3A_21, %select_n3A_20 : i32
    %select_n3A_30 = arith.select %and3A_28, %add3A_29, %rem3A_21 : i32
    %iota3A = tpu.iota {dimensions = array<i32: 0>} : vector<16xi32>
    %mul3A_31 = arith.constant 65 : i32
    %mul3A_32 = vector.broadcast %mul3A_31 : i32 to vector<16xi32>
    %mul3A_33 = arith.muli %iota3A, %mul3A_32 : vector<16xi32>
    %broadcast_in_dim3A = arith.constant 1.000000e+00 : f32
    %broadcast_in_dim3A_34 = vector.broadcast %broadcast_in_dim3A : f32 to vector<16xf32>
    %broadcast_in_dim3A_35 = arith.constant 0.000000e+00 : f32
    %broadcast_in_dim3A_36 = vector.broadcast %broadcast_in_dim3A_35 : f32 to vector<16xf32>
    %scan3A = arith.constant 0 : i32
    %scan3A_37 = arith.constant 0 : i32
    %scan3A_38 = arith.constant 65 : i32
    %scan3A_39 = arith.addi %scan3A_37, %scan3A_38 : i32
    %scan3A_40 = arith.constant 1 : i32
    %scan3A_41 = scf.for %scan3A_583 = %scan3A_37 to %scan3A_39 step %scan3A_40 iter_args(%scan3A_584 = %scan3A) -> (i32)  : i32 {
      %mul3A_585 = arith.constant 16 : i32
      %mul3A_586 = arith.muli %scan3A_583, %mul3A_585 : i32
      %swap3A_587 = arith.index_cast %mul3A_586 : i32 to index
      %swap3A_588 = tpu.vector_load %arg9[%swap3A_587] {strides = array<i32>} : memref<1040xf32, #tpu.memory_space<vmem>>, vector<16xf32>,
      tpu.vector_store %arg9[%swap3A_587], %broadcast_in_dim3A_36 {strides = array<i32>} : memref<1040xf32, #tpu.memory_space<vmem>>, vector<16xf32>,
      %scan3A_589 = arith.constant 0 : i32
      scf.yield %scan3A_589 : i32
    }
    %scan3A_42 = arith.constant 65 : i32
    %lt3A_43 = arith.constant 0 : i32
    %lt3A_44 = vector.broadcast %lt3A_43 : i32 to vector<16xi32>
    %lt3A_45 = arith.cmpi slt, %iota3A, %lt3A_44 : vector<16xi32>
    %lt3A_46 = arith.constant 0 : i32
    %lt3A_47 = vector.broadcast %lt3A_46 : i32 to vector<16xi32>
    %lt3A_48 = arith.cmpi slt, %iota3A, %lt3A_47 : vector<16xi32>
    %lt3A_49 = arith.constant 0 : i32
    %lt3A_50 = vector.broadcast %lt3A_49 : i32 to vector<16xi32>
    %lt3A_51 = arith.cmpi slt, %iota3A, %lt3A_50 : vector<16xi32>
    %lt3A_52 = arith.constant 0 : i32
    %lt3A_53 = vector.broadcast %lt3A_52 : i32 to vector<16xi32>
    %lt3A_54 = arith.cmpi slt, %iota3A, %lt3A_53 : vector<16xi32>
    %lt3A_55 = arith.constant 0 : i32
    %lt3A_56 = vector.broadcast %lt3A_55 : i32 to vector<16xi32>
    %lt3A_57 = arith.cmpi slt, %iota3A, %lt3A_56 : vector<16xi32>
    %lt3A_58 = arith.constant 0 : i32
    %lt3A_59 = vector.broadcast %lt3A_58 : i32 to vector<16xi32>
    %lt3A_60 = arith.cmpi slt, %iota3A, %lt3A_59 : vector<16xi32>
    %lt3A_61 = arith.constant 0 : i32
    %lt3A_62 = vector.broadcast %lt3A_61 : i32 to vector<16xi32>
    %lt3A_63 = arith.cmpi slt, %iota3A, %lt3A_62 : vector<16xi32>
    %lt3A_64 = arith.constant 0 : i32
    %lt3A_65 = vector.broadcast %lt3A_64 : i32 to vector<16xi32>
    %lt3A_66 = arith.cmpi slt, %iota3A, %lt3A_65 : vector<16xi32>
    %mul3A_67 = arith.constant 256 : i32
    %mul3A_68 = arith.muli %select_n3A_30, %mul3A_67 : i32
    %add3A_69 = arith.constant 0 : i32
    %add3A_70 = arith.addi %mul3A_68, %add3A_69 : i32
    %dma_start3A = arith.constant 0 : i32
    %dma_start3A_71 = arith.constant 0 : i32
    %dma_start3A_72 = tpu.memref_slice %arg2[%select_n3A, %dma_start3A, %add3A_70, %dma_start3A_71] : memref<16x1x512x512xf32, #tpu.memory_space<hbm>> -> memref<1x1x128x128xf32, #tpu.memory_space<hbm>>
    %dma_start3A_73 = tpu.memref_squeeze %dma_start3A_72 : memref<1x1x128x128xf32, #tpu.memory_space<hbm>> -> memref<128x128xf32, #tpu.memory_space<hbm>>
    %dma_start3A_74 = arith.constant 0 : i32
    %dma_start3A_75 = tpu.memref_slice %arg2[%select_n3A, %dma_start3A, %add3A_70, %dma_start3A_74] : memref<16x1x512x512xf32, #tpu.memory_space<hbm>> -> memref<1x1x128x128xf32, #tpu.memory_space<hbm>>
    %dma_start3A_76 = tpu.memref_squeeze %dma_start3A_75 : memref<1x1x128x128xf32, #tpu.memory_space<hbm>> -> memref<128x128xf32, #tpu.memory_space<hbm>>
    tpu.enqueue_dma source(%dma_start3A_76 : memref<128x128xf32, #tpu.memory_space<hbm>>) target(%arg5 : memref<128x128xf32, #tpu.memory_space<vmem>>) target_semaphore(%arg11 : memref<!tpu.dma_semaphore, #tpu.memory_space<semaphore_mem>>)
    %dma_start3A_77 = arith.constant 0 : i32
    %dma_start3A_78 = arith.constant 0 : i32
    %dma_start3A_79 = tpu.memref_slice %arg3[%select_n3A, %dma_start3A_77, %add3A_70, %dma_start3A_78] : memref<16x1x512x512xf32, #tpu.memory_space<hbm>> -> memref<1x1x128x128xf32, #tpu.memory_space<hbm>>
    %dma_start3A_80 = tpu.memref_squeeze %dma_start3A_79 : memref<1x1x128x128xf32, #tpu.memory_space<hbm>> -> memref<128x128xf32, #tpu.memory_space<hbm>>
    %dma_start3A_81 = arith.constant 0 : i32
    %dma_start3A_82 = tpu.memref_slice %arg3[%select_n3A, %dma_start3A_77, %add3A_70, %dma_start3A_81] : memref<16x1x512x512xf32, #tpu.memory_space<hbm>> -> memref<1x1x128x128xf32, #tpu.memory_space<hbm>>
    %dma_start3A_83 = tpu.memref_squeeze %dma_start3A_82 : memref<1x1x128x128xf32, #tpu.memory_space<hbm>> -> memref<128x128xf32, #tpu.memory_space<hbm>>
    tpu.enqueue_dma source(%dma_start3A_83 : memref<128x128xf32, #tpu.memory_space<hbm>>) target(%arg7 : memref<128x128xf32, #tpu.memory_space<vmem>>) target_semaphore(%arg13 : memref<!tpu.dma_semaphore, #tpu.memory_space<semaphore_mem>>)
    %mul3A_84 = arith.constant 256 : i32
    %mul3A_85 = arith.muli %select_n3A_30, %mul3A_84 : i32
    %add3A_86 = arith.constant 0 : i32
    %add3A_87 = arith.addi %mul3A_85, %add3A_86 : i32
    %dma_start3A_88 = arith.constant 0 : i32
    %dma_start3A_89 = arith.constant 128 : i32
    %dma_start3A_90 = tpu.memref_slice %arg2[%select_n3A, %dma_start3A_88, %add3A_87, %dma_start3A_89] : memref<16x1x512x512xf32, #tpu.memory_space<hbm>> -> memref<1x1x128x128xf32, #tpu.memory_space<hbm>>
    %dma_start3A_91 = tpu.memref_squeeze %dma_start3A_90 : memref<1x1x128x128xf32, #tpu.memory_space<hbm>> -> memref<128x128xf32, #tpu.memory_space<hbm>>
    %dma_start3A_92 = arith.constant 128 : i32
    %dma_start3A_93 = tpu.memref_slice %arg2[%select_n3A, %dma_start3A_88, %add3A_87, %dma_start3A_92] : memref<16x1x512x512xf32, #tpu.memory_space<hbm>> -> memref<1x1x128x128xf32, #tpu.memory_space<hbm>>
    %dma_start3A_94 = tpu.memref_squeeze %dma_start3A_93 : memref<1x1x128x128xf32, #tpu.memory_space<hbm>> -> memref<128x128xf32, #tpu.memory_space<hbm>>
    tpu.enqueue_dma source(%dma_start3A_94 : memref<128x128xf32, #tpu.memory_space<hbm>>) target(%arg6 : memref<128x128xf32, #tpu.memory_space<vmem>>) target_semaphore(%arg12 : memref<!tpu.dma_semaphore, #tpu.memory_space<semaphore_mem>>)
    %dma_start3A_95 = arith.constant 0 : i32
    %dma_start3A_96 = arith.constant 128 : i32
    %dma_start3A_97 = tpu.memref_slice %arg3[%select_n3A, %dma_start3A_95, %add3A_87, %dma_start3A_96] : memref<16x1x512x512xf32, #tpu.memory_space<hbm>> -> memref<1x1x128x128xf32, #tpu.memory_space<hbm>>
    %dma_start3A_98 = tpu.memref_squeeze %dma_start3A_97 : memref<1x1x128x128xf32, #tpu.memory_space<hbm>> -> memref<128x128xf32, #tpu.memory_space<hbm>>
    %dma_start3A_99 = arith.constant 128 : i32
    %dma_start3A_100 = tpu.memref_slice %arg3[%select_n3A, %dma_start3A_95, %add3A_87, %dma_start3A_99] : memref<16x1x512x512xf32, #tpu.memory_space<hbm>> -> memref<1x1x128x128xf32, #tpu.memory_space<hbm>>
    %dma_start3A_101 = tpu.memref_squeeze %dma_start3A_100 : memref<1x1x128x128xf32, #tpu.memory_space<hbm>> -> memref<128x128xf32, #tpu.memory_space<hbm>>
    tpu.enqueue_dma source(%dma_start3A_101 : memref<128x128xf32, #tpu.memory_space<hbm>>) target(%arg8 : memref<128x128xf32, #tpu.memory_space<vmem>>) target_semaphore(%arg14 : memref<!tpu.dma_semaphore, #tpu.memory_space<semaphore_mem>>)
    %dma_wait3A = arith.constant 0 : i32
    %dma_wait3A_102 = arith.constant 0 : i32
    %dma_wait3A_103 = tpu.memref_slice %arg2[%select_n3A, %dma_wait3A, %add3A_70, %dma_wait3A_102] : memref<16x1x512x512xf32, #tpu.memory_space<hbm>> -> memref<1x1x128x128xf32, #tpu.memory_space<hbm>>
    %dma_wait3A_104 = tpu.memref_squeeze %dma_wait3A_103 : memref<1x1x128x128xf32, #tpu.memory_space<hbm>> -> memref<128x128xf32, #tpu.memory_space<hbm>>
    %dma_wait3A_105 = arith.constant 0 : i32
    %dma_wait3A_106 = tpu.memref_slice %arg2[%select_n3A, %dma_wait3A, %add3A_70, %dma_wait3A_105] : memref<16x1x512x512xf32, #tpu.memory_space<hbm>> -> memref<1x1x128x128xf32, #tpu.memory_space<hbm>>
    %dma_wait3A_107 = tpu.memref_squeeze %dma_wait3A_106 : memref<1x1x128x128xf32, #tpu.memory_space<hbm>> -> memref<128x128xf32, #tpu.memory_space<hbm>>
    tpu.wait_dma2 semaphore(%arg11 : memref<!tpu.dma_semaphore, #tpu.memory_space<semaphore_mem>>) src(%dma_wait3A_107 : memref<128x128xf32, #tpu.memory_space<hbm>>) dst(%arg5 : memref<128x128xf32, #tpu.memory_space<vmem>>)
    %dma_wait3A_108 = arith.constant 0 : i32
    %dma_wait3A_109 = arith.constant 0 : i32
    %dma_wait3A_110 = tpu.memref_slice %arg3[%select_n3A, %dma_wait3A_108, %add3A_70, %dma_wait3A_109] : memref<16x1x512x512xf32, #tpu.memory_space<hbm>> -> memref<1x1x128x128xf32, #tpu.memory_space<hbm>>
    %dma_wait3A_111 = tpu.memref_squeeze %dma_wait3A_110 : memref<1x1x128x128xf32, #tpu.memory_space<hbm>> -> memref<128x128xf32, #tpu.memory_space<hbm>>
    %dma_wait3A_112 = arith.constant 0 : i32
    %dma_wait3A_113 = tpu.memref_slice %arg3[%select_n3A, %dma_wait3A_108, %add3A_70, %dma_wait3A_112] : memref<16x1x512x512xf32, #tpu.memory_space<hbm>> -> memref<1x1x128x128xf32, #tpu.memory_space<hbm>>
    %dma_wait3A_114 = tpu.memref_squeeze %dma_wait3A_113 : memref<1x1x128x128xf32, #tpu.memory_space<hbm>> -> memref<128x128xf32, #tpu.memory_space<hbm>>
    tpu.wait_dma2 semaphore(%arg13 : memref<!tpu.dma_semaphore, #tpu.memory_space<semaphore_mem>>) src(%dma_wait3A_114 : memref<128x128xf32, #tpu.memory_space<hbm>>) dst(%arg7 : memref<128x128xf32, #tpu.memory_space<vmem>>)
    %scan3A_115 = arith.constant 0 : i32
    %scan3A_116 = arith.constant 128 : i32
    %scan3A_117 = arith.addi %scan3A_115, %scan3A_116 : i32
    %scan3A_118 = arith.constant 1 : i32
    %scan3A_119:16 = scf.for %scan3A_583 = %scan3A_115 to %scan3A_117 step %scan3A_118 iter_args(%scan3A_584 = %mul3A_33, %scan3A_585 = %mul3A_33, %scan3A_586 = %mul3A_33, %scan3A_587 = %mul3A_33, %scan3A_588 = %mul3A_33, %scan3A_589 = %mul3A_33, %scan3A_590 = %mul3A_33, %scan3A_591 = %mul3A_33, %scan3A_592 = %lt3A_45, %scan3A_593 = %lt3A_48, %scan3A_594 = %lt3A_51, %scan3A_595 = %lt3A_54, %scan3A_596 = %lt3A_57, %scan3A_597 = %lt3A_60, %scan3A_598 = %lt3A_63, %scan3A_599 = %lt3A_66) -> (vector<16xi32>, vector<16xi32>, vector<16xi32>, vector<16xi32>, vector<16xi32>, vector<16xi32>, vector<16xi32>, vector<16xi32>, vector<16xi1>, vector<16xi1>, vector<16xi1>, vector<16xi1>, vector<16xi1>, vector<16xi1>, vector<16xi1>, vector<16xi1>)  : i32 {
      %get3A_600 = arith.index_cast %scan3A_583 : i32 to index
      %get3A_601 = arith.constant 0 : index
      %get3A_602 = tpu.vector_load %arg5[%get3A_600, %get3A_601] {strides = array<i32>} : memref<128x128xf32, #tpu.memory_space<vmem>>, vector<16xf32>,
      %get3A_603 = arith.index_cast %scan3A_583 : i32 to index
      %get3A_604 = arith.constant 0 : index
      %get3A_605 = tpu.vector_load %arg7[%get3A_603, %get3A_604] {strides = array<i32>} : memref<128x128xf32, #tpu.memory_space<vmem>>, vector<16xf32>,
      %mul3A_606 = arith.constant 6.400000e+01 : f32
      %mul3A_607 = vector.broadcast %mul3A_606 : f32 to vector<16xf32>
      %mul3A_608 = arith.mulf %get3A_602, %mul3A_607 : vector<16xf32>
      %add3A_609 = arith.addf %mul3A_608, %get3A_605 : vector<16xf32>
      %convert_element_type3A = arith.fptosi %add3A_609 : vector<16xf32> to vector<16xi32>
      %le3A = arith.constant 6.400000e+01 : f32
      %le3A_610 = vector.broadcast %le3A : f32 to vector<16xf32>
      %le3A_611 = arith.cmpf ole, %add3A_609, %le3A_610 : vector<16xf32>
      %add3A_612 = arith.addi %convert_element_type3A, %mul3A_33 : vector<16xi32>
      %get3A_613 = arith.index_cast %scan3A_583 : i32 to index
      %get3A_614 = arith.constant 16 : index
      %get3A_615 = tpu.vector_load %arg5[%get3A_613, %get3A_614] {strides = array<i32>} : memref<128x128xf32, #tpu.memory_space<vmem>>, vector<16xf32>,
      %get3A_616 = arith.index_cast %scan3A_583 : i32 to index
      %get3A_617 = arith.constant 16 : index
      %get3A_618 = tpu.vector_load %arg7[%get3A_616, %get3A_617] {strides = array<i32>} : memref<128x128xf32, #tpu.memory_space<vmem>>, vector<16xf32>,
      %mul3A_619 = arith.constant 6.400000e+01 : f32
      %mul3A_620 = vector.broadcast %mul3A_619 : f32 to vector<16xf32>
      %mul3A_621 = arith.mulf %get3A_615, %mul3A_620 : vector<16xf32>
      %add3A_622 = arith.addf %mul3A_621, %get3A_618 : vector<16xf32>
      %convert_element_type3A_623 = arith.fptosi %add3A_622 : vector<16xf32> to vector<16xi32>
      %le3A_624 = arith.constant 6.400000e+01 : f32
      %le3A_625 = vector.broadcast %le3A_624 : f32 to vector<16xf32>
      %le3A_626 = arith.cmpf ole, %add3A_622, %le3A_625 : vector<16xf32>
      %add3A_627 = arith.addi %convert_element_type3A_623, %mul3A_33 : vector<16xi32>
      %get3A_628 = arith.index_cast %scan3A_583 : i32 to index
      %get3A_629 = arith.constant 32 : index
      %get3A_630 = tpu.vector_load %arg5[%get3A_628, %get3A_629] {strides = array<i32>} : memref<128x128xf32, #tpu.memory_space<vmem>>, vector<16xf32>,
      %get3A_631 = arith.index_cast %scan3A_583 : i32 to index
      %get3A_632 = arith.constant 32 : index
      %get3A_633 = tpu.vector_load %arg7[%get3A_631, %get3A_632] {strides = array<i32>} : memref<128x128xf32, #tpu.memory_space<vmem>>, vector<16xf32>,
      %mul3A_634 = arith.constant 6.400000e+01 : f32
      %mul3A_635 = vector.broadcast %mul3A_634 : f32 to vector<16xf32>
      %mul3A_636 = arith.mulf %get3A_630, %mul3A_635 : vector<16xf32>
      %add3A_637 = arith.addf %mul3A_636, %get3A_633 : vector<16xf32>
      %convert_element_type3A_638 = arith.fptosi %add3A_637 : vector<16xf32> to vector<16xi32>
      %le3A_639 = arith.constant 6.400000e+01 : f32
      %le3A_640 = vector.broadcast %le3A_639 : f32 to vector<16xf32>
      %le3A_641 = arith.cmpf ole, %add3A_637, %le3A_640 : vector<16xf32>
      %add3A_642 = arith.addi %convert_element_type3A_638, %mul3A_33 : vector<16xi32>
      %get3A_643 = arith.index_cast %scan3A_583 : i32 to index
      %get3A_644 = arith.constant 48 : index
      %get3A_645 = tpu.vector_load %arg5[%get3A_643, %get3A_644] {strides = array<i32>} : memref<128x128xf32, #tpu.memory_space<vmem>>, vector<16xf32>,
      %get3A_646 = arith.index_cast %scan3A_583 : i32 to index
      %get3A_647 = arith.constant 48 : index
      %get3A_648 = tpu.vector_load %arg7[%get3A_646, %get3A_647] {strides = array<i32>} : memref<128x128xf32, #tpu.memory_space<vmem>>, vector<16xf32>,
      %mul3A_649 = arith.constant 6.400000e+01 : f32
      %mul3A_650 = vector.broadcast %mul3A_649 : f32 to vector<16xf32>
      %mul3A_651 = arith.mulf %get3A_645, %mul3A_650 : vector<16xf32>
      %add3A_652 = arith.addf %mul3A_651, %get3A_648 : vector<16xf32>
      %convert_element_type3A_653 = arith.fptosi %add3A_652 : vector<16xf32> to vector<16xi32>
      %le3A_654 = arith.constant 6.400000e+01 : f32
      %le3A_655 = vector.broadcast %le3A_654 : f32 to vector<16xf32>
      %le3A_656 = arith.cmpf ole, %add3A_652, %le3A_655 : vector<16xf32>
      %add3A_657 = arith.addi %convert_element_type3A_653, %mul3A_33 : vector<16xi32>
      %get3A_658 = arith.index_cast %scan3A_583 : i32 to index
      %get3A_659 = arith.constant 64 : index
      %get3A_660 = tpu.vector_load %arg5[%get3A_658, %get3A_659] {strides = array<i32>} : memref<128x128xf32, #tpu.memory_space<vmem>>, vector<16xf32>,
      %get3A_661 = arith.index_cast %scan3A_583 : i32 to index
      %get3A_662 = arith.constant 64 : index
      %get3A_663 = tpu.vector_load %arg7[%get3A_661, %get3A_662] {strides = array<i32>} : memref<128x128xf32, #tpu.memory_space<vmem>>, vector<16xf32>,
      %mul3A_664 = arith.constant 6.400000e+01 : f32
      %mul3A_665 = vector.broadcast %mul3A_664 : f32 to vector<16xf32>
      %mul3A_666 = arith.mulf %get3A_660, %mul3A_665 : vector<16xf32>
      %add3A_667 = arith.addf %mul3A_666, %get3A_663 : vector<16xf32>
      %convert_element_type3A_668 = arith.fptosi %add3A_667 : vector<16xf32> to vector<16xi32>
      %le3A_669 = arith.constant 6.400000e+01 : f32
      %le3A_670 = vector.broadcast %le3A_669 : f32 to vector<16xf32>
      %le3A_671 = arith.cmpf ole, %add3A_667, %le3A_670 : vector<16xf32>
      %add3A_672 = arith.addi %convert_element_type3A_668, %mul3A_33 : vector<16xi32>
      %get3A_673 = arith.index_cast %scan3A_583 : i32 to index
      %get3A_674 = arith.constant 80 : index
      %get3A_675 = tpu.vector_load %arg5[%get3A_673, %get3A_674] {strides = array<i32>} : memref<128x128xf32, #tpu.memory_space<vmem>>, vector<16xf32>,
      %get3A_676 = arith.index_cast %scan3A_583 : i32 to index
      %get3A_677 = arith.constant 80 : index
      %get3A_678 = tpu.vector_load %arg7[%get3A_676, %get3A_677] {strides = array<i32>} : memref<128x128xf32, #tpu.memory_space<vmem>>, vector<16xf32>,
      %mul3A_679 = arith.constant 6.400000e+01 : f32
      %mul3A_680 = vector.broadcast %mul3A_679 : f32 to vector<16xf32>
      %mul3A_681 = arith.mulf %get3A_675, %mul3A_680 : vector<16xf32>
      %add3A_682 = arith.addf %mul3A_681, %get3A_678 : vector<16xf32>
      %convert_element_type3A_683 = arith.fptosi %add3A_682 : vector<16xf32> to vector<16xi32>
      %le3A_684 = arith.constant 6.400000e+01 : f32
      %le3A_685 = vector.broadcast %le3A_684 : f32 to vector<16xf32>
      %le3A_686 = arith.cmpf ole, %add3A_682, %le3A_685 : vector<16xf32>
      %add3A_687 = arith.addi %convert_element_type3A_683, %mul3A_33 : vector<16xi32>
      %get3A_688 = arith.index_cast %scan3A_583 : i32 to index
      %get3A_689 = arith.constant 96 : index
      %get3A_690 = tpu.vector_load %arg5[%get3A_688, %get3A_689] {strides = array<i32>} : memref<128x128xf32, #tpu.memory_space<vmem>>, vector<16xf32>,
      %get3A_691 = arith.index_cast %scan3A_583 : i32 to index
      %get3A_692 = arith.constant 96 : index
      %get3A_693 = tpu.vector_load %arg7[%get3A_691, %get3A_692] {strides = array<i32>} : memref<128x128xf32, #tpu.memory_space<vmem>>, vector<16xf32>,
      %mul3A_694 = arith.constant 6.400000e+01 : f32
      %mul3A_695 = vector.broadcast %mul3A_694 : f32 to vector<16xf32>
      %mul3A_696 = arith.mulf %get3A_690, %mul3A_695 : vector<16xf32>
      %add3A_697 = arith.addf %mul3A_696, %get3A_693 : vector<16xf32>
      %convert_element_type3A_698 = arith.fptosi %add3A_697 : vector<16xf32> to vector<16xi32>
      %le3A_699 = arith.constant 6.400000e+01 : f32
      %le3A_700 = vector.broadcast %le3A_699 : f32 to vector<16xf32>
      %le3A_701 = arith.cmpf ole, %add3A_697, %le3A_700 : vector<16xf32>
      %add3A_702 = arith.addi %convert_element_type3A_698, %mul3A_33 : vector<16xi32>
      %get3A_703 = arith.index_cast %scan3A_583 : i32 to index
      %get3A_704 = arith.constant 112 : index
      %get3A_705 = tpu.vector_load %arg5[%get3A_703, %get3A_704] {strides = array<i32>} : memref<128x128xf32, #tpu.memory_space<vmem>>, vector<16xf32>,
      %get3A_706 = arith.index_cast %scan3A_583 : i32 to index
      %get3A_707 = arith.constant 112 : index
      %get3A_708 = tpu.vector_load %arg7[%get3A_706, %get3A_707] {strides = array<i32>} : memref<128x128xf32, #tpu.memory_space<vmem>>, vector<16xf32>,
      %mul3A_709 = arith.constant 6.400000e+01 : f32
      %mul3A_710 = vector.broadcast %mul3A_709 : f32 to vector<16xf32>
      %mul3A_711 = arith.mulf %get3A_705, %mul3A_710 : vector<16xf32>
      %add3A_712 = arith.addf %mul3A_711, %get3A_708 : vector<16xf32>
      %convert_element_type3A_713 = arith.fptosi %add3A_712 : vector<16xf32> to vector<16xi32>
      %le3A_714 = arith.constant 6.400000e+01 : f32
      %le3A_715 = vector.broadcast %le3A_714 : f32 to vector<16xf32>
      %le3A_716 = arith.cmpf ole, %add3A_712, %le3A_715 : vector<16xf32>
      %add3A_717 = arith.addi %convert_element_type3A_713, %mul3A_33 : vector<16xi32>
      tpu.vector_store_idx %arg9[%scan3A_584], %broadcast_in_dim3A_34 masked %scan3A_592 {add = true} : memref<1040xf32, #tpu.memory_space<vmem>>[vector<16xi32>], vector<16xf32>, vector<16xi1>
      tpu.vector_store_idx %arg9[%scan3A_585], %broadcast_in_dim3A_34 masked %scan3A_593 {add = true} : memref<1040xf32, #tpu.memory_space<vmem>>[vector<16xi32>], vector<16xf32>, vector<16xi1>
      tpu.vector_store_idx %arg9[%scan3A_586], %broadcast_in_dim3A_34 masked %scan3A_594 {add = true} : memref<1040xf32, #tpu.memory_space<vmem>>[vector<16xi32>], vector<16xf32>, vector<16xi1>
      tpu.vector_store_idx %arg9[%scan3A_587], %broadcast_in_dim3A_34 masked %scan3A_595 {add = true} : memref<1040xf32, #tpu.memory_space<vmem>>[vector<16xi32>], vector<16xf32>, vector<16xi1>
      tpu.vector_store_idx %arg9[%scan3A_588], %broadcast_in_dim3A_34 masked %scan3A_596 {add = true} : memref<1040xf32, #tpu.memory_space<vmem>>[vector<16xi32>], vector<16xf32>, vector<16xi1>
      tpu.vector_store_idx %arg9[%scan3A_589], %broadcast_in_dim3A_34 masked %scan3A_597 {add = true} : memref<1040xf32, #tpu.memory_space<vmem>>[vector<16xi32>], vector<16xf32>, vector<16xi1>
      tpu.vector_store_idx %arg9[%scan3A_590], %broadcast_in_dim3A_34 masked %scan3A_598 {add = true} : memref<1040xf32, #tpu.memory_space<vmem>>[vector<16xi32>], vector<16xf32>, vector<16xi1>
      tpu.vector_store_idx %arg9[%scan3A_591], %broadcast_in_dim3A_34 masked %scan3A_599 {add = true} : memref<1040xf32, #tpu.memory_space<vmem>>[vector<16xi32>], vector<16xf32>, vector<16xi1>
      scf.yield %add3A_612, %add3A_627, %add3A_642, %add3A_657, %add3A_672, %add3A_687, %add3A_702, %add3A_717, %le3A_611, %le3A_626, %le3A_641, %le3A_656, %le3A_671, %le3A_686, %le3A_701, %le3A_716 : vector<16xi32>, vector<16xi32>, vector<16xi32>, vector<16xi32>, vector<16xi32>, vector<16xi32>, vector<16xi32>, vector<16xi32>, vector<16xi1>, vector<16xi1>, vector<16xi1>, vector<16xi1>, vector<16xi1>, vector<16xi1>, vector<16xi1>, vector<16xi1>
    }
    %scan3A_120 = arith.constant 128 : i32
    %mul3A_121 = arith.constant 256 : i32
    %mul3A_122 = arith.muli %select_n3A_30, %mul3A_121 : i32
    %add3A_123 = arith.constant 0 : i32
    %add3A_124 = arith.addi %mul3A_122, %add3A_123 : i32
    %dma_start3A_125 = arith.constant 0 : i32
    %dma_start3A_126 = arith.constant 256 : i32
    %dma_start3A_127 = tpu.memref_slice %arg2[%select_n3A, %dma_start3A_125, %add3A_124, %dma_start3A_126] : memref<16x1x512x512xf32, #tpu.memory_space<hbm>> -> memref<1x1x128x128xf32, #tpu.memory_space<hbm>>
    %dma_start3A_128 = tpu.memref_squeeze %dma_start3A_127 : memref<1x1x128x128xf32, #tpu.memory_space<hbm>> -> memref<128x128xf32, #tpu.memory_space<hbm>>
    %dma_start3A_129 = arith.constant 256 : i32
    %dma_start3A_130 = tpu.memref_slice %arg2[%select_n3A, %dma_start3A_125, %add3A_124, %dma_start3A_129] : memref<16x1x512x512xf32, #tpu.memory_space<hbm>> -> memref<1x1x128x128xf32, #tpu.memory_space<hbm>>
    %dma_start3A_131 = tpu.memref_squeeze %dma_start3A_130 : memref<1x1x128x128xf32, #tpu.memory_space<hbm>> -> memref<128x128xf32, #tpu.memory_space<hbm>>
    tpu.enqueue_dma source(%dma_start3A_131 : memref<128x128xf32, #tpu.memory_space<hbm>>) target(%arg5 : memref<128x128xf32, #tpu.memory_space<vmem>>) target_semaphore(%arg11 : memref<!tpu.dma_semaphore, #tpu.memory_space<semaphore_mem>>)
    %dma_start3A_132 = arith.constant 0 : i32
    %dma_start3A_133 = arith.constant 256 : i32
    %dma_start3A_134 = tpu.memref_slice %arg3[%select_n3A, %dma_start3A_132, %add3A_124, %dma_start3A_133] : memref<16x1x512x512xf32, #tpu.memory_space<hbm>> -> memref<1x1x128x128xf32, #tpu.memory_space<hbm>>
    %dma_start3A_135 = tpu.memref_squeeze %dma_start3A_134 : memref<1x1x128x128xf32, #tpu.memory_space<hbm>> -> memref<128x128xf32, #tpu.memory_space<hbm>>
    %dma_start3A_136 = arith.constant 256 : i32
    %dma_start3A_137 = tpu.memref_slice %arg3[%select_n3A, %dma_start3A_132, %add3A_124, %dma_start3A_136] : memref<16x1x512x512xf32, #tpu.memory_space<hbm>> -> memref<1x1x128x128xf32, #tpu.memory_space<hbm>>
    %dma_start3A_138 = tpu.memref_squeeze %dma_start3A_137 : memref<1x1x128x128xf32, #tpu.memory_space<hbm>> -> memref<128x128xf32, #tpu.memory_space<hbm>>
    tpu.enqueue_dma source(%dma_start3A_138 : memref<128x128xf32, #tpu.memory_space<hbm>>) target(%arg7 : memref<128x128xf32, #tpu.memory_space<vmem>>) target_semaphore(%arg13 : memref<!tpu.dma_semaphore, #tpu.memory_space<semaphore_mem>>)
    %dma_wait3A_139 = arith.constant 0 : i32
    %dma_wait3A_140 = arith.constant 128 : i32
    %dma_wait3A_141 = tpu.memref_slice %arg2[%select_n3A, %dma_wait3A_139, %add3A_87, %dma_wait3A_140] : memref<16x1x512x512xf32, #tpu.memory_space<hbm>> -> memref<1x1x128x128xf32, #tpu.memory_space<hbm>>
    %dma_wait3A_142 = tpu.memref_squeeze %dma_wait3A_141 : memref<1x1x128x128xf32, #tpu.memory_space<hbm>> -> memref<128x128xf32, #tpu.memory_space<hbm>>
    %dma_wait3A_143 = arith.constant 128 : i32
    %dma_wait3A_144 = tpu.memref_slice %arg2[%select_n3A, %dma_wait3A_139, %add3A_87, %dma_wait3A_143] : memref<16x1x512x512xf32, #tpu.memory_space<hbm>> -> memref<1x1x128x128xf32, #tpu.memory_space<hbm>>
    %dma_wait3A_145 = tpu.memref_squeeze %dma_wait3A_144 : memref<1x1x128x128xf32, #tpu.memory_space<hbm>> -> memref<128x128xf32, #tpu.memory_space<hbm>>
    tpu.wait_dma2 semaphore(%arg12 : memref<!tpu.dma_semaphore, #tpu.memory_space<semaphore_mem>>) src(%dma_wait3A_145 : memref<128x128xf32, #tpu.memory_space<hbm>>) dst(%arg6 : memref<128x128xf32, #tpu.memory_space<vmem>>)
    %dma_wait3A_146 = arith.constant 0 : i32
    %dma_wait3A_147 = arith.constant 128 : i32
    %dma_wait3A_148 = tpu.memref_slice %arg3[%select_n3A, %dma_wait3A_146, %add3A_87, %dma_wait3A_147] : memref<16x1x512x512xf32, #tpu.memory_space<hbm>> -> memref<1x1x128x128xf32, #tpu.memory_space<hbm>>
    %dma_wait3A_149 = tpu.memref_squeeze %dma_wait3A_148 : memref<1x1x128x128xf32, #tpu.memory_space<hbm>> -> memref<128x128xf32, #tpu.memory_space<hbm>>
    %dma_wait3A_150 = arith.constant 128 : i32
    %dma_wait3A_151 = tpu.memref_slice %arg3[%select_n3A, %dma_wait3A_146, %add3A_87, %dma_wait3A_150] : memref<16x1x512x512xf32, #tpu.memory_space<hbm>> -> memref<1x1x128x128xf32, #tpu.memory_space<hbm>>
    %dma_wait3A_152 = tpu.memref_squeeze %dma_wait3A_151 : memref<1x1x128x128xf32, #tpu.memory_space<hbm>> -> memref<128x128xf32, #tpu.memory_space<hbm>>
    tpu.wait_dma2 semaphore(%arg14 : memref<!tpu.dma_semaphore, #tpu.memory_space<semaphore_mem>>) src(%dma_wait3A_152 : memref<128x128xf32, #tpu.memory_space<hbm>>) dst(%arg8 : memref<128x128xf32, #tpu.memory_space<vmem>>)
    %scan3A_153 = arith.constant 0 : i32
    %scan3A_154 = arith.constant 128 : i32
    %scan3A_155 = arith.addi %scan3A_153, %scan3A_154 : i32
    %scan3A_156 = arith.constant 1 : i32
    %scan3A_157:16 = scf.for %scan3A_583 = %scan3A_153 to %scan3A_155 step %scan3A_156 iter_args(%scan3A_584 = %scan3A_119#0, %scan3A_585 = %scan3A_119#1, %scan3A_586 = %scan3A_119#2, %scan3A_587 = %scan3A_119#3, %scan3A_588 = %scan3A_119#4, %scan3A_589 = %scan3A_119#5, %scan3A_590 = %scan3A_119#6, %scan3A_591 = %scan3A_119#7, %scan3A_592 = %scan3A_119#8, %scan3A_593 = %scan3A_119#9, %scan3A_594 = %scan3A_119#10, %scan3A_595 = %scan3A_119#11, %scan3A_596 = %scan3A_119#12, %scan3A_597 = %scan3A_119#13, %scan3A_598 = %scan3A_119#14, %scan3A_599 = %scan3A_119#15) -> (vector<16xi32>, vector<16xi32>, vector<16xi32>, vector<16xi32>, vector<16xi32>, vector<16xi32>, vector<16xi32>, vector<16xi32>, vector<16xi1>, vector<16xi1>, vector<16xi1>, vector<16xi1>, vector<16xi1>, vector<16xi1>, vector<16xi1>, vector<16xi1>)  : i32 {
      %get3A_600 = arith.index_cast %scan3A_583 : i32 to index
      %get3A_601 = arith.constant 0 : index
      %get3A_602 = tpu.vector_load %arg6[%get3A_600, %get3A_601] {strides = array<i32>} : memref<128x128xf32, #tpu.memory_space<vmem>>, vector<16xf32>,
      %get3A_603 = arith.index_cast %scan3A_583 : i32 to index
      %get3A_604 = arith.constant 0 : index
      %get3A_605 = tpu.vector_load %arg8[%get3A_603, %get3A_604] {strides = array<i32>} : memref<128x128xf32, #tpu.memory_space<vmem>>, vector<16xf32>,
      %mul3A_606 = arith.constant 6.400000e+01 : f32
      %mul3A_607 = vector.broadcast %mul3A_606 : f32 to vector<16xf32>
      %mul3A_608 = arith.mulf %get3A_602, %mul3A_607 : vector<16xf32>
      %add3A_609 = arith.addf %mul3A_608, %get3A_605 : vector<16xf32>
      %convert_element_type3A = arith.fptosi %add3A_609 : vector<16xf32> to vector<16xi32>
      %le3A = arith.constant 6.400000e+01 : f32
      %le3A_610 = vector.broadcast %le3A : f32 to vector<16xf32>
      %le3A_611 = arith.cmpf ole, %add3A_609, %le3A_610 : vector<16xf32>
      %add3A_612 = arith.addi %convert_element_type3A, %mul3A_33 : vector<16xi32>
      %get3A_613 = arith.index_cast %scan3A_583 : i32 to index
      %get3A_614 = arith.constant 16 : index
      %get3A_615 = tpu.vector_load %arg6[%get3A_613, %get3A_614] {strides = array<i32>} : memref<128x128xf32, #tpu.memory_space<vmem>>, vector<16xf32>,
      %get3A_616 = arith.index_cast %scan3A_583 : i32 to index
      %get3A_617 = arith.constant 16 : index
      %get3A_618 = tpu.vector_load %arg8[%get3A_616, %get3A_617] {strides = array<i32>} : memref<128x128xf32, #tpu.memory_space<vmem>>, vector<16xf32>,
      %mul3A_619 = arith.constant 6.400000e+01 : f32
      %mul3A_620 = vector.broadcast %mul3A_619 : f32 to vector<16xf32>
      %mul3A_621 = arith.mulf %get3A_615, %mul3A_620 : vector<16xf32>
      %add3A_622 = arith.addf %mul3A_621, %get3A_618 : vector<16xf32>
      %convert_element_type3A_623 = arith.fptosi %add3A_622 : vector<16xf32> to vector<16xi32>
      %le3A_624 = arith.constant 6.400000e+01 : f32
      %le3A_625 = vector.broadcast %le3A_624 : f32 to vector<16xf32>
      %le3A_626 = arith.cmpf ole, %add3A_622, %le3A_625 : vector<16xf32>
      %add3A_627 = arith.addi %convert_element_type3A_623, %mul3A_33 : vector<16xi32>
      %get3A_628 = arith.index_cast %scan3A_583 : i32 to index
      %get3A_629 = arith.constant 32 : index
      %get3A_630 = tpu.vector_load %arg6[%get3A_628, %get3A_629] {strides = array<i32>} : memref<128x128xf32, #tpu.memory_space<vmem>>, vector<16xf32>,
      %get3A_631 = arith.index_cast %scan3A_583 : i32 to index
      %get3A_632 = arith.constant 32 : index
      %get3A_633 = tpu.vector_load %arg8[%get3A_631, %get3A_632] {strides = array<i32>} : memref<128x128xf32, #tpu.memory_space<vmem>>, vector<16xf32>,
      %mul3A_634 = arith.constant 6.400000e+01 : f32
      %mul3A_635 = vector.broadcast %mul3A_634 : f32 to vector<16xf32>
      %mul3A_636 = arith.mulf %get3A_630, %mul3A_635 : vector<16xf32>
      %add3A_637 = arith.addf %mul3A_636, %get3A_633 : vector<16xf32>
      %convert_element_type3A_638 = arith.fptosi %add3A_637 : vector<16xf32> to vector<16xi32>
      %le3A_639 = arith.constant 6.400000e+01 : f32
      %le3A_640 = vector.broadcast %le3A_639 : f32 to vector<16xf32>
      %le3A_641 = arith.cmpf ole, %add3A_637, %le3A_640 : vector<16xf32>
      %add3A_642 = arith.addi %convert_element_type3A_638, %mul3A_33 : vector<16xi32>
      %get3A_643 = arith.index_cast %scan3A_583 : i32 to index
      %get3A_644 = arith.constant 48 : index
      %get3A_645 = tpu.vector_load %arg6[%get3A_643, %get3A_644] {strides = array<i32>} : memref<128x128xf32, #tpu.memory_space<vmem>>, vector<16xf32>,
      %get3A_646 = arith.index_cast %scan3A_583 : i32 to index
      %get3A_647 = arith.constant 48 : index
      %get3A_648 = tpu.vector_load %arg8[%get3A_646, %get3A_647] {strides = array<i32>} : memref<128x128xf32, #tpu.memory_space<vmem>>, vector<16xf32>,
      %mul3A_649 = arith.constant 6.400000e+01 : f32
      %mul3A_650 = vector.broadcast %mul3A_649 : f32 to vector<16xf32>
      %mul3A_651 = arith.mulf %get3A_645, %mul3A_650 : vector<16xf32>
      %add3A_652 = arith.addf %mul3A_651, %get3A_648 : vector<16xf32>
      %convert_element_type3A_653 = arith.fptosi %add3A_652 : vector<16xf32> to vector<16xi32>
      %le3A_654 = arith.constant 6.400000e+01 : f32
      %le3A_655 = vector.broadcast %le3A_654 : f32 to vector<16xf32>
      %le3A_656 = arith.cmpf ole, %add3A_652, %le3A_655 : vector<16xf32>
      %add3A_657 = arith.addi %convert_element_type3A_653, %mul3A_33 : vector<16xi32>
      %get3A_658 = arith.index_cast %scan3A_583 : i32 to index
      %get3A_659 = arith.constant 64 : index
      %get3A_660 = tpu.vector_load %arg6[%get3A_658, %get3A_659] {strides = array<i32>} : memref<128x128xf32, #tpu.memory_space<vmem>>, vector<16xf32>,
      %get3A_661 = arith.index_cast %scan3A_583 : i32 to index
      %get3A_662 = arith.constant 64 : index
      %get3A_663 = tpu.vector_load %arg8[%get3A_661, %get3A_662] {strides = array<i32>} : memref<128x128xf32, #tpu.memory_space<vmem>>, vector<16xf32>,
      %mul3A_664 = arith.constant 6.400000e+01 : f32
      %mul3A_665 = vector.broadcast %mul3A_664 : f32 to vector<16xf32>
      %mul3A_666 = arith.mulf %get3A_660, %mul3A_665 : vector<16xf32>
      %add3A_667 = arith.addf %mul3A_666, %get3A_663 : vector<16xf32>
      %convert_element_type3A_668 = arith.fptosi %add3A_667 : vector<16xf32> to vector<16xi32>
      %le3A_669 = arith.constant 6.400000e+01 : f32
      %le3A_670 = vector.broadcast %le3A_669 : f32 to vector<16xf32>
      %le3A_671 = arith.cmpf ole, %add3A_667, %le3A_670 : vector<16xf32>
      %add3A_672 = arith.addi %convert_element_type3A_668, %mul3A_33 : vector<16xi32>
      %get3A_673 = arith.index_cast %scan3A_583 : i32 to index
      %get3A_674 = arith.constant 80 : index
      %get3A_675 = tpu.vector_load %arg6[%get3A_673, %get3A_674] {strides = array<i32>} : memref<128x128xf32, #tpu.memory_space<vmem>>, vector<16xf32>,
      %get3A_676 = arith.index_cast %scan3A_583 : i32 to index
      %get3A_677 = arith.constant 80 : index
      %get3A_678 = tpu.vector_load %arg8[%get3A_676, %get3A_677] {strides = array<i32>} : memref<128x128xf32, #tpu.memory_space<vmem>>, vector<16xf32>,
      %mul3A_679 = arith.constant 6.400000e+01 : f32
      %mul3A_680 = vector.broadcast %mul3A_679 : f32 to vector<16xf32>
      %mul3A_681 = arith.mulf %get3A_675, %mul3A_680 : vector<16xf32>
      %add3A_682 = arith.addf %mul3A_681, %get3A_678 : vector<16xf32>
      %convert_element_type3A_683 = arith.fptosi %add3A_682 : vector<16xf32> to vector<16xi32>
      %le3A_684 = arith.constant 6.400000e+01 : f32
      %le3A_685 = vector.broadcast %le3A_684 : f32 to vector<16xf32>
      %le3A_686 = arith.cmpf ole, %add3A_682, %le3A_685 : vector<16xf32>
      %add3A_687 = arith.addi %convert_element_type3A_683, %mul3A_33 : vector<16xi32>
      %get3A_688 = arith.index_cast %scan3A_583 : i32 to index
      %get3A_689 = arith.constant 96 : index
      %get3A_690 = tpu.vector_load %arg6[%get3A_688, %get3A_689] {strides = array<i32>} : memref<128x128xf32, #tpu.memory_space<vmem>>, vector<16xf32>,
      %get3A_691 = arith.index_cast %scan3A_583 : i32 to index
      %get3A_692 = arith.constant 96 : index
      %get3A_693 = tpu.vector_load %arg8[%get3A_691, %get3A_692] {strides = array<i32>} : memref<128x128xf32, #tpu.memory_space<vmem>>, vector<16xf32>,
      %mul3A_694 = arith.constant 6.400000e+01 : f32
      %mul3A_695 = vector.broadcast %mul3A_694 : f32 to vector<16xf32>
      %mul3A_696 = arith.mulf %get3A_690, %mul3A_695 : vector<16xf32>
      %add3A_697 = arith.addf %mul3A_696, %get3A_693 : vector<16xf32>
      %convert_element_type3A_698 = arith.fptosi %add3A_697 : vector<16xf32> to vector<16xi32>
      %le3A_699 = arith.constant 6.400000e+01 : f32
      %le3A_700 = vector.broadcast %le3A_699 : f32 to vector<16xf32>
      %le3A_701 = arith.cmpf ole, %add3A_697, %le3A_700 : vector<16xf32>
      %add3A_702 = arith.addi %convert_element_type3A_698, %mul3A_33 : vector<16xi32>
      %get3A_703 = arith.index_cast %scan3A_583 : i32 to index
      %get3A_704 = arith.constant 112 : index
      %get3A_705 = tpu.vector_load %arg6[%get3A_703, %get3A_704] {strides = array<i32>} : memref<128x128xf32, #tpu.memory_space<vmem>>, vector<16xf32>,
      %get3A_706 = arith.index_cast %scan3A_583 : i32 to index
      %get3A_707 = arith.constant 112 : index
      %get3A_708 = tpu.vector_load %arg8[%get3A_706, %get3A_707] {strides = array<i32>} : memref<128x128xf32, #tpu.memory_space<vmem>>, vector<16xf32>,
      %mul3A_709 = arith.constant 6.400000e+01 : f32
      %mul3A_710 = vector.broadcast %mul3A_709 : f32 to vector<16xf32>
      %mul3A_711 = arith.mulf %get3A_705, %mul3A_710 : vector<16xf32>
      %add3A_712 = arith.addf %mul3A_711, %get3A_708 : vector<16xf32>
      %convert_element_type3A_713 = arith.fptosi %add3A_712 : vector<16xf32> to vector<16xi32>
      %le3A_714 = arith.constant 6.400000e+01 : f32
      %le3A_715 = vector.broadcast %le3A_714 : f32 to vector<16xf32>
      %le3A_716 = arith.cmpf ole, %add3A_712, %le3A_715 : vector<16xf32>
      %add3A_717 = arith.addi %convert_element_type3A_713, %mul3A_33 : vector<16xi32>
      tpu.vector_store_idx %arg9[%scan3A_584], %broadcast_in_dim3A_34 masked %scan3A_592 {add = true} : memref<1040xf32, #tpu.memory_space<vmem>>[vector<16xi32>], vector<16xf32>, vector<16xi1>
      tpu.vector_store_idx %arg9[%scan3A_585], %broadcast_in_dim3A_34 masked %scan3A_593 {add = true} : memref<1040xf32, #tpu.memory_space<vmem>>[vector<16xi32>], vector<16xf32>, vector<16xi1>
      tpu.vector_store_idx %arg9[%scan3A_586], %broadcast_in_dim3A_34 masked %scan3A_594 {add = true} : memref<1040xf32, #tpu.memory_space<vmem>>[vector<16xi32>], vector<16xf32>, vector<16xi1>
      tpu.vector_store_idx %arg9[%scan3A_587], %broadcast_in_dim3A_34 masked %scan3A_595 {add = true} : memref<1040xf32, #tpu.memory_space<vmem>>[vector<16xi32>], vector<16xf32>, vector<16xi1>
      tpu.vector_store_idx %arg9[%scan3A_588], %broadcast_in_dim3A_34 masked %scan3A_596 {add = true} : memref<1040xf32, #tpu.memory_space<vmem>>[vector<16xi32>], vector<16xf32>, vector<16xi1>
      tpu.vector_store_idx %arg9[%scan3A_589], %broadcast_in_dim3A_34 masked %scan3A_597 {add = true} : memref<1040xf32, #tpu.memory_space<vmem>>[vector<16xi32>], vector<16xf32>, vector<16xi1>
      tpu.vector_store_idx %arg9[%scan3A_590], %broadcast_in_dim3A_34 masked %scan3A_598 {add = true} : memref<1040xf32, #tpu.memory_space<vmem>>[vector<16xi32>], vector<16xf32>, vector<16xi1>
      tpu.vector_store_idx %arg9[%scan3A_591], %broadcast_in_dim3A_34 masked %scan3A_599 {add = true} : memref<1040xf32, #tpu.memory_space<vmem>>[vector<16xi32>], vector<16xf32>, vector<16xi1>
      scf.yield %add3A_612, %add3A_627, %add3A_642, %add3A_657, %add3A_672, %add3A_687, %add3A_702, %add3A_717, %le3A_611, %le3A_626, %le3A_641, %le3A_656, %le3A_671, %le3A_686, %le3A_701, %le3A_716 : vector<16xi32>, vector<16xi32>, vector<16xi32>, vector<16xi32>, vector<16xi32>, vector<16xi32>, vector<16xi32>, vector<16xi32>, vector<16xi1>, vector<16xi1>, vector<16xi1>, vector<16xi1>, vector<16xi1>, vector<16xi1>, vector<16xi1>, vector<16xi1>
    }
    %scan3A_158 = arith.constant 128 : i32
    %mul3A_159 = arith.constant 256 : i32
    %mul3A_160 = arith.muli %select_n3A_30, %mul3A_159 : i32
    %add3A_161 = arith.constant 0 : i32
    %add3A_162 = arith.addi %mul3A_160, %add3A_161 : i32
    %dma_start3A_163 = arith.constant 0 : i32
    %dma_start3A_164 = arith.constant 384 : i32
    %dma_start3A_165 = tpu.memref_slice %arg2[%select_n3A, %dma_start3A_163, %add3A_162, %dma_start3A_164] : memref<16x1x512x512xf32, #tpu.memory_space<hbm>> -> memref<1x1x128x128xf32, #tpu.memory_space<hbm>>
    %dma_start3A_166 = tpu.memref_squeeze %dma_start3A_165 : memref<1x1x128x128xf32, #tpu.memory_space<hbm>> -> memref<128x128xf32, #tpu.memory_space<hbm>>
    %dma_start3A_167 = arith.constant 384 : i32
    %dma_start3A_168 = tpu.memref_slice %arg2[%select_n3A, %dma_start3A_163, %add3A_162, %dma_start3A_167] : memref<16x1x512x512xf32, #tpu.memory_space<hbm>> -> memref<1x1x128x128xf32, #tpu.memory_space<hbm>>
    %dma_start3A_169 = tpu.memref_squeeze %dma_start3A_168 : memref<1x1x128x128xf32, #tpu.memory_space<hbm>> -> memref<128x128xf32, #tpu.memory_space<hbm>>
    tpu.enqueue_dma source(%dma_start3A_169 : memref<128x128xf32, #tpu.memory_space<hbm>>) target(%arg6 : memref<128x128xf32, #tpu.memory_space<vmem>>) target_semaphore(%arg12 : memref<!tpu.dma_semaphore, #tpu.memory_space<semaphore_mem>>)
    %dma_start3A_170 = arith.constant 0 : i32
    %dma_start3A_171 = arith.constant 384 : i32
    %dma_start3A_172 = tpu.memref_slice %arg3[%select_n3A, %dma_start3A_170, %add3A_162, %dma_start3A_171] : memref<16x1x512x512xf32, #tpu.memory_space<hbm>> -> memref<1x1x128x128xf32, #tpu.memory_space<hbm>>
    %dma_start3A_173 = tpu.memref_squeeze %dma_start3A_172 : memref<1x1x128x128xf32, #tpu.memory_space<hbm>> -> memref<128x128xf32, #tpu.memory_space<hbm>>
    %dma_start3A_174 = arith.constant 384 : i32
    %dma_start3A_175 = tpu.memref_slice %arg3[%select_n3A, %dma_start3A_170, %add3A_162, %dma_start3A_174] : memref<16x1x512x512xf32, #tpu.memory_space<hbm>> -> memref<1x1x128x128xf32, #tpu.memory_space<hbm>>
    %dma_start3A_176 = tpu.memref_squeeze %dma_start3A_175 : memref<1x1x128x128xf32, #tpu.memory_space<hbm>> -> memref<128x128xf32, #tpu.memory_space<hbm>>
    tpu.enqueue_dma source(%dma_start3A_176 : memref<128x128xf32, #tpu.memory_space<hbm>>) target(%arg8 : memref<128x128xf32, #tpu.memory_space<vmem>>) target_semaphore(%arg14 : memref<!tpu.dma_semaphore, #tpu.memory_space<semaphore_mem>>)
    %dma_wait3A_177 = arith.constant 0 : i32
    %dma_wait3A_178 = arith.constant 256 : i32
    %dma_wait3A_179 = tpu.memref_slice %arg2[%select_n3A, %dma_wait3A_177, %add3A_124, %dma_wait3A_178] : memref<16x1x512x512xf32, #tpu.memory_space<hbm>> -> memref<1x1x128x128xf32, #tpu.memory_space<hbm>>
    %dma_wait3A_180 = tpu.memref_squeeze %dma_wait3A_179 : memref<1x1x128x128xf32, #tpu.memory_space<hbm>> -> memref<128x128xf32, #tpu.memory_space<hbm>>
    %dma_wait3A_181 = arith.constant 256 : i32
    %dma_wait3A_182 = tpu.memref_slice %arg2[%select_n3A, %dma_wait3A_177, %add3A_124, %dma_wait3A_181] : memref<16x1x512x512xf32, #tpu.memory_space<hbm>> -> memref<1x1x128x128xf32, #tpu.memory_space<hbm>>
    %dma_wait3A_183 = tpu.memref_squeeze %dma_wait3A_182 : memref<1x1x128x128xf32, #tpu.memory_space<hbm>> -> memref<128x128xf32, #tpu.memory_space<hbm>>
    tpu.wait_dma2 semaphore(%arg11 : memref<!tpu.dma_semaphore, #tpu.memory_space<semaphore_mem>>) src(%dma_wait3A_183 : memref<128x128xf32, #tpu.memory_space<hbm>>) dst(%arg5 : memref<128x128xf32, #tpu.memory_space<vmem>>)
    %dma_wait3A_184 = arith.constant 0 : i32
    %dma_wait3A_185 = arith.constant 256 : i32
    %dma_wait3A_186 = tpu.memref_slice %arg3[%select_n3A, %dma_wait3A_184, %add3A_124, %dma_wait3A_185] : memref<16x1x512x512xf32, #tpu.memory_space<hbm>> -> memref<1x1x128x128xf32, #tpu.memory_space<hbm>>
    %dma_wait3A_187 = tpu.memref_squeeze %dma_wait3A_186 : memref<1x1x128x128xf32, #tpu.memory_space<hbm>> -> memref<128x128xf32, #tpu.memory_space<hbm>>
    %dma_wait3A_188 = arith.constant 256 : i32
    %dma_wait3A_189 = tpu.memref_slice %arg3[%select_n3A, %dma_wait3A_184, %add3A_124, %dma_wait3A_188] : memref<16x1x512x512xf32, #tpu.memory_space<hbm>> -> memref<1x1x128x128xf32, #tpu.memory_space<hbm>>
    %dma_wait3A_190 = tpu.memref_squeeze %dma_wait3A_189 : memref<1x1x128x128xf32, #tpu.memory_space<hbm>> -> memref<128x128xf32, #tpu.memory_space<hbm>>
    tpu.wait_dma2 semaphore(%arg13 : memref<!tpu.dma_semaphore, #tpu.memory_space<semaphore_mem>>) src(%dma_wait3A_190 : memref<128x128xf32, #tpu.memory_space<hbm>>) dst(%arg7 : memref<128x128xf32, #tpu.memory_space<vmem>>)
    %scan3A_191 = arith.constant 0 : i32
    %scan3A_192 = arith.constant 128 : i32
    %scan3A_193 = arith.addi %scan3A_191, %scan3A_192 : i32
    %scan3A_194 = arith.constant 1 : i32
    %scan3A_195:16 = scf.for %scan3A_583 = %scan3A_191 to %scan3A_193 step %scan3A_194 iter_args(%scan3A_584 = %scan3A_157#0, %scan3A_585 = %scan3A_157#1, %scan3A_586 = %scan3A_157#2, %scan3A_587 = %scan3A_157#3, %scan3A_588 = %scan3A_157#4, %scan3A_589 = %scan3A_157#5, %scan3A_590 = %scan3A_157#6, %scan3A_591 = %scan3A_157#7, %scan3A_592 = %scan3A_157#8, %scan3A_593 = %scan3A_157#9, %scan3A_594 = %scan3A_157#10, %scan3A_595 = %scan3A_157#11, %scan3A_596 = %scan3A_157#12, %scan3A_597 = %scan3A_157#13, %scan3A_598 = %scan3A_157#14, %scan3A_599 = %scan3A_157#15) -> (vector<16xi32>, vector<16xi32>, vector<16xi32>, vector<16xi32>, vector<16xi32>, vector<16xi32>, vector<16xi32>, vector<16xi32>, vector<16xi1>, vector<16xi1>, vector<16xi1>, vector<16xi1>, vector<16xi1>, vector<16xi1>, vector<16xi1>, vector<16xi1>)  : i32 {
      %get3A_600 = arith.index_cast %scan3A_583 : i32 to index
      %get3A_601 = arith.constant 0 : index
      %get3A_602 = tpu.vector_load %arg5[%get3A_600, %get3A_601] {strides = array<i32>} : memref<128x128xf32, #tpu.memory_space<vmem>>, vector<16xf32>,
      %get3A_603 = arith.index_cast %scan3A_583 : i32 to index
      %get3A_604 = arith.constant 0 : index
      %get3A_605 = tpu.vector_load %arg7[%get3A_603, %get3A_604] {strides = array<i32>} : memref<128x128xf32, #tpu.memory_space<vmem>>, vector<16xf32>,
      %mul3A_606 = arith.constant 6.400000e+01 : f32
      %mul3A_607 = vector.broadcast %mul3A_606 : f32 to vector<16xf32>
      %mul3A_608 = arith.mulf %get3A_602, %mul3A_607 : vector<16xf32>
      %add3A_609 = arith.addf %mul3A_608, %get3A_605 : vector<16xf32>
      %convert_element_type3A = arith.fptosi %add3A_609 : vector<16xf32> to vector<16xi32>
      %le3A = arith.constant 6.400000e+01 : f32
      %le3A_610 = vector.broadcast %le3A : f32 to vector<16xf32>
      %le3A_611 = arith.cmpf ole, %add3A_609, %le3A_610 : vector<16xf32>
      %add3A_612 = arith.addi %convert_element_type3A, %mul3A_33 : vector<16xi32>
      %get3A_613 = arith.index_cast %scan3A_583 : i32 to index
      %get3A_614 = arith.constant 16 : index
      %get3A_615 = tpu.vector_load %arg5[%get3A_613, %get3A_614] {strides = array<i32>} : memref<128x128xf32, #tpu.memory_space<vmem>>, vector<16xf32>,
      %get3A_616 = arith.index_cast %scan3A_583 : i32 to index
      %get3A_617 = arith.constant 16 : index
      %get3A_618 = tpu.vector_load %arg7[%get3A_616, %get3A_617] {strides = array<i32>} : memref<128x128xf32, #tpu.memory_space<vmem>>, vector<16xf32>,
      %mul3A_619 = arith.constant 6.400000e+01 : f32
      %mul3A_620 = vector.broadcast %mul3A_619 : f32 to vector<16xf32>
      %mul3A_621 = arith.mulf %get3A_615, %mul3A_620 : vector<16xf32>
      %add3A_622 = arith.addf %mul3A_621, %get3A_618 : vector<16xf32>
      %convert_element_type3A_623 = arith.fptosi %add3A_622 : vector<16xf32> to vector<16xi32>
      %le3A_624 = arith.constant 6.400000e+01 : f32
      %le3A_625 = vector.broadcast %le3A_624 : f32 to vector<16xf32>
      %le3A_626 = arith.cmpf ole, %add3A_622, %le3A_625 : vector<16xf32>
      %add3A_627 = arith.addi %convert_element_type3A_623, %mul3A_33 : vector<16xi32>
      %get3A_628 = arith.index_cast %scan3A_583 : i32 to index
      %get3A_629 = arith.constant 32 : index
      %get3A_630 = tpu.vector_load %arg5[%get3A_628, %get3A_629] {strides = array<i32>} : memref<128x128xf32, #tpu.memory_space<vmem>>, vector<16xf32>,
      %get3A_631 = arith.index_cast %scan3A_583 : i32 to index
      %get3A_632 = arith.constant 32 : index
      %get3A_633 = tpu.vector_load %arg7[%get3A_631, %get3A_632] {strides = array<i32>} : memref<128x128xf32, #tpu.memory_space<vmem>>, vector<16xf32>,
      %mul3A_634 = arith.constant 6.400000e+01 : f32
      %mul3A_635 = vector.broadcast %mul3A_634 : f32 to vector<16xf32>
      %mul3A_636 = arith.mulf %get3A_630, %mul3A_635 : vector<16xf32>
      %add3A_637 = arith.addf %mul3A_636, %get3A_633 : vector<16xf32>
      %convert_element_type3A_638 = arith.fptosi %add3A_637 : vector<16xf32> to vector<16xi32>
      %le3A_639 = arith.constant 6.400000e+01 : f32
      %le3A_640 = vector.broadcast %le3A_639 : f32 to vector<16xf32>
      %le3A_641 = arith.cmpf ole, %add3A_637, %le3A_640 : vector<16xf32>
      %add3A_642 = arith.addi %convert_element_type3A_638, %mul3A_33 : vector<16xi32>
      %get3A_643 = arith.index_cast %scan3A_583 : i32 to index
      %get3A_644 = arith.constant 48 : index
      %get3A_645 = tpu.vector_load %arg5[%get3A_643, %get3A_644] {strides = array<i32>} : memref<128x128xf32, #tpu.memory_space<vmem>>, vector<16xf32>,
      %get3A_646 = arith.index_cast %scan3A_583 : i32 to index
      %get3A_647 = arith.constant 48 : index
      %get3A_648 = tpu.vector_load %arg7[%get3A_646, %get3A_647] {strides = array<i32>} : memref<128x128xf32, #tpu.memory_space<vmem>>, vector<16xf32>,
      %mul3A_649 = arith.constant 6.400000e+01 : f32
      %mul3A_650 = vector.broadcast %mul3A_649 : f32 to vector<16xf32>
      %mul3A_651 = arith.mulf %get3A_645, %mul3A_650 : vector<16xf32>
      %add3A_652 = arith.addf %mul3A_651, %get3A_648 : vector<16xf32>
      %convert_element_type3A_653 = arith.fptosi %add3A_652 : vector<16xf32> to vector<16xi32>
      %le3A_654 = arith.constant 6.400000e+01 : f32
      %le3A_655 = vector.broadcast %le3A_654 : f32 to vector<16xf32>
      %le3A_656 = arith.cmpf ole, %add3A_652, %le3A_655 : vector<16xf32>
      %add3A_657 = arith.addi %convert_element_type3A_653, %mul3A_33 : vector<16xi32>
      %get3A_658 = arith.index_cast %scan3A_583 : i32 to index
      %get3A_659 = arith.constant 64 : index
      %get3A_660 = tpu.vector_load %arg5[%get3A_658, %get3A_659] {strides = array<i32>} : memref<128x128xf32, #tpu.memory_space<vmem>>, vector<16xf32>,
      %get3A_661 = arith.index_cast %scan3A_583 : i32 to index
      %get3A_662 = arith.constant 64 : index
      %get3A_663 = tpu.vector_load %arg7[%get3A_661, %get3A_662] {strides = array<i32>} : memref<128x128xf32, #tpu.memory_space<vmem>>, vector<16xf32>,
      %mul3A_664 = arith.constant 6.400000e+01 : f32
      %mul3A_665 = vector.broadcast %mul3A_664 : f32 to vector<16xf32>
      %mul3A_666 = arith.mulf %get3A_660, %mul3A_665 : vector<16xf32>
      %add3A_667 = arith.addf %mul3A_666, %get3A_663 : vector<16xf32>
      %convert_element_type3A_668 = arith.fptosi %add3A_667 : vector<16xf32> to vector<16xi32>
      %le3A_669 = arith.constant 6.400000e+01 : f32
      %le3A_670 = vector.broadcast %le3A_669 : f32 to vector<16xf32>
      %le3A_671 = arith.cmpf ole, %add3A_667, %le3A_670 : vector<16xf32>
      %add3A_672 = arith.addi %convert_element_type3A_668, %mul3A_33 : vector<16xi32>
      %get3A_673 = arith.index_cast %scan3A_583 : i32 to index
      %get3A_674 = arith.constant 80 : index
      %get3A_675 = tpu.vector_load %arg5[%get3A_673, %get3A_674] {strides = array<i32>} : memref<128x128xf32, #tpu.memory_space<vmem>>, vector<16xf32>,
      %get3A_676 = arith.index_cast %scan3A_583 : i32 to index
      %get3A_677 = arith.constant 80 : index
      %get3A_678 = tpu.vector_load %arg7[%get3A_676, %get3A_677] {strides = array<i32>} : memref<128x128xf32, #tpu.memory_space<vmem>>, vector<16xf32>,
      %mul3A_679 = arith.constant 6.400000e+01 : f32
      %mul3A_680 = vector.broadcast %mul3A_679 : f32 to vector<16xf32>
      %mul3A_681 = arith.mulf %get3A_675, %mul3A_680 : vector<16xf32>
      %add3A_682 = arith.addf %mul3A_681, %get3A_678 : vector<16xf32>
      %convert_element_type3A_683 = arith.fptosi %add3A_682 : vector<16xf32> to vector<16xi32>
      %le3A_684 = arith.constant 6.400000e+01 : f32
      %le3A_685 = vector.broadcast %le3A_684 : f32 to vector<16xf32>
      %le3A_686 = arith.cmpf ole, %add3A_682, %le3A_685 : vector<16xf32>
      %add3A_687 = arith.addi %convert_element_type3A_683, %mul3A_33 : vector<16xi32>
      %get3A_688 = arith.index_cast %scan3A_583 : i32 to index
      %get3A_689 = arith.constant 96 : index
      %get3A_690 = tpu.vector_load %arg5[%get3A_688, %get3A_689] {strides = array<i32>} : memref<128x128xf32, #tpu.memory_space<vmem>>, vector<16xf32>,
      %get3A_691 = arith.index_cast %scan3A_583 : i32 to index
      %get3A_692 = arith.constant 96 : index
      %get3A_693 = tpu.vector_load %arg7[%get3A_691, %get3A_692] {strides = array<i32>} : memref<128x128xf32, #tpu.memory_space<vmem>>, vector<16xf32>,
      %mul3A_694 = arith.constant 6.400000e+01 : f32
      %mul3A_695 = vector.broadcast %mul3A_694 : f32 to vector<16xf32>
      %mul3A_696 = arith.mulf %get3A_690, %mul3A_695 : vector<16xf32>
      %add3A_697 = arith.addf %mul3A_696, %get3A_693 : vector<16xf32>
      %convert_element_type3A_698 = arith.fptosi %add3A_697 : vector<16xf32> to vector<16xi32>
      %le3A_699 = arith.constant 6.400000e+01 : f32
      %le3A_700 = vector.broadcast %le3A_699 : f32 to vector<16xf32>
      %le3A_701 = arith.cmpf ole, %add3A_697, %le3A_700 : vector<16xf32>
      %add3A_702 = arith.addi %convert_element_type3A_698, %mul3A_33 : vector<16xi32>
      %get3A_703 = arith.index_cast %scan3A_583 : i32 to index
      %get3A_704 = arith.constant 112 : index
      %get3A_705 = tpu.vector_load %arg5[%get3A_703, %get3A_704] {strides = array<i32>} : memref<128x128xf32, #tpu.memory_space<vmem>>, vector<16xf32>,
      %get3A_706 = arith.index_cast %scan3A_583 : i32 to index
      %get3A_707 = arith.constant 112 : index
      %get3A_708 = tpu.vector_load %arg7[%get3A_706, %get3A_707] {strides = array<i32>} : memref<128x128xf32, #tpu.memory_space<vmem>>, vector<16xf32>,
      %mul3A_709 = arith.constant 6.400000e+01 : f32
      %mul3A_710 = vector.broadcast %mul3A_709 : f32 to vector<16xf32>
      %mul3A_711 = arith.mulf %get3A_705, %mul3A_710 : vector<16xf32>
      %add3A_712 = arith.addf %mul3A_711, %get3A_708 : vector<16xf32>
      %convert_element_type3A_713 = arith.fptosi %add3A_712 : vector<16xf32> to vector<16xi32>
      %le3A_714 = arith.constant 6.400000e+01 : f32
      %le3A_715 = vector.broadcast %le3A_714 : f32 to vector<16xf32>
      %le3A_716 = arith.cmpf ole, %add3A_712, %le3A_715 : vector<16xf32>
      %add3A_717 = arith.addi %convert_element_type3A_713, %mul3A_33 : vector<16xi32>
      tpu.vector_store_idx %arg9[%scan3A_584], %broadcast_in_dim3A_34 masked %scan3A_592 {add = true} : memref<1040xf32, #tpu.memory_space<vmem>>[vector<16xi32>], vector<16xf32>, vector<16xi1>
      tpu.vector_store_idx %arg9[%scan3A_585], %broadcast_in_dim3A_34 masked %scan3A_593 {add = true} : memref<1040xf32, #tpu.memory_space<vmem>>[vector<16xi32>], vector<16xf32>, vector<16xi1>
      tpu.vector_store_idx %arg9[%scan3A_586], %broadcast_in_dim3A_34 masked %scan3A_594 {add = true} : memref<1040xf32, #tpu.memory_space<vmem>>[vector<16xi32>], vector<16xf32>, vector<16xi1>
      tpu.vector_store_idx %arg9[%scan3A_587], %broadcast_in_dim3A_34 masked %scan3A_595 {add = true} : memref<1040xf32, #tpu.memory_space<vmem>>[vector<16xi32>], vector<16xf32>, vector<16xi1>
      tpu.vector_store_idx %arg9[%scan3A_588], %broadcast_in_dim3A_34 masked %scan3A_596 {add = true} : memref<1040xf32, #tpu.memory_space<vmem>>[vector<16xi32>], vector<16xf32>, vector<16xi1>
      tpu.vector_store_idx %arg9[%scan3A_589], %broadcast_in_dim3A_34 masked %scan3A_597 {add = true} : memref<1040xf32, #tpu.memory_space<vmem>>[vector<16xi32>], vector<16xf32>, vector<16xi1>
      tpu.vector_store_idx %arg9[%scan3A_590], %broadcast_in_dim3A_34 masked %scan3A_598 {add = true} : memref<1040xf32, #tpu.memory_space<vmem>>[vector<16xi32>], vector<16xf32>, vector<16xi1>
      tpu.vector_store_idx %arg9[%scan3A_591], %broadcast_in_dim3A_34 masked %scan3A_599 {add = true} : memref<1040xf32, #tpu.memory_space<vmem>>[vector<16xi32>], vector<16xf32>, vector<16xi1>
      scf.yield %add3A_612, %add3A_627, %add3A_642, %add3A_657, %add3A_672, %add3A_687, %add3A_702, %add3A_717, %le3A_611, %le3A_626, %le3A_641, %le3A_656, %le3A_671, %le3A_686, %le3A_701, %le3A_716 : vector<16xi32>, vector<16xi32>, vector<16xi32>, vector<16xi32>, vector<16xi32>, vector<16xi32>, vector<16xi32>, vector<16xi32>, vector<16xi1>, vector<16xi1>, vector<16xi1>, vector<16xi1>, vector<16xi1>, vector<16xi1>, vector<16xi1>, vector<16xi1>
    }
    %scan3A_196 = arith.constant 128 : i32
    %mul3A_197 = arith.constant 256 : i32
    %mul3A_198 = arith.muli %select_n3A_30, %mul3A_197 : i32
    %add3A_199 = arith.constant 128 : i32
    %add3A_200 = arith.addi %mul3A_198, %add3A_199 : i32
    %dma_start3A_201 = arith.constant 0 : i32
    %dma_start3A_202 = arith.constant 0 : i32
    %dma_start3A_203 = tpu.memref_slice %arg2[%select_n3A, %dma_start3A_201, %add3A_200, %dma_start3A_202] : memref<16x1x512x512xf32, #tpu.memory_space<hbm>> -> memref<1x1x128x128xf32, #tpu.memory_space<hbm>>
    %dma_start3A_204 = tpu.memref_squeeze %dma_start3A_203 : memref<1x1x128x128xf32, #tpu.memory_space<hbm>> -> memref<128x128xf32, #tpu.memory_space<hbm>>
    %dma_start3A_205 = arith.constant 0 : i32
    %dma_start3A_206 = tpu.memref_slice %arg2[%select_n3A, %dma_start3A_201, %add3A_200, %dma_start3A_205] : memref<16x1x512x512xf32, #tpu.memory_space<hbm>> -> memref<1x1x128x128xf32, #tpu.memory_space<hbm>>
    %dma_start3A_207 = tpu.memref_squeeze %dma_start3A_206 : memref<1x1x128x128xf32, #tpu.memory_space<hbm>> -> memref<128x128xf32, #tpu.memory_space<hbm>>
    tpu.enqueue_dma source(%dma_start3A_207 : memref<128x128xf32, #tpu.memory_space<hbm>>) target(%arg5 : memref<128x128xf32, #tpu.memory_space<vmem>>) target_semaphore(%arg11 : memref<!tpu.dma_semaphore, #tpu.memory_space<semaphore_mem>>)
    %dma_start3A_208 = arith.constant 0 : i32
    %dma_start3A_209 = arith.constant 0 : i32
    %dma_start3A_210 = tpu.memref_slice %arg3[%select_n3A, %dma_start3A_208, %add3A_200, %dma_start3A_209] : memref<16x1x512x512xf32, #tpu.memory_space<hbm>> -> memref<1x1x128x128xf32, #tpu.memory_space<hbm>>
    %dma_start3A_211 = tpu.memref_squeeze %dma_start3A_210 : memref<1x1x128x128xf32, #tpu.memory_space<hbm>> -> memref<128x128xf32, #tpu.memory_space<hbm>>
    %dma_start3A_212 = arith.constant 0 : i32
    %dma_start3A_213 = tpu.memref_slice %arg3[%select_n3A, %dma_start3A_208, %add3A_200, %dma_start3A_212] : memref<16x1x512x512xf32, #tpu.memory_space<hbm>> -> memref<1x1x128x128xf32, #tpu.memory_space<hbm>>
    %dma_start3A_214 = tpu.memref_squeeze %dma_start3A_213 : memref<1x1x128x128xf32, #tpu.memory_space<hbm>> -> memref<128x128xf32, #tpu.memory_space<hbm>>
    tpu.enqueue_dma source(%dma_start3A_214 : memref<128x128xf32, #tpu.memory_space<hbm>>) target(%arg7 : memref<128x128xf32, #tpu.memory_space<vmem>>) target_semaphore(%arg13 : memref<!tpu.dma_semaphore, #tpu.memory_space<semaphore_mem>>)
    %dma_wait3A_215 = arith.constant 0 : i32
    %dma_wait3A_216 = arith.constant 384 : i32
    %dma_wait3A_217 = tpu.memref_slice %arg2[%select_n3A, %dma_wait3A_215, %add3A_162, %dma_wait3A_216] : memref<16x1x512x512xf32, #tpu.memory_space<hbm>> -> memref<1x1x128x128xf32, #tpu.memory_space<hbm>>
    %dma_wait3A_218 = tpu.memref_squeeze %dma_wait3A_217 : memref<1x1x128x128xf32, #tpu.memory_space<hbm>> -> memref<128x128xf32, #tpu.memory_space<hbm>>
    %dma_wait3A_219 = arith.constant 384 : i32
    %dma_wait3A_220 = tpu.memref_slice %arg2[%select_n3A, %dma_wait3A_215, %add3A_162, %dma_wait3A_219] : memref<16x1x512x512xf32, #tpu.memory_space<hbm>> -> memref<1x1x128x128xf32, #tpu.memory_space<hbm>>
    %dma_wait3A_221 = tpu.memref_squeeze %dma_wait3A_220 : memref<1x1x128x128xf32, #tpu.memory_space<hbm>> -> memref<128x128xf32, #tpu.memory_space<hbm>>
    tpu.wait_dma2 semaphore(%arg12 : memref<!tpu.dma_semaphore, #tpu.memory_space<semaphore_mem>>) src(%dma_wait3A_221 : memref<128x128xf32, #tpu.memory_space<hbm>>) dst(%arg6 : memref<128x128xf32, #tpu.memory_space<vmem>>)
    %dma_wait3A_222 = arith.constant 0 : i32
    %dma_wait3A_223 = arith.constant 384 : i32
    %dma_wait3A_224 = tpu.memref_slice %arg3[%select_n3A, %dma_wait3A_222, %add3A_162, %dma_wait3A_223] : memref<16x1x512x512xf32, #tpu.memory_space<hbm>> -> memref<1x1x128x128xf32, #tpu.memory_space<hbm>>
    %dma_wait3A_225 = tpu.memref_squeeze %dma_wait3A_224 : memref<1x1x128x128xf32, #tpu.memory_space<hbm>> -> memref<128x128xf32, #tpu.memory_space<hbm>>
    %dma_wait3A_226 = arith.constant 384 : i32
    %dma_wait3A_227 = tpu.memref_slice %arg3[%select_n3A, %dma_wait3A_222, %add3A_162, %dma_wait3A_226] : memref<16x1x512x512xf32, #tpu.memory_space<hbm>> -> memref<1x1x128x128xf32, #tpu.memory_space<hbm>>
    %dma_wait3A_228 = tpu.memref_squeeze %dma_wait3A_227 : memref<1x1x128x128xf32, #tpu.memory_space<hbm>> -> memref<128x128xf32, #tpu.memory_space<hbm>>
    tpu.wait_dma2 semaphore(%arg14 : memref<!tpu.dma_semaphore, #tpu.memory_space<semaphore_mem>>) src(%dma_wait3A_228 : memref<128x128xf32, #tpu.memory_space<hbm>>) dst(%arg8 : memref<128x128xf32, #tpu.memory_space<vmem>>)
    %scan3A_229 = arith.constant 0 : i32
    %scan3A_230 = arith.constant 128 : i32
    %scan3A_231 = arith.addi %scan3A_229, %scan3A_230 : i32
    %scan3A_232 = arith.constant 1 : i32
    %scan3A_233:16 = scf.for %scan3A_583 = %scan3A_229 to %scan3A_231 step %scan3A_232 iter_args(%scan3A_584 = %scan3A_195#0, %scan3A_585 = %scan3A_195#1, %scan3A_586 = %scan3A_195#2, %scan3A_587 = %scan3A_195#3, %scan3A_588 = %scan3A_195#4, %scan3A_589 = %scan3A_195#5, %scan3A_590 = %scan3A_195#6, %scan3A_591 = %scan3A_195#7, %scan3A_592 = %scan3A_195#8, %scan3A_593 = %scan3A_195#9, %scan3A_594 = %scan3A_195#10, %scan3A_595 = %scan3A_195#11, %scan3A_596 = %scan3A_195#12, %scan3A_597 = %scan3A_195#13, %scan3A_598 = %scan3A_195#14, %scan3A_599 = %scan3A_195#15) -> (vector<16xi32>, vector<16xi32>, vector<16xi32>, vector<16xi32>, vector<16xi32>, vector<16xi32>, vector<16xi32>, vector<16xi32>, vector<16xi1>, vector<16xi1>, vector<16xi1>, vector<16xi1>, vector<16xi1>, vector<16xi1>, vector<16xi1>, vector<16xi1>)  : i32 {
      %get3A_600 = arith.index_cast %scan3A_583 : i32 to index
      %get3A_601 = arith.constant 0 : index
      %get3A_602 = tpu.vector_load %arg6[%get3A_600, %get3A_601] {strides = array<i32>} : memref<128x128xf32, #tpu.memory_space<vmem>>, vector<16xf32>,
      %get3A_603 = arith.index_cast %scan3A_583 : i32 to index
      %get3A_604 = arith.constant 0 : index
      %get3A_605 = tpu.vector_load %arg8[%get3A_603, %get3A_604] {strides = array<i32>} : memref<128x128xf32, #tpu.memory_space<vmem>>, vector<16xf32>,
      %mul3A_606 = arith.constant 6.400000e+01 : f32
      %mul3A_607 = vector.broadcast %mul3A_606 : f32 to vector<16xf32>
      %mul3A_608 = arith.mulf %get3A_602, %mul3A_607 : vector<16xf32>
      %add3A_609 = arith.addf %mul3A_608, %get3A_605 : vector<16xf32>
      %convert_element_type3A = arith.fptosi %add3A_609 : vector<16xf32> to vector<16xi32>
      %le3A = arith.constant 6.400000e+01 : f32
      %le3A_610 = vector.broadcast %le3A : f32 to vector<16xf32>
      %le3A_611 = arith.cmpf ole, %add3A_609, %le3A_610 : vector<16xf32>
      %add3A_612 = arith.addi %convert_element_type3A, %mul3A_33 : vector<16xi32>
      %get3A_613 = arith.index_cast %scan3A_583 : i32 to index
      %get3A_614 = arith.constant 16 : index
      %get3A_615 = tpu.vector_load %arg6[%get3A_613, %get3A_614] {strides = array<i32>} : memref<128x128xf32, #tpu.memory_space<vmem>>, vector<16xf32>,
      %get3A_616 = arith.index_cast %scan3A_583 : i32 to index
      %get3A_617 = arith.constant 16 : index
      %get3A_618 = tpu.vector_load %arg8[%get3A_616, %get3A_617] {strides = array<i32>} : memref<128x128xf32, #tpu.memory_space<vmem>>, vector<16xf32>,
      %mul3A_619 = arith.constant 6.400000e+01 : f32
      %mul3A_620 = vector.broadcast %mul3A_619 : f32 to vector<16xf32>
      %mul3A_621 = arith.mulf %get3A_615, %mul3A_620 : vector<16xf32>
      %add3A_622 = arith.addf %mul3A_621, %get3A_618 : vector<16xf32>
      %convert_element_type3A_623 = arith.fptosi %add3A_622 : vector<16xf32> to vector<16xi32>
      %le3A_624 = arith.constant 6.400000e+01 : f32
      %le3A_625 = vector.broadcast %le3A_624 : f32 to vector<16xf32>
      %le3A_626 = arith.cmpf ole, %add3A_622, %le3A_625 : vector<16xf32>
      %add3A_627 = arith.addi %convert_element_type3A_623, %mul3A_33 : vector<16xi32>
      %get3A_628 = arith.index_cast %scan3A_583 : i32 to index
      %get3A_629 = arith.constant 32 : index
      %get3A_630 = tpu.vector_load %arg6[%get3A_628, %get3A_629] {strides = array<i32>} : memref<128x128xf32, #tpu.memory_space<vmem>>, vector<16xf32>,
      %get3A_631 = arith.index_cast %scan3A_583 : i32 to index
      %get3A_632 = arith.constant 32 : index
      %get3A_633 = tpu.vector_load %arg8[%get3A_631, %get3A_632] {strides = array<i32>} : memref<128x128xf32, #tpu.memory_space<vmem>>, vector<16xf32>,
      %mul3A_634 = arith.constant 6.400000e+01 : f32
      %mul3A_635 = vector.broadcast %mul3A_634 : f32 to vector<16xf32>
      %mul3A_636 = arith.mulf %get3A_630, %mul3A_635 : vector<16xf32>
      %add3A_637 = arith.addf %mul3A_636, %get3A_633 : vector<16xf32>
      %convert_element_type3A_638 = arith.fptosi %add3A_637 : vector<16xf32> to vector<16xi32>
      %le3A_639 = arith.constant 6.400000e+01 : f32
      %le3A_640 = vector.broadcast %le3A_639 : f32 to vector<16xf32>
      %le3A_641 = arith.cmpf ole, %add3A_637, %le3A_640 : vector<16xf32>
      %add3A_642 = arith.addi %convert_element_type3A_638, %mul3A_33 : vector<16xi32>
      %get3A_643 = arith.index_cast %scan3A_583 : i32 to index
      %get3A_644 = arith.constant 48 : index
      %get3A_645 = tpu.vector_load %arg6[%get3A_643, %get3A_644] {strides = array<i32>} : memref<128x128xf32, #tpu.memory_space<vmem>>, vector<16xf32>,
      %get3A_646 = arith.index_cast %scan3A_583 : i32 to index
      %get3A_647 = arith.constant 48 : index
      %get3A_648 = tpu.vector_load %arg8[%get3A_646, %get3A_647] {strides = array<i32>} : memref<128x128xf32, #tpu.memory_space<vmem>>, vector<16xf32>,
      %mul3A_649 = arith.constant 6.400000e+01 : f32
      %mul3A_650 = vector.broadcast %mul3A_649 : f32 to vector<16xf32>
      %mul3A_651 = arith.mulf %get3A_645, %mul3A_650 : vector<16xf32>
      %add3A_652 = arith.addf %mul3A_651, %get3A_648 : vector<16xf32>
      %convert_element_type3A_653 = arith.fptosi %add3A_652 : vector<16xf32> to vector<16xi32>
      %le3A_654 = arith.constant 6.400000e+01 : f32
      %le3A_655 = vector.broadcast %le3A_654 : f32 to vector<16xf32>
      %le3A_656 = arith.cmpf ole, %add3A_652, %le3A_655 : vector<16xf32>
      %add3A_657 = arith.addi %convert_element_type3A_653, %mul3A_33 : vector<16xi32>
      %get3A_658 = arith.index_cast %scan3A_583 : i32 to index
      %get3A_659 = arith.constant 64 : index
      %get3A_660 = tpu.vector_load %arg6[%get3A_658, %get3A_659] {strides = array<i32>} : memref<128x128xf32, #tpu.memory_space<vmem>>, vector<16xf32>,
      %get3A_661 = arith.index_cast %scan3A_583 : i32 to index
      %get3A_662 = arith.constant 64 : index
      %get3A_663 = tpu.vector_load %arg8[%get3A_661, %get3A_662] {strides = array<i32>} : memref<128x128xf32, #tpu.memory_space<vmem>>, vector<16xf32>,
      %mul3A_664 = arith.constant 6.400000e+01 : f32
      %mul3A_665 = vector.broadcast %mul3A_664 : f32 to vector<16xf32>
      %mul3A_666 = arith.mulf %get3A_660, %mul3A_665 : vector<16xf32>
      %add3A_667 = arith.addf %mul3A_666, %get3A_663 : vector<16xf32>
      %convert_element_type3A_668 = arith.fptosi %add3A_667 : vector<16xf32> to vector<16xi32>
      %le3A_669 = arith.constant 6.400000e+01 : f32
      %le3A_670 = vector.broadcast %le3A_669 : f32 to vector<16xf32>
      %le3A_671 = arith.cmpf ole, %add3A_667, %le3A_670 : vector<16xf32>
      %add3A_672 = arith.addi %convert_element_type3A_668, %mul3A_33 : vector<16xi32>
      %get3A_673 = arith.index_cast %scan3A_583 : i32 to index
      %get3A_674 = arith.constant 80 : index
      %get3A_675 = tpu.vector_load %arg6[%get3A_673, %get3A_674] {strides = array<i32>} : memref<128x128xf32, #tpu.memory_space<vmem>>, vector<16xf32>,
      %get3A_676 = arith.index_cast %scan3A_583 : i32 to index
      %get3A_677 = arith.constant 80 : index
      %get3A_678 = tpu.vector_load %arg8[%get3A_676, %get3A_677] {strides = array<i32>} : memref<128x128xf32, #tpu.memory_space<vmem>>, vector<16xf32>,
      %mul3A_679 = arith.constant 6.400000e+01 : f32
      %mul3A_680 = vector.broadcast %mul3A_679 : f32 to vector<16xf32>
      %mul3A_681 = arith.mulf %get3A_675, %mul3A_680 : vector<16xf32>
      %add3A_682 = arith.addf %mul3A_681, %get3A_678 : vector<16xf32>
      %convert_element_type3A_683 = arith.fptosi %add3A_682 : vector<16xf32> to vector<16xi32>
      %le3A_684 = arith.constant 6.400000e+01 : f32
      %le3A_685 = vector.broadcast %le3A_684 : f32 to vector<16xf32>
      %le3A_686 = arith.cmpf ole, %add3A_682, %le3A_685 : vector<16xf32>
      %add3A_687 = arith.addi %convert_element_type3A_683, %mul3A_33 : vector<16xi32>
      %get3A_688 = arith.index_cast %scan3A_583 : i32 to index
      %get3A_689 = arith.constant 96 : index
      %get3A_690 = tpu.vector_load %arg6[%get3A_688, %get3A_689] {strides = array<i32>} : memref<128x128xf32, #tpu.memory_space<vmem>>, vector<16xf32>,
      %get3A_691 = arith.index_cast %scan3A_583 : i32 to index
      %get3A_692 = arith.constant 96 : index
      %get3A_693 = tpu.vector_load %arg8[%get3A_691, %get3A_692] {strides = array<i32>} : memref<128x128xf32, #tpu.memory_space<vmem>>, vector<16xf32>,
      %mul3A_694 = arith.constant 6.400000e+01 : f32
      %mul3A_695 = vector.broadcast %mul3A_694 : f32 to vector<16xf32>
      %mul3A_696 = arith.mulf %get3A_690, %mul3A_695 : vector<16xf32>
      %add3A_697 = arith.addf %mul3A_696, %get3A_693 : vector<16xf32>
      %convert_element_type3A_698 = arith.fptosi %add3A_697 : vector<16xf32> to vector<16xi32>
      %le3A_699 = arith.constant 6.400000e+01 : f32
      %le3A_700 = vector.broadcast %le3A_699 : f32 to vector<16xf32>
      %le3A_701 = arith.cmpf ole, %add3A_697, %le3A_700 : vector<16xf32>
      %add3A_702 = arith.addi %convert_element_type3A_698, %mul3A_33 : vector<16xi32>
      %get3A_703 = arith.index_cast %scan3A_583 : i32 to index
      %get3A_704 = arith.constant 112 : index
      %get3A_705 = tpu.vector_load %arg6[%get3A_703, %get3A_704] {strides = array<i32>} : memref<128x128xf32, #tpu.memory_space<vmem>>, vector<16xf32>,
      %get3A_706 = arith.index_cast %scan3A_583 : i32 to index
      %get3A_707 = arith.constant 112 : index
      %get3A_708 = tpu.vector_load %arg8[%get3A_706, %get3A_707] {strides = array<i32>} : memref<128x128xf32, #tpu.memory_space<vmem>>, vector<16xf32>,
      %mul3A_709 = arith.constant 6.400000e+01 : f32
      %mul3A_710 = vector.broadcast %mul3A_709 : f32 to vector<16xf32>
      %mul3A_711 = arith.mulf %get3A_705, %mul3A_710 : vector<16xf32>
      %add3A_712 = arith.addf %mul3A_711, %get3A_708 : vector<16xf32>
      %convert_element_type3A_713 = arith.fptosi %add3A_712 : vector<16xf32> to vector<16xi32>
      %le3A_714 = arith.constant 6.400000e+01 : f32
      %le3A_715 = vector.broadcast %le3A_714 : f32 to vector<16xf32>
      %le3A_716 = arith.cmpf ole, %add3A_712, %le3A_715 : vector<16xf32>
      %add3A_717 = arith.addi %convert_element_type3A_713, %mul3A_33 : vector<16xi32>
      tpu.vector_store_idx %arg9[%scan3A_584], %broadcast_in_dim3A_34 masked %scan3A_592 {add = true} : memref<1040xf32, #tpu.memory_space<vmem>>[vector<16xi32>], vector<16xf32>, vector<16xi1>
      tpu.vector_store_idx %arg9[%scan3A_585], %broadcast_in_dim3A_34 masked %scan3A_593 {add = true} : memref<1040xf32, #tpu.memory_space<vmem>>[vector<16xi32>], vector<16xf32>, vector<16xi1>
      tpu.vector_store_idx %arg9[%scan3A_586], %broadcast_in_dim3A_34 masked %scan3A_594 {add = true} : memref<1040xf32, #tpu.memory_space<vmem>>[vector<16xi32>], vector<16xf32>, vector<16xi1>
      tpu.vector_store_idx %arg9[%scan3A_587], %broadcast_in_dim3A_34 masked %scan3A_595 {add = true} : memref<1040xf32, #tpu.memory_space<vmem>>[vector<16xi32>], vector<16xf32>, vector<16xi1>
      tpu.vector_store_idx %arg9[%scan3A_588], %broadcast_in_dim3A_34 masked %scan3A_596 {add = true} : memref<1040xf32, #tpu.memory_space<vmem>>[vector<16xi32>], vector<16xf32>, vector<16xi1>
      tpu.vector_store_idx %arg9[%scan3A_589], %broadcast_in_dim3A_34 masked %scan3A_597 {add = true} : memref<1040xf32, #tpu.memory_space<vmem>>[vector<16xi32>], vector<16xf32>, vector<16xi1>
      tpu.vector_store_idx %arg9[%scan3A_590], %broadcast_in_dim3A_34 masked %scan3A_598 {add = true} : memref<1040xf32, #tpu.memory_space<vmem>>[vector<16xi32>], vector<16xf32>, vector<16xi1>
      tpu.vector_store_idx %arg9[%scan3A_591], %broadcast_in_dim3A_34 masked %scan3A_599 {add = true} : memref<1040xf32, #tpu.memory_space<vmem>>[vector<16xi32>], vector<16xf32>, vector<16xi1>
      scf.yield %add3A_612, %add3A_627, %add3A_642, %add3A_657, %add3A_672, %add3A_687, %add3A_702, %add3A_717, %le3A_611, %le3A_626, %le3A_641, %le3A_656, %le3A_671, %le3A_686, %le3A_701, %le3A_716 : vector<16xi32>, vector<16xi32>, vector<16xi32>, vector<16xi32>, vector<16xi32>, vector<16xi32>, vector<16xi32>, vector<16xi32>, vector<16xi1>, vector<16xi1>, vector<16xi1>, vector<16xi1>, vector<16xi1>, vector<16xi1>, vector<16xi1>, vector<16xi1>
    }
    %scan3A_234 = arith.constant 128 : i32
    %mul3A_235 = arith.constant 256 : i32
    %mul3A_236 = arith.muli %select_n3A_30, %mul3A_235 : i32
    %add3A_237 = arith.constant 128 : i32
    %add3A_238 = arith.addi %mul3A_236, %add3A_237 : i32
    %dma_start3A_239 = arith.constant 0 : i32
    %dma_start3A_240 = arith.constant 128 : i32
    %dma_start3A_241 = tpu.memref_slice %arg2[%select_n3A, %dma_start3A_239, %add3A_238, %dma_start3A_240] : memref<16x1x512x512xf32, #tpu.memory_space<hbm>> -> memref<1x1x128x128xf32, #tpu.memory_space<hbm>>
    %dma_start3A_242 = tpu.memref_squeeze %dma_start3A_241 : memref<1x1x128x128xf32, #tpu.memory_space<hbm>> -> memref<128x128xf32, #tpu.memory_space<hbm>>
    %dma_start3A_243 = arith.constant 128 : i32
    %dma_start3A_244 = tpu.memref_slice %arg2[%select_n3A, %dma_start3A_239, %add3A_238, %dma_start3A_243] : memref<16x1x512x512xf32, #tpu.memory_space<hbm>> -> memref<1x1x128x128xf32, #tpu.memory_space<hbm>>
    %dma_start3A_245 = tpu.memref_squeeze %dma_start3A_244 : memref<1x1x128x128xf32, #tpu.memory_space<hbm>> -> memref<128x128xf32, #tpu.memory_space<hbm>>
    tpu.enqueue_dma source(%dma_start3A_245 : memref<128x128xf32, #tpu.memory_space<hbm>>) target(%arg6 : memref<128x128xf32, #tpu.memory_space<vmem>>) target_semaphore(%arg12 : memref<!tpu.dma_semaphore, #tpu.memory_space<semaphore_mem>>)
    %dma_start3A_246 = arith.constant 0 : i32
    %dma_start3A_247 = arith.constant 128 : i32
    %dma_start3A_248 = tpu.memref_slice %arg3[%select_n3A, %dma_start3A_246, %add3A_238, %dma_start3A_247] : memref<16x1x512x512xf32, #tpu.memory_space<hbm>> -> memref<1x1x128x128xf32, #tpu.memory_space<hbm>>
    %dma_start3A_249 = tpu.memref_squeeze %dma_start3A_248 : memref<1x1x128x128xf32, #tpu.memory_space<hbm>> -> memref<128x128xf32, #tpu.memory_space<hbm>>
    %dma_start3A_250 = arith.constant 128 : i32
    %dma_start3A_251 = tpu.memref_slice %arg3[%select_n3A, %dma_start3A_246, %add3A_238, %dma_start3A_250] : memref<16x1x512x512xf32, #tpu.memory_space<hbm>> -> memref<1x1x128x128xf32, #tpu.memory_space<hbm>>
    %dma_start3A_252 = tpu.memref_squeeze %dma_start3A_251 : memref<1x1x128x128xf32, #tpu.memory_space<hbm>> -> memref<128x128xf32, #tpu.memory_space<hbm>>
    tpu.enqueue_dma source(%dma_start3A_252 : memref<128x128xf32, #tpu.memory_space<hbm>>) target(%arg8 : memref<128x128xf32, #tpu.memory_space<vmem>>) target_semaphore(%arg14 : memref<!tpu.dma_semaphore, #tpu.memory_space<semaphore_mem>>)
    %dma_wait3A_253 = arith.constant 0 : i32
    %dma_wait3A_254 = arith.constant 0 : i32
    %dma_wait3A_255 = tpu.memref_slice %arg2[%select_n3A, %dma_wait3A_253, %add3A_200, %dma_wait3A_254] : memref<16x1x512x512xf32, #tpu.memory_space<hbm>> -> memref<1x1x128x128xf32, #tpu.memory_space<hbm>>
    %dma_wait3A_256 = tpu.memref_squeeze %dma_wait3A_255 : memref<1x1x128x128xf32, #tpu.memory_space<hbm>> -> memref<128x128xf32, #tpu.memory_space<hbm>>
    %dma_wait3A_257 = arith.constant 0 : i32
    %dma_wait3A_258 = tpu.memref_slice %arg2[%select_n3A, %dma_wait3A_253, %add3A_200, %dma_wait3A_257] : memref<16x1x512x512xf32, #tpu.memory_space<hbm>> -> memref<1x1x128x128xf32, #tpu.memory_space<hbm>>
    %dma_wait3A_259 = tpu.memref_squeeze %dma_wait3A_258 : memref<1x1x128x128xf32, #tpu.memory_space<hbm>> -> memref<128x128xf32, #tpu.memory_space<hbm>>
    tpu.wait_dma2 semaphore(%arg11 : memref<!tpu.dma_semaphore, #tpu.memory_space<semaphore_mem>>) src(%dma_wait3A_259 : memref<128x128xf32, #tpu.memory_space<hbm>>) dst(%arg5 : memref<128x128xf32, #tpu.memory_space<vmem>>)
    %dma_wait3A_260 = arith.constant 0 : i32
    %dma_wait3A_261 = arith.constant 0 : i32
    %dma_wait3A_262 = tpu.memref_slice %arg3[%select_n3A, %dma_wait3A_260, %add3A_200, %dma_wait3A_261] : memref<16x1x512x512xf32, #tpu.memory_space<hbm>> -> memref<1x1x128x128xf32, #tpu.memory_space<hbm>>
    %dma_wait3A_263 = tpu.memref_squeeze %dma_wait3A_262 : memref<1x1x128x128xf32, #tpu.memory_space<hbm>> -> memref<128x128xf32, #tpu.memory_space<hbm>>
    %dma_wait3A_264 = arith.constant 0 : i32
    %dma_wait3A_265 = tpu.memref_slice %arg3[%select_n3A, %dma_wait3A_260, %add3A_200, %dma_wait3A_264] : memref<16x1x512x512xf32, #tpu.memory_space<hbm>> -> memref<1x1x128x128xf32, #tpu.memory_space<hbm>>
    %dma_wait3A_266 = tpu.memref_squeeze %dma_wait3A_265 : memref<1x1x128x128xf32, #tpu.memory_space<hbm>> -> memref<128x128xf32, #tpu.memory_space<hbm>>
    tpu.wait_dma2 semaphore(%arg13 : memref<!tpu.dma_semaphore, #tpu.memory_space<semaphore_mem>>) src(%dma_wait3A_266 : memref<128x128xf32, #tpu.memory_space<hbm>>) dst(%arg7 : memref<128x128xf32, #tpu.memory_space<vmem>>)
    %scan3A_267 = arith.constant 0 : i32
    %scan3A_268 = arith.constant 128 : i32
    %scan3A_269 = arith.addi %scan3A_267, %scan3A_268 : i32
    %scan3A_270 = arith.constant 1 : i32
    %scan3A_271:16 = scf.for %scan3A_583 = %scan3A_267 to %scan3A_269 step %scan3A_270 iter_args(%scan3A_584 = %scan3A_233#0, %scan3A_585 = %scan3A_233#1, %scan3A_586 = %scan3A_233#2, %scan3A_587 = %scan3A_233#3, %scan3A_588 = %scan3A_233#4, %scan3A_589 = %scan3A_233#5, %scan3A_590 = %scan3A_233#6, %scan3A_591 = %scan3A_233#7, %scan3A_592 = %scan3A_233#8, %scan3A_593 = %scan3A_233#9, %scan3A_594 = %scan3A_233#10, %scan3A_595 = %scan3A_233#11, %scan3A_596 = %scan3A_233#12, %scan3A_597 = %scan3A_233#13, %scan3A_598 = %scan3A_233#14, %scan3A_599 = %scan3A_233#15) -> (vector<16xi32>, vector<16xi32>, vector<16xi32>, vector<16xi32>, vector<16xi32>, vector<16xi32>, vector<16xi32>, vector<16xi32>, vector<16xi1>, vector<16xi1>, vector<16xi1>, vector<16xi1>, vector<16xi1>, vector<16xi1>, vector<16xi1>, vector<16xi1>)  : i32 {
      %get3A_600 = arith.index_cast %scan3A_583 : i32 to index
      %get3A_601 = arith.constant 0 : index
      %get3A_602 = tpu.vector_load %arg5[%get3A_600, %get3A_601] {strides = array<i32>} : memref<128x128xf32, #tpu.memory_space<vmem>>, vector<16xf32>,
      %get3A_603 = arith.index_cast %scan3A_583 : i32 to index
      %get3A_604 = arith.constant 0 : index
      %get3A_605 = tpu.vector_load %arg7[%get3A_603, %get3A_604] {strides = array<i32>} : memref<128x128xf32, #tpu.memory_space<vmem>>, vector<16xf32>,
      %mul3A_606 = arith.constant 6.400000e+01 : f32
      %mul3A_607 = vector.broadcast %mul3A_606 : f32 to vector<16xf32>
      %mul3A_608 = arith.mulf %get3A_602, %mul3A_607 : vector<16xf32>
      %add3A_609 = arith.addf %mul3A_608, %get3A_605 : vector<16xf32>
      %convert_element_type3A = arith.fptosi %add3A_609 : vector<16xf32> to vector<16xi32>
      %le3A = arith.constant 6.400000e+01 : f32
      %le3A_610 = vector.broadcast %le3A : f32 to vector<16xf32>
      %le3A_611 = arith.cmpf ole, %add3A_609, %le3A_610 : vector<16xf32>
      %add3A_612 = arith.addi %convert_element_type3A, %mul3A_33 : vector<16xi32>
      %get3A_613 = arith.index_cast %scan3A_583 : i32 to index
      %get3A_614 = arith.constant 16 : index
      %get3A_615 = tpu.vector_load %arg5[%get3A_613, %get3A_614] {strides = array<i32>} : memref<128x128xf32, #tpu.memory_space<vmem>>, vector<16xf32>,
      %get3A_616 = arith.index_cast %scan3A_583 : i32 to index
      %get3A_617 = arith.constant 16 : index
      %get3A_618 = tpu.vector_load %arg7[%get3A_616, %get3A_617] {strides = array<i32>} : memref<128x128xf32, #tpu.memory_space<vmem>>, vector<16xf32>,
      %mul3A_619 = arith.constant 6.400000e+01 : f32
      %mul3A_620 = vector.broadcast %mul3A_619 : f32 to vector<16xf32>
      %mul3A_621 = arith.mulf %get3A_615, %mul3A_620 : vector<16xf32>
      %add3A_622 = arith.addf %mul3A_621, %get3A_618 : vector<16xf32>
      %convert_element_type3A_623 = arith.fptosi %add3A_622 : vector<16xf32> to vector<16xi32>
      %le3A_624 = arith.constant 6.400000e+01 : f32
      %le3A_625 = vector.broadcast %le3A_624 : f32 to vector<16xf32>
      %le3A_626 = arith.cmpf ole, %add3A_622, %le3A_625 : vector<16xf32>
      %add3A_627 = arith.addi %convert_element_type3A_623, %mul3A_33 : vector<16xi32>
      %get3A_628 = arith.index_cast %scan3A_583 : i32 to index
      %get3A_629 = arith.constant 32 : index
      %get3A_630 = tpu.vector_load %arg5[%get3A_628, %get3A_629] {strides = array<i32>} : memref<128x128xf32, #tpu.memory_space<vmem>>, vector<16xf32>,
      %get3A_631 = arith.index_cast %scan3A_583 : i32 to index
      %get3A_632 = arith.constant 32 : index
      %get3A_633 = tpu.vector_load %arg7[%get3A_631, %get3A_632] {strides = array<i32>} : memref<128x128xf32, #tpu.memory_space<vmem>>, vector<16xf32>,
      %mul3A_634 = arith.constant 6.400000e+01 : f32
      %mul3A_635 = vector.broadcast %mul3A_634 : f32 to vector<16xf32>
      %mul3A_636 = arith.mulf %get3A_630, %mul3A_635 : vector<16xf32>
      %add3A_637 = arith.addf %mul3A_636, %get3A_633 : vector<16xf32>
      %convert_element_type3A_638 = arith.fptosi %add3A_637 : vector<16xf32> to vector<16xi32>
      %le3A_639 = arith.constant 6.400000e+01 : f32
      %le3A_640 = vector.broadcast %le3A_639 : f32 to vector<16xf32>
      %le3A_641 = arith.cmpf ole, %add3A_637, %le3A_640 : vector<16xf32>
      %add3A_642 = arith.addi %convert_element_type3A_638, %mul3A_33 : vector<16xi32>
      %get3A_643 = arith.index_cast %scan3A_583 : i32 to index
      %get3A_644 = arith.constant 48 : index
      %get3A_645 = tpu.vector_load %arg5[%get3A_643, %get3A_644] {strides = array<i32>} : memref<128x128xf32, #tpu.memory_space<vmem>>, vector<16xf32>,
      %get3A_646 = arith.index_cast %scan3A_583 : i32 to index
      %get3A_647 = arith.constant 48 : index
      %get3A_648 = tpu.vector_load %arg7[%get3A_646, %get3A_647] {strides = array<i32>} : memref<128x128xf32, #tpu.memory_space<vmem>>, vector<16xf32>,
      %mul3A_649 = arith.constant 6.400000e+01 : f32
      %mul3A_650 = vector.broadcast %mul3A_649 : f32 to vector<16xf32>
      %mul3A_651 = arith.mulf %get3A_645, %mul3A_650 : vector<16xf32>
      %add3A_652 = arith.addf %mul3A_651, %get3A_648 : vector<16xf32>
      %convert_element_type3A_653 = arith.fptosi %add3A_652 : vector<16xf32> to vector<16xi32>
      %le3A_654 = arith.constant 6.400000e+01 : f32
      %le3A_655 = vector.broadcast %le3A_654 : f32 to vector<16xf32>
      %le3A_656 = arith.cmpf ole, %add3A_652, %le3A_655 : vector<16xf32>
      %add3A_657 = arith.addi %convert_element_type3A_653, %mul3A_33 : vector<16xi32>
      %get3A_658 = arith.index_cast %scan3A_583 : i32 to index
      %get3A_659 = arith.constant 64 : index
      %get3A_660 = tpu.vector_load %arg5[%get3A_658, %get3A_659] {strides = array<i32>} : memref<128x128xf32, #tpu.memory_space<vmem>>, vector<16xf32>,
      %get3A_661 = arith.index_cast %scan3A_583 : i32 to index
      %get3A_662 = arith.constant 64 : index
      %get3A_663 = tpu.vector_load %arg7[%get3A_661, %get3A_662] {strides = array<i32>} : memref<128x128xf32, #tpu.memory_space<vmem>>, vector<16xf32>,
      %mul3A_664 = arith.constant 6.400000e+01 : f32
      %mul3A_665 = vector.broadcast %mul3A_664 : f32 to vector<16xf32>
      %mul3A_666 = arith.mulf %get3A_660, %mul3A_665 : vector<16xf32>
      %add3A_667 = arith.addf %mul3A_666, %get3A_663 : vector<16xf32>
      %convert_element_type3A_668 = arith.fptosi %add3A_667 : vector<16xf32> to vector<16xi32>
      %le3A_669 = arith.constant 6.400000e+01 : f32
      %le3A_670 = vector.broadcast %le3A_669 : f32 to vector<16xf32>
      %le3A_671 = arith.cmpf ole, %add3A_667, %le3A_670 : vector<16xf32>
      %add3A_672 = arith.addi %convert_element_type3A_668, %mul3A_33 : vector<16xi32>
      %get3A_673 = arith.index_cast %scan3A_583 : i32 to index
      %get3A_674 = arith.constant 80 : index
      %get3A_675 = tpu.vector_load %arg5[%get3A_673, %get3A_674] {strides = array<i32>} : memref<128x128xf32, #tpu.memory_space<vmem>>, vector<16xf32>,
      %get3A_676 = arith.index_cast %scan3A_583 : i32 to index
      %get3A_677 = arith.constant 80 : index
      %get3A_678 = tpu.vector_load %arg7[%get3A_676, %get3A_677] {strides = array<i32>} : memref<128x128xf32, #tpu.memory_space<vmem>>, vector<16xf32>,
      %mul3A_679 = arith.constant 6.400000e+01 : f32
      %mul3A_680 = vector.broadcast %mul3A_679 : f32 to vector<16xf32>
      %mul3A_681 = arith.mulf %get3A_675, %mul3A_680 : vector<16xf32>
      %add3A_682 = arith.addf %mul3A_681, %get3A_678 : vector<16xf32>
      %convert_element_type3A_683 = arith.fptosi %add3A_682 : vector<16xf32> to vector<16xi32>
      %le3A_684 = arith.constant 6.400000e+01 : f32
      %le3A_685 = vector.broadcast %le3A_684 : f32 to vector<16xf32>
      %le3A_686 = arith.cmpf ole, %add3A_682, %le3A_685 : vector<16xf32>
      %add3A_687 = arith.addi %convert_element_type3A_683, %mul3A_33 : vector<16xi32>
      %get3A_688 = arith.index_cast %scan3A_583 : i32 to index
      %get3A_689 = arith.constant 96 : index
      %get3A_690 = tpu.vector_load %arg5[%get3A_688, %get3A_689] {strides = array<i32>} : memref<128x128xf32, #tpu.memory_space<vmem>>, vector<16xf32>,
      %get3A_691 = arith.index_cast %scan3A_583 : i32 to index
      %get3A_692 = arith.constant 96 : index
      %get3A_693 = tpu.vector_load %arg7[%get3A_691, %get3A_692] {strides = array<i32>} : memref<128x128xf32, #tpu.memory_space<vmem>>, vector<16xf32>,
      %mul3A_694 = arith.constant 6.400000e+01 : f32
      %mul3A_695 = vector.broadcast %mul3A_694 : f32 to vector<16xf32>
      %mul3A_696 = arith.mulf %get3A_690, %mul3A_695 : vector<16xf32>
      %add3A_697 = arith.addf %mul3A_696, %get3A_693 : vector<16xf32>
      %convert_element_type3A_698 = arith.fptosi %add3A_697 : vector<16xf32> to vector<16xi32>
      %le3A_699 = arith.constant 6.400000e+01 : f32
      %le3A_700 = vector.broadcast %le3A_699 : f32 to vector<16xf32>
      %le3A_701 = arith.cmpf ole, %add3A_697, %le3A_700 : vector<16xf32>
      %add3A_702 = arith.addi %convert_element_type3A_698, %mul3A_33 : vector<16xi32>
      %get3A_703 = arith.index_cast %scan3A_583 : i32 to index
      %get3A_704 = arith.constant 112 : index
      %get3A_705 = tpu.vector_load %arg5[%get3A_703, %get3A_704] {strides = array<i32>} : memref<128x128xf32, #tpu.memory_space<vmem>>, vector<16xf32>,
      %get3A_706 = arith.index_cast %scan3A_583 : i32 to index
      %get3A_707 = arith.constant 112 : index
      %get3A_708 = tpu.vector_load %arg7[%get3A_706, %get3A_707] {strides = array<i32>} : memref<128x128xf32, #tpu.memory_space<vmem>>, vector<16xf32>,
      %mul3A_709 = arith.constant 6.400000e+01 : f32
      %mul3A_710 = vector.broadcast %mul3A_709 : f32 to vector<16xf32>
      %mul3A_711 = arith.mulf %get3A_705, %mul3A_710 : vector<16xf32>
      %add3A_712 = arith.addf %mul3A_711, %get3A_708 : vector<16xf32>
      %convert_element_type3A_713 = arith.fptosi %add3A_712 : vector<16xf32> to vector<16xi32>
      %le3A_714 = arith.constant 6.400000e+01 : f32
      %le3A_715 = vector.broadcast %le3A_714 : f32 to vector<16xf32>
      %le3A_716 = arith.cmpf ole, %add3A_712, %le3A_715 : vector<16xf32>
      %add3A_717 = arith.addi %convert_element_type3A_713, %mul3A_33 : vector<16xi32>
      tpu.vector_store_idx %arg9[%scan3A_584], %broadcast_in_dim3A_34 masked %scan3A_592 {add = true} : memref<1040xf32, #tpu.memory_space<vmem>>[vector<16xi32>], vector<16xf32>, vector<16xi1>
      tpu.vector_store_idx %arg9[%scan3A_585], %broadcast_in_dim3A_34 masked %scan3A_593 {add = true} : memref<1040xf32, #tpu.memory_space<vmem>>[vector<16xi32>], vector<16xf32>, vector<16xi1>
      tpu.vector_store_idx %arg9[%scan3A_586], %broadcast_in_dim3A_34 masked %scan3A_594 {add = true} : memref<1040xf32, #tpu.memory_space<vmem>>[vector<16xi32>], vector<16xf32>, vector<16xi1>
      tpu.vector_store_idx %arg9[%scan3A_587], %broadcast_in_dim3A_34 masked %scan3A_595 {add = true} : memref<1040xf32, #tpu.memory_space<vmem>>[vector<16xi32>], vector<16xf32>, vector<16xi1>
      tpu.vector_store_idx %arg9[%scan3A_588], %broadcast_in_dim3A_34 masked %scan3A_596 {add = true} : memref<1040xf32, #tpu.memory_space<vmem>>[vector<16xi32>], vector<16xf32>, vector<16xi1>
      tpu.vector_store_idx %arg9[%scan3A_589], %broadcast_in_dim3A_34 masked %scan3A_597 {add = true} : memref<1040xf32, #tpu.memory_space<vmem>>[vector<16xi32>], vector<16xf32>, vector<16xi1>
      tpu.vector_store_idx %arg9[%scan3A_590], %broadcast_in_dim3A_34 masked %scan3A_598 {add = true} : memref<1040xf32, #tpu.memory_space<vmem>>[vector<16xi32>], vector<16xf32>, vector<16xi1>
      tpu.vector_store_idx %arg9[%scan3A_591], %broadcast_in_dim3A_34 masked %scan3A_599 {add = true} : memref<1040xf32, #tpu.memory_space<vmem>>[vector<16xi32>], vector<16xf32>, vector<16xi1>
      scf.yield %add3A_612, %add3A_627, %add3A_642, %add3A_657, %add3A_672, %add3A_687, %add3A_702, %add3A_717, %le3A_611, %le3A_626, %le3A_641, %le3A_656, %le3A_671, %le3A_686, %le3A_701, %le3A_716 : vector<16xi32>, vector<16xi32>, vector<16xi32>, vector<16xi32>, vector<16xi32>, vector<16xi32>, vector<16xi32>, vector<16xi32>, vector<16xi1>, vector<16xi1>, vector<16xi1>, vector<16xi1>, vector<16xi1>, vector<16xi1>, vector<16xi1>, vector<16xi1>
    }
    %scan3A_272 = arith.constant 128 : i32
    %mul3A_273 = arith.constant 256 : i32
    %mul3A_274 = arith.muli %select_n3A_30, %mul3A_273 : i32
    %add3A_275 = arith.constant 128 : i32
    %add3A_276 = arith.addi %mul3A_274, %add3A_275 : i32
    %dma_start3A_277 = arith.constant 0 : i32
    %dma_start3A_278 = arith.constant 256 : i32
    %dma_start3A_279 = tpu.memref_slice %arg2[%select_n3A, %dma_start3A_277, %add3A_276, %dma_start3A_278] : memref<16x1x512x512xf32, #tpu.memory_space<hbm>> -> memref<1x1x128x128xf32, #tpu.memory_space<hbm>>
    %dma_start3A_280 = tpu.memref_squeeze %dma_start3A_279 : memref<1x1x128x128xf32, #tpu.memory_space<hbm>> -> memref<128x128xf32, #tpu.memory_space<hbm>>
    %dma_start3A_281 = arith.constant 256 : i32
    %dma_start3A_282 = tpu.memref_slice %arg2[%select_n3A, %dma_start3A_277, %add3A_276, %dma_start3A_281] : memref<16x1x512x512xf32, #tpu.memory_space<hbm>> -> memref<1x1x128x128xf32, #tpu.memory_space<hbm>>
    %dma_start3A_283 = tpu.memref_squeeze %dma_start3A_282 : memref<1x1x128x128xf32, #tpu.memory_space<hbm>> -> memref<128x128xf32, #tpu.memory_space<hbm>>
    tpu.enqueue_dma source(%dma_start3A_283 : memref<128x128xf32, #tpu.memory_space<hbm>>) target(%arg5 : memref<128x128xf32, #tpu.memory_space<vmem>>) target_semaphore(%arg11 : memref<!tpu.dma_semaphore, #tpu.memory_space<semaphore_mem>>)
    %dma_start3A_284 = arith.constant 0 : i32
    %dma_start3A_285 = arith.constant 256 : i32
    %dma_start3A_286 = tpu.memref_slice %arg3[%select_n3A, %dma_start3A_284, %add3A_276, %dma_start3A_285] : memref<16x1x512x512xf32, #tpu.memory_space<hbm>> -> memref<1x1x128x128xf32, #tpu.memory_space<hbm>>
    %dma_start3A_287 = tpu.memref_squeeze %dma_start3A_286 : memref<1x1x128x128xf32, #tpu.memory_space<hbm>> -> memref<128x128xf32, #tpu.memory_space<hbm>>
    %dma_start3A_288 = arith.constant 256 : i32
    %dma_start3A_289 = tpu.memref_slice %arg3[%select_n3A, %dma_start3A_284, %add3A_276, %dma_start3A_288] : memref<16x1x512x512xf32, #tpu.memory_space<hbm>> -> memref<1x1x128x128xf32, #tpu.memory_space<hbm>>
    %dma_start3A_290 = tpu.memref_squeeze %dma_start3A_289 : memref<1x1x128x128xf32, #tpu.memory_space<hbm>> -> memref<128x128xf32, #tpu.memory_space<hbm>>
    tpu.enqueue_dma source(%dma_start3A_290 : memref<128x128xf32, #tpu.memory_space<hbm>>) target(%arg7 : memref<128x128xf32, #tpu.memory_space<vmem>>) target_semaphore(%arg13 : memref<!tpu.dma_semaphore, #tpu.memory_space<semaphore_mem>>)
    %dma_wait3A_291 = arith.constant 0 : i32
    %dma_wait3A_292 = arith.constant 128 : i32
    %dma_wait3A_293 = tpu.memref_slice %arg2[%select_n3A, %dma_wait3A_291, %add3A_238, %dma_wait3A_292] : memref<16x1x512x512xf32, #tpu.memory_space<hbm>> -> memref<1x1x128x128xf32, #tpu.memory_space<hbm>>
    %dma_wait3A_294 = tpu.memref_squeeze %dma_wait3A_293 : memref<1x1x128x128xf32, #tpu.memory_space<hbm>> -> memref<128x128xf32, #tpu.memory_space<hbm>>
    %dma_wait3A_295 = arith.constant 128 : i32
    %dma_wait3A_296 = tpu.memref_slice %arg2[%select_n3A, %dma_wait3A_291, %add3A_238, %dma_wait3A_295] : memref<16x1x512x512xf32, #tpu.memory_space<hbm>> -> memref<1x1x128x128xf32, #tpu.memory_space<hbm>>
    %dma_wait3A_297 = tpu.memref_squeeze %dma_wait3A_296 : memref<1x1x128x128xf32, #tpu.memory_space<hbm>> -> memref<128x128xf32, #tpu.memory_space<hbm>>
    tpu.wait_dma2 semaphore(%arg12 : memref<!tpu.dma_semaphore, #tpu.memory_space<semaphore_mem>>) src(%dma_wait3A_297 : memref<128x128xf32, #tpu.memory_space<hbm>>) dst(%arg6 : memref<128x128xf32, #tpu.memory_space<vmem>>)
    %dma_wait3A_298 = arith.constant 0 : i32
    %dma_wait3A_299 = arith.constant 128 : i32
    %dma_wait3A_300 = tpu.memref_slice %arg3[%select_n3A, %dma_wait3A_298, %add3A_238, %dma_wait3A_299] : memref<16x1x512x512xf32, #tpu.memory_space<hbm>> -> memref<1x1x128x128xf32, #tpu.memory_space<hbm>>
    %dma_wait3A_301 = tpu.memref_squeeze %dma_wait3A_300 : memref<1x1x128x128xf32, #tpu.memory_space<hbm>> -> memref<128x128xf32, #tpu.memory_space<hbm>>
    %dma_wait3A_302 = arith.constant 128 : i32
    %dma_wait3A_303 = tpu.memref_slice %arg3[%select_n3A, %dma_wait3A_298, %add3A_238, %dma_wait3A_302] : memref<16x1x512x512xf32, #tpu.memory_space<hbm>> -> memref<1x1x128x128xf32, #tpu.memory_space<hbm>>
    %dma_wait3A_304 = tpu.memref_squeeze %dma_wait3A_303 : memref<1x1x128x128xf32, #tpu.memory_space<hbm>> -> memref<128x128xf32, #tpu.memory_space<hbm>>
    tpu.wait_dma2 semaphore(%arg14 : memref<!tpu.dma_semaphore, #tpu.memory_space<semaphore_mem>>) src(%dma_wait3A_304 : memref<128x128xf32, #tpu.memory_space<hbm>>) dst(%arg8 : memref<128x128xf32, #tpu.memory_space<vmem>>)
    %scan3A_305 = arith.constant 0 : i32
    %scan3A_306 = arith.constant 128 : i32
    %scan3A_307 = arith.addi %scan3A_305, %scan3A_306 : i32
    %scan3A_308 = arith.constant 1 : i32
    %scan3A_309:16 = scf.for %scan3A_583 = %scan3A_305 to %scan3A_307 step %scan3A_308 iter_args(%scan3A_584 = %scan3A_271#0, %scan3A_585 = %scan3A_271#1, %scan3A_586 = %scan3A_271#2, %scan3A_587 = %scan3A_271#3, %scan3A_588 = %scan3A_271#4, %scan3A_589 = %scan3A_271#5, %scan3A_590 = %scan3A_271#6, %scan3A_591 = %scan3A_271#7, %scan3A_592 = %scan3A_271#8, %scan3A_593 = %scan3A_271#9, %scan3A_594 = %scan3A_271#10, %scan3A_595 = %scan3A_271#11, %scan3A_596 = %scan3A_271#12, %scan3A_597 = %scan3A_271#13, %scan3A_598 = %scan3A_271#14, %scan3A_599 = %scan3A_271#15) -> (vector<16xi32>, vector<16xi32>, vector<16xi32>, vector<16xi32>, vector<16xi32>, vector<16xi32>, vector<16xi32>, vector<16xi32>, vector<16xi1>, vector<16xi1>, vector<16xi1>, vector<16xi1>, vector<16xi1>, vector<16xi1>, vector<16xi1>, vector<16xi1>)  : i32 {
      %get3A_600 = arith.index_cast %scan3A_583 : i32 to index
      %get3A_601 = arith.constant 0 : index
      %get3A_602 = tpu.vector_load %arg6[%get3A_600, %get3A_601] {strides = array<i32>} : memref<128x128xf32, #tpu.memory_space<vmem>>, vector<16xf32>,
      %get3A_603 = arith.index_cast %scan3A_583 : i32 to index
      %get3A_604 = arith.constant 0 : index
      %get3A_605 = tpu.vector_load %arg8[%get3A_603, %get3A_604] {strides = array<i32>} : memref<128x128xf32, #tpu.memory_space<vmem>>, vector<16xf32>,
      %mul3A_606 = arith.constant 6.400000e+01 : f32
      %mul3A_607 = vector.broadcast %mul3A_606 : f32 to vector<16xf32>
      %mul3A_608 = arith.mulf %get3A_602, %mul3A_607 : vector<16xf32>
      %add3A_609 = arith.addf %mul3A_608, %get3A_605 : vector<16xf32>
      %convert_element_type3A = arith.fptosi %add3A_609 : vector<16xf32> to vector<16xi32>
      %le3A = arith.constant 6.400000e+01 : f32
      %le3A_610 = vector.broadcast %le3A : f32 to vector<16xf32>
      %le3A_611 = arith.cmpf ole, %add3A_609, %le3A_610 : vector<16xf32>
      %add3A_612 = arith.addi %convert_element_type3A, %mul3A_33 : vector<16xi32>
      %get3A_613 = arith.index_cast %scan3A_583 : i32 to index
      %get3A_614 = arith.constant 16 : index
      %get3A_615 = tpu.vector_load %arg6[%get3A_613, %get3A_614] {strides = array<i32>} : memref<128x128xf32, #tpu.memory_space<vmem>>, vector<16xf32>,
      %get3A_616 = arith.index_cast %scan3A_583 : i32 to index
      %get3A_617 = arith.constant 16 : index
      %get3A_618 = tpu.vector_load %arg8[%get3A_616, %get3A_617] {strides = array<i32>} : memref<128x128xf32, #tpu.memory_space<vmem>>, vector<16xf32>,
      %mul3A_619 = arith.constant 6.400000e+01 : f32
      %mul3A_620 = vector.broadcast %mul3A_619 : f32 to vector<16xf32>
      %mul3A_621 = arith.mulf %get3A_615, %mul3A_620 : vector<16xf32>
      %add3A_622 = arith.addf %mul3A_621, %get3A_618 : vector<16xf32>
      %convert_element_type3A_623 = arith.fptosi %add3A_622 : vector<16xf32> to vector<16xi32>
      %le3A_624 = arith.constant 6.400000e+01 : f32
      %le3A_625 = vector.broadcast %le3A_624 : f32 to vector<16xf32>
      %le3A_626 = arith.cmpf ole, %add3A_622, %le3A_625 : vector<16xf32>
      %add3A_627 = arith.addi %convert_element_type3A_623, %mul3A_33 : vector<16xi32>
      %get3A_628 = arith.index_cast %scan3A_583 : i32 to index
      %get3A_629 = arith.constant 32 : index
      %get3A_630 = tpu.vector_load %arg6[%get3A_628, %get3A_629] {strides = array<i32>} : memref<128x128xf32, #tpu.memory_space<vmem>>, vector<16xf32>,
      %get3A_631 = arith.index_cast %scan3A_583 : i32 to index
      %get3A_632 = arith.constant 32 : index
      %get3A_633 = tpu.vector_load %arg8[%get3A_631, %get3A_632] {strides = array<i32>} : memref<128x128xf32, #tpu.memory_space<vmem>>, vector<16xf32>,
      %mul3A_634 = arith.constant 6.400000e+01 : f32
      %mul3A_635 = vector.broadcast %mul3A_634 : f32 to vector<16xf32>
      %mul3A_636 = arith.mulf %get3A_630, %mul3A_635 : vector<16xf32>
      %add3A_637 = arith.addf %mul3A_636, %get3A_633 : vector<16xf32>
      %convert_element_type3A_638 = arith.fptosi %add3A_637 : vector<16xf32> to vector<16xi32>
      %le3A_639 = arith.constant 6.400000e+01 : f32
      %le3A_640 = vector.broadcast %le3A_639 : f32 to vector<16xf32>
      %le3A_641 = arith.cmpf ole, %add3A_637, %le3A_640 : vector<16xf32>
      %add3A_642 = arith.addi %convert_element_type3A_638, %mul3A_33 : vector<16xi32>
      %get3A_643 = arith.index_cast %scan3A_583 : i32 to index
      %get3A_644 = arith.constant 48 : index
      %get3A_645 = tpu.vector_load %arg6[%get3A_643, %get3A_644] {strides = array<i32>} : memref<128x128xf32, #tpu.memory_space<vmem>>, vector<16xf32>,
      %get3A_646 = arith.index_cast %scan3A_583 : i32 to index
      %get3A_647 = arith.constant 48 : index
      %get3A_648 = tpu.vector_load %arg8[%get3A_646, %get3A_647] {strides = array<i32>} : memref<128x128xf32, #tpu.memory_space<vmem>>, vector<16xf32>,
      %mul3A_649 = arith.constant 6.400000e+01 : f32
      %mul3A_650 = vector.broadcast %mul3A_649 : f32 to vector<16xf32>
      %mul3A_651 = arith.mulf %get3A_645, %mul3A_650 : vector<16xf32>
      %add3A_652 = arith.addf %mul3A_651, %get3A_648 : vector<16xf32>
      %convert_element_type3A_653 = arith.fptosi %add3A_652 : vector<16xf32> to vector<16xi32>
      %le3A_654 = arith.constant 6.400000e+01 : f32
      %le3A_655 = vector.broadcast %le3A_654 : f32 to vector<16xf32>
      %le3A_656 = arith.cmpf ole, %add3A_652, %le3A_655 : vector<16xf32>
      %add3A_657 = arith.addi %convert_element_type3A_653, %mul3A_33 : vector<16xi32>
      %get3A_658 = arith.index_cast %scan3A_583 : i32 to index
      %get3A_659 = arith.constant 64 : index
      %get3A_660 = tpu.vector_load %arg6[%get3A_658, %get3A_659] {strides = array<i32>} : memref<128x128xf32, #tpu.memory_space<vmem>>, vector<16xf32>,
      %get3A_661 = arith.index_cast %scan3A_583 : i32 to index
      %get3A_662 = arith.constant 64 : index
      %get3A_663 = tpu.vector_load %arg8[%get3A_661, %get3A_662] {strides = array<i32>} : memref<128x128xf32, #tpu.memory_space<vmem>>, vector<16xf32>,
      %mul3A_664 = arith.constant 6.400000e+01 : f32
      %mul3A_665 = vector.broadcast %mul3A_664 : f32 to vector<16xf32>
      %mul3A_666 = arith.mulf %get3A_660, %mul3A_665 : vector<16xf32>
      %add3A_667 = arith.addf %mul3A_666, %get3A_663 : vector<16xf32>
      %convert_element_type3A_668 = arith.fptosi %add3A_667 : vector<16xf32> to vector<16xi32>
      %le3A_669 = arith.constant 6.400000e+01 : f32
      %le3A_670 = vector.broadcast %le3A_669 : f32 to vector<16xf32>
      %le3A_671 = arith.cmpf ole, %add3A_667, %le3A_670 : vector<16xf32>
      %add3A_672 = arith.addi %convert_element_type3A_668, %mul3A_33 : vector<16xi32>
      %get3A_673 = arith.index_cast %scan3A_583 : i32 to index
      %get3A_674 = arith.constant 80 : index
      %get3A_675 = tpu.vector_load %arg6[%get3A_673, %get3A_674] {strides = array<i32>} : memref<128x128xf32, #tpu.memory_space<vmem>>, vector<16xf32>,
      %get3A_676 = arith.index_cast %scan3A_583 : i32 to index
      %get3A_677 = arith.constant 80 : index
      %get3A_678 = tpu.vector_load %arg8[%get3A_676, %get3A_677] {strides = array<i32>} : memref<128x128xf32, #tpu.memory_space<vmem>>, vector<16xf32>,
      %mul3A_679 = arith.constant 6.400000e+01 : f32
      %mul3A_680 = vector.broadcast %mul3A_679 : f32 to vector<16xf32>
      %mul3A_681 = arith.mulf %get3A_675, %mul3A_680 : vector<16xf32>
      %add3A_682 = arith.addf %mul3A_681, %get3A_678 : vector<16xf32>
      %convert_element_type3A_683 = arith.fptosi %add3A_682 : vector<16xf32> to vector<16xi32>
      %le3A_684 = arith.constant 6.400000e+01 : f32
      %le3A_685 = vector.broadcast %le3A_684 : f32 to vector<16xf32>
      %le3A_686 = arith.cmpf ole, %add3A_682, %le3A_685 : vector<16xf32>
      %add3A_687 = arith.addi %convert_element_type3A_683, %mul3A_33 : vector<16xi32>
      %get3A_688 = arith.index_cast %scan3A_583 : i32 to index
      %get3A_689 = arith.constant 96 : index
      %get3A_690 = tpu.vector_load %arg6[%get3A_688, %get3A_689] {strides = array<i32>} : memref<128x128xf32, #tpu.memory_space<vmem>>, vector<16xf32>,
      %get3A_691 = arith.index_cast %scan3A_583 : i32 to index
      %get3A_692 = arith.constant 96 : index
      %get3A_693 = tpu.vector_load %arg8[%get3A_691, %get3A_692] {strides = array<i32>} : memref<128x128xf32, #tpu.memory_space<vmem>>, vector<16xf32>,
      %mul3A_694 = arith.constant 6.400000e+01 : f32
      %mul3A_695 = vector.broadcast %mul3A_694 : f32 to vector<16xf32>
      %mul3A_696 = arith.mulf %get3A_690, %mul3A_695 : vector<16xf32>
      %add3A_697 = arith.addf %mul3A_696, %get3A_693 : vector<16xf32>
      %convert_element_type3A_698 = arith.fptosi %add3A_697 : vector<16xf32> to vector<16xi32>
      %le3A_699 = arith.constant 6.400000e+01 : f32
      %le3A_700 = vector.broadcast %le3A_699 : f32 to vector<16xf32>
      %le3A_701 = arith.cmpf ole, %add3A_697, %le3A_700 : vector<16xf32>
      %add3A_702 = arith.addi %convert_element_type3A_698, %mul3A_33 : vector<16xi32>
      %get3A_703 = arith.index_cast %scan3A_583 : i32 to index
      %get3A_704 = arith.constant 112 : index
      %get3A_705 = tpu.vector_load %arg6[%get3A_703, %get3A_704] {strides = array<i32>} : memref<128x128xf32, #tpu.memory_space<vmem>>, vector<16xf32>,
      %get3A_706 = arith.index_cast %scan3A_583 : i32 to index
      %get3A_707 = arith.constant 112 : index
      %get3A_708 = tpu.vector_load %arg8[%get3A_706, %get3A_707] {strides = array<i32>} : memref<128x128xf32, #tpu.memory_space<vmem>>, vector<16xf32>,
      %mul3A_709 = arith.constant 6.400000e+01 : f32
      %mul3A_710 = vector.broadcast %mul3A_709 : f32 to vector<16xf32>
      %mul3A_711 = arith.mulf %get3A_705, %mul3A_710 : vector<16xf32>
      %add3A_712 = arith.addf %mul3A_711, %get3A_708 : vector<16xf32>
      %convert_element_type3A_713 = arith.fptosi %add3A_712 : vector<16xf32> to vector<16xi32>
      %le3A_714 = arith.constant 6.400000e+01 : f32
      %le3A_715 = vector.broadcast %le3A_714 : f32 to vector<16xf32>
      %le3A_716 = arith.cmpf ole, %add3A_712, %le3A_715 : vector<16xf32>
      %add3A_717 = arith.addi %convert_element_type3A_713, %mul3A_33 : vector<16xi32>
      tpu.vector_store_idx %arg9[%scan3A_584], %broadcast_in_dim3A_34 masked %scan3A_592 {add = true} : memref<1040xf32, #tpu.memory_space<vmem>>[vector<16xi32>], vector<16xf32>, vector<16xi1>
      tpu.vector_store_idx %arg9[%scan3A_585], %broadcast_in_dim3A_34 masked %scan3A_593 {add = true} : memref<1040xf32, #tpu.memory_space<vmem>>[vector<16xi32>], vector<16xf32>, vector<16xi1>
      tpu.vector_store_idx %arg9[%scan3A_586], %broadcast_in_dim3A_34 masked %scan3A_594 {add = true} : memref<1040xf32, #tpu.memory_space<vmem>>[vector<16xi32>], vector<16xf32>, vector<16xi1>
      tpu.vector_store_idx %arg9[%scan3A_587], %broadcast_in_dim3A_34 masked %scan3A_595 {add = true} : memref<1040xf32, #tpu.memory_space<vmem>>[vector<16xi32>], vector<16xf32>, vector<16xi1>
      tpu.vector_store_idx %arg9[%scan3A_588], %broadcast_in_dim3A_34 masked %scan3A_596 {add = true} : memref<1040xf32, #tpu.memory_space<vmem>>[vector<16xi32>], vector<16xf32>, vector<16xi1>
      tpu.vector_store_idx %arg9[%scan3A_589], %broadcast_in_dim3A_34 masked %scan3A_597 {add = true} : memref<1040xf32, #tpu.memory_space<vmem>>[vector<16xi32>], vector<16xf32>, vector<16xi1>
      tpu.vector_store_idx %arg9[%scan3A_590], %broadcast_in_dim3A_34 masked %scan3A_598 {add = true} : memref<1040xf32, #tpu.memory_space<vmem>>[vector<16xi32>], vector<16xf32>, vector<16xi1>
      tpu.vector_store_idx %arg9[%scan3A_591], %broadcast_in_dim3A_34 masked %scan3A_599 {add = true} : memref<1040xf32, #tpu.memory_space<vmem>>[vector<16xi32>], vector<16xf32>, vector<16xi1>
      scf.yield %add3A_612, %add3A_627, %add3A_642, %add3A_657, %add3A_672, %add3A_687, %add3A_702, %add3A_717, %le3A_611, %le3A_626, %le3A_641, %le3A_656, %le3A_671, %le3A_686, %le3A_701, %le3A_716 : vector<16xi32>, vector<16xi32>, vector<16xi32>, vector<16xi32>, vector<16xi32>, vector<16xi32>, vector<16xi32>, vector<16xi32>, vector<16xi1>, vector<16xi1>, vector<16xi1>, vector<16xi1>, vector<16xi1>, vector<16xi1>, vector<16xi1>, vector<16xi1>
    }
    %scan3A_310 = arith.constant 128 : i32
    %mul3A_311 = arith.constant 256 : i32
    %mul3A_312 = arith.muli %select_n3A_30, %mul3A_311 : i32
    %add3A_313 = arith.constant 128 : i32
    %add3A_314 = arith.addi %mul3A_312, %add3A_313 : i32
    %dma_start3A_315 = arith.constant 0 : i32
    %dma_start3A_316 = arith.constant 384 : i32
    %dma_start3A_317 = tpu.memref_slice %arg2[%select_n3A, %dma_start3A_315, %add3A_314, %dma_start3A_316] : memref<16x1x512x512xf32, #tpu.memory_space<hbm>> -> memref<1x1x128x128xf32, #tpu.memory_space<hbm>>
    %dma_start3A_318 = tpu.memref_squeeze %dma_start3A_317 : memref<1x1x128x128xf32, #tpu.memory_space<hbm>> -> memref<128x128xf32, #tpu.memory_space<hbm>>
    %dma_start3A_319 = arith.constant 384 : i32
    %dma_start3A_320 = tpu.memref_slice %arg2[%select_n3A, %dma_start3A_315, %add3A_314, %dma_start3A_319] : memref<16x1x512x512xf32, #tpu.memory_space<hbm>> -> memref<1x1x128x128xf32, #tpu.memory_space<hbm>>
    %dma_start3A_321 = tpu.memref_squeeze %dma_start3A_320 : memref<1x1x128x128xf32, #tpu.memory_space<hbm>> -> memref<128x128xf32, #tpu.memory_space<hbm>>
    tpu.enqueue_dma source(%dma_start3A_321 : memref<128x128xf32, #tpu.memory_space<hbm>>) target(%arg6 : memref<128x128xf32, #tpu.memory_space<vmem>>) target_semaphore(%arg12 : memref<!tpu.dma_semaphore, #tpu.memory_space<semaphore_mem>>)
    %dma_start3A_322 = arith.constant 0 : i32
    %dma_start3A_323 = arith.constant 384 : i32
    %dma_start3A_324 = tpu.memref_slice %arg3[%select_n3A, %dma_start3A_322, %add3A_314, %dma_start3A_323] : memref<16x1x512x512xf32, #tpu.memory_space<hbm>> -> memref<1x1x128x128xf32, #tpu.memory_space<hbm>>
    %dma_start3A_325 = tpu.memref_squeeze %dma_start3A_324 : memref<1x1x128x128xf32, #tpu.memory_space<hbm>> -> memref<128x128xf32, #tpu.memory_space<hbm>>
    %dma_start3A_326 = arith.constant 384 : i32
    %dma_start3A_327 = tpu.memref_slice %arg3[%select_n3A, %dma_start3A_322, %add3A_314, %dma_start3A_326] : memref<16x1x512x512xf32, #tpu.memory_space<hbm>> -> memref<1x1x128x128xf32, #tpu.memory_space<hbm>>
    %dma_start3A_328 = tpu.memref_squeeze %dma_start3A_327 : memref<1x1x128x128xf32, #tpu.memory_space<hbm>> -> memref<128x128xf32, #tpu.memory_space<hbm>>
    tpu.enqueue_dma source(%dma_start3A_328 : memref<128x128xf32, #tpu.memory_space<hbm>>) target(%arg8 : memref<128x128xf32, #tpu.memory_space<vmem>>) target_semaphore(%arg14 : memref<!tpu.dma_semaphore, #tpu.memory_space<semaphore_mem>>)
    %dma_wait3A_329 = arith.constant 0 : i32
    %dma_wait3A_330 = arith.constant 256 : i32
    %dma_wait3A_331 = tpu.memref_slice %arg2[%select_n3A, %dma_wait3A_329, %add3A_276, %dma_wait3A_330] : memref<16x1x512x512xf32, #tpu.memory_space<hbm>> -> memref<1x1x128x128xf32, #tpu.memory_space<hbm>>
    %dma_wait3A_332 = tpu.memref_squeeze %dma_wait3A_331 : memref<1x1x128x128xf32, #tpu.memory_space<hbm>> -> memref<128x128xf32, #tpu.memory_space<hbm>>
    %dma_wait3A_333 = arith.constant 256 : i32
    %dma_wait3A_334 = tpu.memref_slice %arg2[%select_n3A, %dma_wait3A_329, %add3A_276, %dma_wait3A_333] : memref<16x1x512x512xf32, #tpu.memory_space<hbm>> -> memref<1x1x128x128xf32, #tpu.memory_space<hbm>>
    %dma_wait3A_335 = tpu.memref_squeeze %dma_wait3A_334 : memref<1x1x128x128xf32, #tpu.memory_space<hbm>> -> memref<128x128xf32, #tpu.memory_space<hbm>>
    tpu.wait_dma2 semaphore(%arg11 : memref<!tpu.dma_semaphore, #tpu.memory_space<semaphore_mem>>) src(%dma_wait3A_335 : memref<128x128xf32, #tpu.memory_space<hbm>>) dst(%arg5 : memref<128x128xf32, #tpu.memory_space<vmem>>)
    %dma_wait3A_336 = arith.constant 0 : i32
    %dma_wait3A_337 = arith.constant 256 : i32
    %dma_wait3A_338 = tpu.memref_slice %arg3[%select_n3A, %dma_wait3A_336, %add3A_276, %dma_wait3A_337] : memref<16x1x512x512xf32, #tpu.memory_space<hbm>> -> memref<1x1x128x128xf32, #tpu.memory_space<hbm>>
    %dma_wait3A_339 = tpu.memref_squeeze %dma_wait3A_338 : memref<1x1x128x128xf32, #tpu.memory_space<hbm>> -> memref<128x128xf32, #tpu.memory_space<hbm>>
    %dma_wait3A_340 = arith.constant 256 : i32
    %dma_wait3A_341 = tpu.memref_slice %arg3[%select_n3A, %dma_wait3A_336, %add3A_276, %dma_wait3A_340] : memref<16x1x512x512xf32, #tpu.memory_space<hbm>> -> memref<1x1x128x128xf32, #tpu.memory_space<hbm>>
    %dma_wait3A_342 = tpu.memref_squeeze %dma_wait3A_341 : memref<1x1x128x128xf32, #tpu.memory_space<hbm>> -> memref<128x128xf32, #tpu.memory_space<hbm>>
    tpu.wait_dma2 semaphore(%arg13 : memref<!tpu.dma_semaphore, #tpu.memory_space<semaphore_mem>>) src(%dma_wait3A_342 : memref<128x128xf32, #tpu.memory_space<hbm>>) dst(%arg7 : memref<128x128xf32, #tpu.memory_space<vmem>>)
    %scan3A_343 = arith.constant 0 : i32
    %scan3A_344 = arith.constant 128 : i32
    %scan3A_345 = arith.addi %scan3A_343, %scan3A_344 : i32
    %scan3A_346 = arith.constant 1 : i32
    %scan3A_347:16 = scf.for %scan3A_583 = %scan3A_343 to %scan3A_345 step %scan3A_346 iter_args(%scan3A_584 = %scan3A_309#0, %scan3A_585 = %scan3A_309#1, %scan3A_586 = %scan3A_309#2, %scan3A_587 = %scan3A_309#3, %scan3A_588 = %scan3A_309#4, %scan3A_589 = %scan3A_309#5, %scan3A_590 = %scan3A_309#6, %scan3A_591 = %scan3A_309#7, %scan3A_592 = %scan3A_309#8, %scan3A_593 = %scan3A_309#9, %scan3A_594 = %scan3A_309#10, %scan3A_595 = %scan3A_309#11, %scan3A_596 = %scan3A_309#12, %scan3A_597 = %scan3A_309#13, %scan3A_598 = %scan3A_309#14, %scan3A_599 = %scan3A_309#15) -> (vector<16xi32>, vector<16xi32>, vector<16xi32>, vector<16xi32>, vector<16xi32>, vector<16xi32>, vector<16xi32>, vector<16xi32>, vector<16xi1>, vector<16xi1>, vector<16xi1>, vector<16xi1>, vector<16xi1>, vector<16xi1>, vector<16xi1>, vector<16xi1>)  : i32 {
      %get3A_600 = arith.index_cast %scan3A_583 : i32 to index
      %get3A_601 = arith.constant 0 : index
      %get3A_602 = tpu.vector_load %arg5[%get3A_600, %get3A_601] {strides = array<i32>} : memref<128x128xf32, #tpu.memory_space<vmem>>, vector<16xf32>,
      %get3A_603 = arith.index_cast %scan3A_583 : i32 to index
      %get3A_604 = arith.constant 0 : index
      %get3A_605 = tpu.vector_load %arg7[%get3A_603, %get3A_604] {strides = array<i32>} : memref<128x128xf32, #tpu.memory_space<vmem>>, vector<16xf32>,
      %mul3A_606 = arith.constant 6.400000e+01 : f32
      %mul3A_607 = vector.broadcast %mul3A_606 : f32 to vector<16xf32>
      %mul3A_608 = arith.mulf %get3A_602, %mul3A_607 : vector<16xf32>
      %add3A_609 = arith.addf %mul3A_608, %get3A_605 : vector<16xf32>
      %convert_element_type3A = arith.fptosi %add3A_609 : vector<16xf32> to vector<16xi32>
      %le3A = arith.constant 6.400000e+01 : f32
      %le3A_610 = vector.broadcast %le3A : f32 to vector<16xf32>
      %le3A_611 = arith.cmpf ole, %add3A_609, %le3A_610 : vector<16xf32>
      %add3A_612 = arith.addi %convert_element_type3A, %mul3A_33 : vector<16xi32>
      %get3A_613 = arith.index_cast %scan3A_583 : i32 to index
      %get3A_614 = arith.constant 16 : index
      %get3A_615 = tpu.vector_load %arg5[%get3A_613, %get3A_614] {strides = array<i32>} : memref<128x128xf32, #tpu.memory_space<vmem>>, vector<16xf32>,
      %get3A_616 = arith.index_cast %scan3A_583 : i32 to index
      %get3A_617 = arith.constant 16 : index
      %get3A_618 = tpu.vector_load %arg7[%get3A_616, %get3A_617] {strides = array<i32>} : memref<128x128xf32, #tpu.memory_space<vmem>>, vector<16xf32>,
      %mul3A_619 = arith.constant 6.400000e+01 : f32
      %mul3A_620 = vector.broadcast %mul3A_619 : f32 to vector<16xf32>
      %mul3A_621 = arith.mulf %get3A_615, %mul3A_620 : vector<16xf32>
      %add3A_622 = arith.addf %mul3A_621, %get3A_618 : vector<16xf32>
      %convert_element_type3A_623 = arith.fptosi %add3A_622 : vector<16xf32> to vector<16xi32>
      %le3A_624 = arith.constant 6.400000e+01 : f32
      %le3A_625 = vector.broadcast %le3A_624 : f32 to vector<16xf32>
      %le3A_626 = arith.cmpf ole, %add3A_622, %le3A_625 : vector<16xf32>
      %add3A_627 = arith.addi %convert_element_type3A_623, %mul3A_33 : vector<16xi32>
      %get3A_628 = arith.index_cast %scan3A_583 : i32 to index
      %get3A_629 = arith.constant 32 : index
      %get3A_630 = tpu.vector_load %arg5[%get3A_628, %get3A_629] {strides = array<i32>} : memref<128x128xf32, #tpu.memory_space<vmem>>, vector<16xf32>,
      %get3A_631 = arith.index_cast %scan3A_583 : i32 to index
      %get3A_632 = arith.constant 32 : index
      %get3A_633 = tpu.vector_load %arg7[%get3A_631, %get3A_632] {strides = array<i32>} : memref<128x128xf32, #tpu.memory_space<vmem>>, vector<16xf32>,
      %mul3A_634 = arith.constant 6.400000e+01 : f32
      %mul3A_635 = vector.broadcast %mul3A_634 : f32 to vector<16xf32>
      %mul3A_636 = arith.mulf %get3A_630, %mul3A_635 : vector<16xf32>
      %add3A_637 = arith.addf %mul3A_636, %get3A_633 : vector<16xf32>
      %convert_element_type3A_638 = arith.fptosi %add3A_637 : vector<16xf32> to vector<16xi32>
      %le3A_639 = arith.constant 6.400000e+01 : f32
      %le3A_640 = vector.broadcast %le3A_639 : f32 to vector<16xf32>
      %le3A_641 = arith.cmpf ole, %add3A_637, %le3A_640 : vector<16xf32>
      %add3A_642 = arith.addi %convert_element_type3A_638, %mul3A_33 : vector<16xi32>
      %get3A_643 = arith.index_cast %scan3A_583 : i32 to index
      %get3A_644 = arith.constant 48 : index
      %get3A_645 = tpu.vector_load %arg5[%get3A_643, %get3A_644] {strides = array<i32>} : memref<128x128xf32, #tpu.memory_space<vmem>>, vector<16xf32>,
      %get3A_646 = arith.index_cast %scan3A_583 : i32 to index
      %get3A_647 = arith.constant 48 : index
      %get3A_648 = tpu.vector_load %arg7[%get3A_646, %get3A_647] {strides = array<i32>} : memref<128x128xf32, #tpu.memory_space<vmem>>, vector<16xf32>,
      %mul3A_649 = arith.constant 6.400000e+01 : f32
      %mul3A_650 = vector.broadcast %mul3A_649 : f32 to vector<16xf32>
      %mul3A_651 = arith.mulf %get3A_645, %mul3A_650 : vector<16xf32>
      %add3A_652 = arith.addf %mul3A_651, %get3A_648 : vector<16xf32>
      %convert_element_type3A_653 = arith.fptosi %add3A_652 : vector<16xf32> to vector<16xi32>
      %le3A_654 = arith.constant 6.400000e+01 : f32
      %le3A_655 = vector.broadcast %le3A_654 : f32 to vector<16xf32>
      %le3A_656 = arith.cmpf ole, %add3A_652, %le3A_655 : vector<16xf32>
      %add3A_657 = arith.addi %convert_element_type3A_653, %mul3A_33 : vector<16xi32>
      %get3A_658 = arith.index_cast %scan3A_583 : i32 to index
      %get3A_659 = arith.constant 64 : index
      %get3A_660 = tpu.vector_load %arg5[%get3A_658, %get3A_659] {strides = array<i32>} : memref<128x128xf32, #tpu.memory_space<vmem>>, vector<16xf32>,
      %get3A_661 = arith.index_cast %scan3A_583 : i32 to index
      %get3A_662 = arith.constant 64 : index
      %get3A_663 = tpu.vector_load %arg7[%get3A_661, %get3A_662] {strides = array<i32>} : memref<128x128xf32, #tpu.memory_space<vmem>>, vector<16xf32>,
      %mul3A_664 = arith.constant 6.400000e+01 : f32
      %mul3A_665 = vector.broadcast %mul3A_664 : f32 to vector<16xf32>
      %mul3A_666 = arith.mulf %get3A_660, %mul3A_665 : vector<16xf32>
      %add3A_667 = arith.addf %mul3A_666, %get3A_663 : vector<16xf32>
      %convert_element_type3A_668 = arith.fptosi %add3A_667 : vector<16xf32> to vector<16xi32>
      %le3A_669 = arith.constant 6.400000e+01 : f32
      %le3A_670 = vector.broadcast %le3A_669 : f32 to vector<16xf32>
      %le3A_671 = arith.cmpf ole, %add3A_667, %le3A_670 : vector<16xf32>
      %add3A_672 = arith.addi %convert_element_type3A_668, %mul3A_33 : vector<16xi32>
      %get3A_673 = arith.index_cast %scan3A_583 : i32 to index
      %get3A_674 = arith.constant 80 : index
      %get3A_675 = tpu.vector_load %arg5[%get3A_673, %get3A_674] {strides = array<i32>} : memref<128x128xf32, #tpu.memory_space<vmem>>, vector<16xf32>,
      %get3A_676 = arith.index_cast %scan3A_583 : i32 to index
      %get3A_677 = arith.constant 80 : index
      %get3A_678 = tpu.vector_load %arg7[%get3A_676, %get3A_677] {strides = array<i32>} : memref<128x128xf32, #tpu.memory_space<vmem>>, vector<16xf32>,
      %mul3A_679 = arith.constant 6.400000e+01 : f32
      %mul3A_680 = vector.broadcast %mul3A_679 : f32 to vector<16xf32>
      %mul3A_681 = arith.mulf %get3A_675, %mul3A_680 : vector<16xf32>
      %add3A_682 = arith.addf %mul3A_681, %get3A_678 : vector<16xf32>
      %convert_element_type3A_683 = arith.fptosi %add3A_682 : vector<16xf32> to vector<16xi32>
      %le3A_684 = arith.constant 6.400000e+01 : f32
      %le3A_685 = vector.broadcast %le3A_684 : f32 to vector<16xf32>
      %le3A_686 = arith.cmpf ole, %add3A_682, %le3A_685 : vector<16xf32>
      %add3A_687 = arith.addi %convert_element_type3A_683, %mul3A_33 : vector<16xi32>
      %get3A_688 = arith.index_cast %scan3A_583 : i32 to index
      %get3A_689 = arith.constant 96 : index
      %get3A_690 = tpu.vector_load %arg5[%get3A_688, %get3A_689] {strides = array<i32>} : memref<128x128xf32, #tpu.memory_space<vmem>>, vector<16xf32>,
      %get3A_691 = arith.index_cast %scan3A_583 : i32 to index
      %get3A_692 = arith.constant 96 : index
      %get3A_693 = tpu.vector_load %arg7[%get3A_691, %get3A_692] {strides = array<i32>} : memref<128x128xf32, #tpu.memory_space<vmem>>, vector<16xf32>,
      %mul3A_694 = arith.constant 6.400000e+01 : f32
      %mul3A_695 = vector.broadcast %mul3A_694 : f32 to vector<16xf32>
      %mul3A_696 = arith.mulf %get3A_690, %mul3A_695 : vector<16xf32>
      %add3A_697 = arith.addf %mul3A_696, %get3A_693 : vector<16xf32>
      %convert_element_type3A_698 = arith.fptosi %add3A_697 : vector<16xf32> to vector<16xi32>
      %le3A_699 = arith.constant 6.400000e+01 : f32
      %le3A_700 = vector.broadcast %le3A_699 : f32 to vector<16xf32>
      %le3A_701 = arith.cmpf ole, %add3A_697, %le3A_700 : vector<16xf32>
      %add3A_702 = arith.addi %convert_element_type3A_698, %mul3A_33 : vector<16xi32>
      %get3A_703 = arith.index_cast %scan3A_583 : i32 to index
      %get3A_704 = arith.constant 112 : index
      %get3A_705 = tpu.vector_load %arg5[%get3A_703, %get3A_704] {strides = array<i32>} : memref<128x128xf32, #tpu.memory_space<vmem>>, vector<16xf32>,
      %get3A_706 = arith.index_cast %scan3A_583 : i32 to index
      %get3A_707 = arith.constant 112 : index
      %get3A_708 = tpu.vector_load %arg7[%get3A_706, %get3A_707] {strides = array<i32>} : memref<128x128xf32, #tpu.memory_space<vmem>>, vector<16xf32>,
      %mul3A_709 = arith.constant 6.400000e+01 : f32
      %mul3A_710 = vector.broadcast %mul3A_709 : f32 to vector<16xf32>
      %mul3A_711 = arith.mulf %get3A_705, %mul3A_710 : vector<16xf32>
      %add3A_712 = arith.addf %mul3A_711, %get3A_708 : vector<16xf32>
      %convert_element_type3A_713 = arith.fptosi %add3A_712 : vector<16xf32> to vector<16xi32>
      %le3A_714 = arith.constant 6.400000e+01 : f32
      %le3A_715 = vector.broadcast %le3A_714 : f32 to vector<16xf32>
      %le3A_716 = arith.cmpf ole, %add3A_712, %le3A_715 : vector<16xf32>
      %add3A_717 = arith.addi %convert_element_type3A_713, %mul3A_33 : vector<16xi32>
      tpu.vector_store_idx %arg9[%scan3A_584], %broadcast_in_dim3A_34 masked %scan3A_592 {add = true} : memref<1040xf32, #tpu.memory_space<vmem>>[vector<16xi32>], vector<16xf32>, vector<16xi1>
      tpu.vector_store_idx %arg9[%scan3A_585], %broadcast_in_dim3A_34 masked %scan3A_593 {add = true} : memref<1040xf32, #tpu.memory_space<vmem>>[vector<16xi32>], vector<16xf32>, vector<16xi1>
      tpu.vector_store_idx %arg9[%scan3A_586], %broadcast_in_dim3A_34 masked %scan3A_594 {add = true} : memref<1040xf32, #tpu.memory_space<vmem>>[vector<16xi32>], vector<16xf32>, vector<16xi1>
      tpu.vector_store_idx %arg9[%scan3A_587], %broadcast_in_dim3A_34 masked %scan3A_595 {add = true} : memref<1040xf32, #tpu.memory_space<vmem>>[vector<16xi32>], vector<16xf32>, vector<16xi1>
      tpu.vector_store_idx %arg9[%scan3A_588], %broadcast_in_dim3A_34 masked %scan3A_596 {add = true} : memref<1040xf32, #tpu.memory_space<vmem>>[vector<16xi32>], vector<16xf32>, vector<16xi1>
      tpu.vector_store_idx %arg9[%scan3A_589], %broadcast_in_dim3A_34 masked %scan3A_597 {add = true} : memref<1040xf32, #tpu.memory_space<vmem>>[vector<16xi32>], vector<16xf32>, vector<16xi1>
      tpu.vector_store_idx %arg9[%scan3A_590], %broadcast_in_dim3A_34 masked %scan3A_598 {add = true} : memref<1040xf32, #tpu.memory_space<vmem>>[vector<16xi32>], vector<16xf32>, vector<16xi1>
      tpu.vector_store_idx %arg9[%scan3A_591], %broadcast_in_dim3A_34 masked %scan3A_599 {add = true} : memref<1040xf32, #tpu.memory_space<vmem>>[vector<16xi32>], vector<16xf32>, vector<16xi1>
      scf.yield %add3A_612, %add3A_627, %add3A_642, %add3A_657, %add3A_672, %add3A_687, %add3A_702, %add3A_717, %le3A_611, %le3A_626, %le3A_641, %le3A_656, %le3A_671, %le3A_686, %le3A_701, %le3A_716 : vector<16xi32>, vector<16xi32>, vector<16xi32>, vector<16xi32>, vector<16xi32>, vector<16xi32>, vector<16xi32>, vector<16xi32>, vector<16xi1>, vector<16xi1>, vector<16xi1>, vector<16xi1>, vector<16xi1>, vector<16xi1>, vector<16xi1>, vector<16xi1>
    }
    %scan3A_348 = arith.constant 128 : i32
    %dma_wait3A_349 = arith.constant 0 : i32
    %dma_wait3A_350 = arith.constant 384 : i32
    %dma_wait3A_351 = tpu.memref_slice %arg2[%select_n3A, %dma_wait3A_349, %add3A_314, %dma_wait3A_350] : memref<16x1x512x512xf32, #tpu.memory_space<hbm>> -> memref<1x1x128x128xf32, #tpu.memory_space<hbm>>
    %dma_wait3A_352 = tpu.memref_squeeze %dma_wait3A_351 : memref<1x1x128x128xf32, #tpu.memory_space<hbm>> -> memref<128x128xf32, #tpu.memory_space<hbm>>
    %dma_wait3A_353 = arith.constant 384 : i32
    %dma_wait3A_354 = tpu.memref_slice %arg2[%select_n3A, %dma_wait3A_349, %add3A_314, %dma_wait3A_353] : memref<16x1x512x512xf32, #tpu.memory_space<hbm>> -> memref<1x1x128x128xf32, #tpu.memory_space<hbm>>
    %dma_wait3A_355 = tpu.memref_squeeze %dma_wait3A_354 : memref<1x1x128x128xf32, #tpu.memory_space<hbm>> -> memref<128x128xf32, #tpu.memory_space<hbm>>
    tpu.wait_dma2 semaphore(%arg12 : memref<!tpu.dma_semaphore, #tpu.memory_space<semaphore_mem>>) src(%dma_wait3A_355 : memref<128x128xf32, #tpu.memory_space<hbm>>) dst(%arg6 : memref<128x128xf32, #tpu.memory_space<vmem>>)
    %dma_wait3A_356 = arith.constant 0 : i32
    %dma_wait3A_357 = arith.constant 384 : i32
    %dma_wait3A_358 = tpu.memref_slice %arg3[%select_n3A, %dma_wait3A_356, %add3A_314, %dma_wait3A_357] : memref<16x1x512x512xf32, #tpu.memory_space<hbm>> -> memref<1x1x128x128xf32, #tpu.memory_space<hbm>>
    %dma_wait3A_359 = tpu.memref_squeeze %dma_wait3A_358 : memref<1x1x128x128xf32, #tpu.memory_space<hbm>> -> memref<128x128xf32, #tpu.memory_space<hbm>>
    %dma_wait3A_360 = arith.constant 384 : i32
    %dma_wait3A_361 = tpu.memref_slice %arg3[%select_n3A, %dma_wait3A_356, %add3A_314, %dma_wait3A_360] : memref<16x1x512x512xf32, #tpu.memory_space<hbm>> -> memref<1x1x128x128xf32, #tpu.memory_space<hbm>>
    %dma_wait3A_362 = tpu.memref_squeeze %dma_wait3A_361 : memref<1x1x128x128xf32, #tpu.memory_space<hbm>> -> memref<128x128xf32, #tpu.memory_space<hbm>>
    tpu.wait_dma2 semaphore(%arg14 : memref<!tpu.dma_semaphore, #tpu.memory_space<semaphore_mem>>) src(%dma_wait3A_362 : memref<128x128xf32, #tpu.memory_space<hbm>>) dst(%arg8 : memref<128x128xf32, #tpu.memory_space<vmem>>)
    %scan3A_363 = arith.constant 0 : i32
    %scan3A_364 = arith.constant 128 : i32
    %scan3A_365 = arith.addi %scan3A_363, %scan3A_364 : i32
    %scan3A_366 = arith.constant 1 : i32
    %scan3A_367:16 = scf.for %scan3A_583 = %scan3A_363 to %scan3A_365 step %scan3A_366 iter_args(%scan3A_584 = %scan3A_347#0, %scan3A_585 = %scan3A_347#1, %scan3A_586 = %scan3A_347#2, %scan3A_587 = %scan3A_347#3, %scan3A_588 = %scan3A_347#4, %scan3A_589 = %scan3A_347#5, %scan3A_590 = %scan3A_347#6, %scan3A_591 = %scan3A_347#7, %scan3A_592 = %scan3A_347#8, %scan3A_593 = %scan3A_347#9, %scan3A_594 = %scan3A_347#10, %scan3A_595 = %scan3A_347#11, %scan3A_596 = %scan3A_347#12, %scan3A_597 = %scan3A_347#13, %scan3A_598 = %scan3A_347#14, %scan3A_599 = %scan3A_347#15) -> (vector<16xi32>, vector<16xi32>, vector<16xi32>, vector<16xi32>, vector<16xi32>, vector<16xi32>, vector<16xi32>, vector<16xi32>, vector<16xi1>, vector<16xi1>, vector<16xi1>, vector<16xi1>, vector<16xi1>, vector<16xi1>, vector<16xi1>, vector<16xi1>)  : i32 {
      %get3A_600 = arith.index_cast %scan3A_583 : i32 to index
      %get3A_601 = arith.constant 0 : index
      %get3A_602 = tpu.vector_load %arg6[%get3A_600, %get3A_601] {strides = array<i32>} : memref<128x128xf32, #tpu.memory_space<vmem>>, vector<16xf32>,
      %get3A_603 = arith.index_cast %scan3A_583 : i32 to index
      %get3A_604 = arith.constant 0 : index
      %get3A_605 = tpu.vector_load %arg8[%get3A_603, %get3A_604] {strides = array<i32>} : memref<128x128xf32, #tpu.memory_space<vmem>>, vector<16xf32>,
      %mul3A_606 = arith.constant 6.400000e+01 : f32
      %mul3A_607 = vector.broadcast %mul3A_606 : f32 to vector<16xf32>
      %mul3A_608 = arith.mulf %get3A_602, %mul3A_607 : vector<16xf32>
      %add3A_609 = arith.addf %mul3A_608, %get3A_605 : vector<16xf32>
      %convert_element_type3A = arith.fptosi %add3A_609 : vector<16xf32> to vector<16xi32>
      %le3A = arith.constant 6.400000e+01 : f32
      %le3A_610 = vector.broadcast %le3A : f32 to vector<16xf32>
      %le3A_611 = arith.cmpf ole, %add3A_609, %le3A_610 : vector<16xf32>
      %add3A_612 = arith.addi %convert_element_type3A, %mul3A_33 : vector<16xi32>
      %get3A_613 = arith.index_cast %scan3A_583 : i32 to index
      %get3A_614 = arith.constant 16 : index
      %get3A_615 = tpu.vector_load %arg6[%get3A_613, %get3A_614] {strides = array<i32>} : memref<128x128xf32, #tpu.memory_space<vmem>>, vector<16xf32>,
      %get3A_616 = arith.index_cast %scan3A_583 : i32 to index
      %get3A_617 = arith.constant 16 : index
      %get3A_618 = tpu.vector_load %arg8[%get3A_616, %get3A_617] {strides = array<i32>} : memref<128x128xf32, #tpu.memory_space<vmem>>, vector<16xf32>,
      %mul3A_619 = arith.constant 6.400000e+01 : f32
      %mul3A_620 = vector.broadcast %mul3A_619 : f32 to vector<16xf32>
      %mul3A_621 = arith.mulf %get3A_615, %mul3A_620 : vector<16xf32>
      %add3A_622 = arith.addf %mul3A_621, %get3A_618 : vector<16xf32>
      %convert_element_type3A_623 = arith.fptosi %add3A_622 : vector<16xf32> to vector<16xi32>
      %le3A_624 = arith.constant 6.400000e+01 : f32
      %le3A_625 = vector.broadcast %le3A_624 : f32 to vector<16xf32>
      %le3A_626 = arith.cmpf ole, %add3A_622, %le3A_625 : vector<16xf32>
      %add3A_627 = arith.addi %convert_element_type3A_623, %mul3A_33 : vector<16xi32>
      %get3A_628 = arith.index_cast %scan3A_583 : i32 to index
      %get3A_629 = arith.constant 32 : index
      %get3A_630 = tpu.vector_load %arg6[%get3A_628, %get3A_629] {strides = array<i32>} : memref<128x128xf32, #tpu.memory_space<vmem>>, vector<16xf32>,
      %get3A_631 = arith.index_cast %scan3A_583 : i32 to index
      %get3A_632 = arith.constant 32 : index
      %get3A_633 = tpu.vector_load %arg8[%get3A_631, %get3A_632] {strides = array<i32>} : memref<128x128xf32, #tpu.memory_space<vmem>>, vector<16xf32>,
      %mul3A_634 = arith.constant 6.400000e+01 : f32
      %mul3A_635 = vector.broadcast %mul3A_634 : f32 to vector<16xf32>
      %mul3A_636 = arith.mulf %get3A_630, %mul3A_635 : vector<16xf32>
      %add3A_637 = arith.addf %mul3A_636, %get3A_633 : vector<16xf32>
      %convert_element_type3A_638 = arith.fptosi %add3A_637 : vector<16xf32> to vector<16xi32>
      %le3A_639 = arith.constant 6.400000e+01 : f32
      %le3A_640 = vector.broadcast %le3A_639 : f32 to vector<16xf32>
      %le3A_641 = arith.cmpf ole, %add3A_637, %le3A_640 : vector<16xf32>
      %add3A_642 = arith.addi %convert_element_type3A_638, %mul3A_33 : vector<16xi32>
      %get3A_643 = arith.index_cast %scan3A_583 : i32 to index
      %get3A_644 = arith.constant 48 : index
      %get3A_645 = tpu.vector_load %arg6[%get3A_643, %get3A_644] {strides = array<i32>} : memref<128x128xf32, #tpu.memory_space<vmem>>, vector<16xf32>,
      %get3A_646 = arith.index_cast %scan3A_583 : i32 to index
      %get3A_647 = arith.constant 48 : index
      %get3A_648 = tpu.vector_load %arg8[%get3A_646, %get3A_647] {strides = array<i32>} : memref<128x128xf32, #tpu.memory_space<vmem>>, vector<16xf32>,
      %mul3A_649 = arith.constant 6.400000e+01 : f32
      %mul3A_650 = vector.broadcast %mul3A_649 : f32 to vector<16xf32>
      %mul3A_651 = arith.mulf %get3A_645, %mul3A_650 : vector<16xf32>
      %add3A_652 = arith.addf %mul3A_651, %get3A_648 : vector<16xf32>
      %convert_element_type3A_653 = arith.fptosi %add3A_652 : vector<16xf32> to vector<16xi32>
      %le3A_654 = arith.constant 6.400000e+01 : f32
      %le3A_655 = vector.broadcast %le3A_654 : f32 to vector<16xf32>
      %le3A_656 = arith.cmpf ole, %add3A_652, %le3A_655 : vector<16xf32>
      %add3A_657 = arith.addi %convert_element_type3A_653, %mul3A_33 : vector<16xi32>
      %get3A_658 = arith.index_cast %scan3A_583 : i32 to index
      %get3A_659 = arith.constant 64 : index
      %get3A_660 = tpu.vector_load %arg6[%get3A_658, %get3A_659] {strides = array<i32>} : memref<128x128xf32, #tpu.memory_space<vmem>>, vector<16xf32>,
      %get3A_661 = arith.index_cast %scan3A_583 : i32 to index
      %get3A_662 = arith.constant 64 : index
      %get3A_663 = tpu.vector_load %arg8[%get3A_661, %get3A_662] {strides = array<i32>} : memref<128x128xf32, #tpu.memory_space<vmem>>, vector<16xf32>,
      %mul3A_664 = arith.constant 6.400000e+01 : f32
      %mul3A_665 = vector.broadcast %mul3A_664 : f32 to vector<16xf32>
      %mul3A_666 = arith.mulf %get3A_660, %mul3A_665 : vector<16xf32>
      %add3A_667 = arith.addf %mul3A_666, %get3A_663 : vector<16xf32>
      %convert_element_type3A_668 = arith.fptosi %add3A_667 : vector<16xf32> to vector<16xi32>
      %le3A_669 = arith.constant 6.400000e+01 : f32
      %le3A_670 = vector.broadcast %le3A_669 : f32 to vector<16xf32>
      %le3A_671 = arith.cmpf ole, %add3A_667, %le3A_670 : vector<16xf32>
      %add3A_672 = arith.addi %convert_element_type3A_668, %mul3A_33 : vector<16xi32>
      %get3A_673 = arith.index_cast %scan3A_583 : i32 to index
      %get3A_674 = arith.constant 80 : index
      %get3A_675 = tpu.vector_load %arg6[%get3A_673, %get3A_674] {strides = array<i32>} : memref<128x128xf32, #tpu.memory_space<vmem>>, vector<16xf32>,
      %get3A_676 = arith.index_cast %scan3A_583 : i32 to index
      %get3A_677 = arith.constant 80 : index
      %get3A_678 = tpu.vector_load %arg8[%get3A_676, %get3A_677] {strides = array<i32>} : memref<128x128xf32, #tpu.memory_space<vmem>>, vector<16xf32>,
      %mul3A_679 = arith.constant 6.400000e+01 : f32
      %mul3A_680 = vector.broadcast %mul3A_679 : f32 to vector<16xf32>
      %mul3A_681 = arith.mulf %get3A_675, %mul3A_680 : vector<16xf32>
      %add3A_682 = arith.addf %mul3A_681, %get3A_678 : vector<16xf32>
      %convert_element_type3A_683 = arith.fptosi %add3A_682 : vector<16xf32> to vector<16xi32>
      %le3A_684 = arith.constant 6.400000e+01 : f32
      %le3A_685 = vector.broadcast %le3A_684 : f32 to vector<16xf32>
      %le3A_686 = arith.cmpf ole, %add3A_682, %le3A_685 : vector<16xf32>
      %add3A_687 = arith.addi %convert_element_type3A_683, %mul3A_33 : vector<16xi32>
      %get3A_688 = arith.index_cast %scan3A_583 : i32 to index
      %get3A_689 = arith.constant 96 : index
      %get3A_690 = tpu.vector_load %arg6[%get3A_688, %get3A_689] {strides = array<i32>} : memref<128x128xf32, #tpu.memory_space<vmem>>, vector<16xf32>,
      %get3A_691 = arith.index_cast %scan3A_583 : i32 to index
      %get3A_692 = arith.constant 96 : index
      %get3A_693 = tpu.vector_load %arg8[%get3A_691, %get3A_692] {strides = array<i32>} : memref<128x128xf32, #tpu.memory_space<vmem>>, vector<16xf32>,
      %mul3A_694 = arith.constant 6.400000e+01 : f32
      %mul3A_695 = vector.broadcast %mul3A_694 : f32 to vector<16xf32>
      %mul3A_696 = arith.mulf %get3A_690, %mul3A_695 : vector<16xf32>
      %add3A_697 = arith.addf %mul3A_696, %get3A_693 : vector<16xf32>
      %convert_element_type3A_698 = arith.fptosi %add3A_697 : vector<16xf32> to vector<16xi32>
      %le3A_699 = arith.constant 6.400000e+01 : f32
      %le3A_700 = vector.broadcast %le3A_699 : f32 to vector<16xf32>
      %le3A_701 = arith.cmpf ole, %add3A_697, %le3A_700 : vector<16xf32>
      %add3A_702 = arith.addi %convert_element_type3A_698, %mul3A_33 : vector<16xi32>
      %get3A_703 = arith.index_cast %scan3A_583 : i32 to index
      %get3A_704 = arith.constant 112 : index
      %get3A_705 = tpu.vector_load %arg6[%get3A_703, %get3A_704] {strides = array<i32>} : memref<128x128xf32, #tpu.memory_space<vmem>>, vector<16xf32>,
      %get3A_706 = arith.index_cast %scan3A_583 : i32 to index
      %get3A_707 = arith.constant 112 : index
      %get3A_708 = tpu.vector_load %arg8[%get3A_706, %get3A_707] {strides = array<i32>} : memref<128x128xf32, #tpu.memory_space<vmem>>, vector<16xf32>,
      %mul3A_709 = arith.constant 6.400000e+01 : f32
      %mul3A_710 = vector.broadcast %mul3A_709 : f32 to vector<16xf32>
      %mul3A_711 = arith.mulf %get3A_705, %mul3A_710 : vector<16xf32>
      %add3A_712 = arith.addf %mul3A_711, %get3A_708 : vector<16xf32>
      %convert_element_type3A_713 = arith.fptosi %add3A_712 : vector<16xf32> to vector<16xi32>
      %le3A_714 = arith.constant 6.400000e+01 : f32
      %le3A_715 = vector.broadcast %le3A_714 : f32 to vector<16xf32>
      %le3A_716 = arith.cmpf ole, %add3A_712, %le3A_715 : vector<16xf32>
      %add3A_717 = arith.addi %convert_element_type3A_713, %mul3A_33 : vector<16xi32>
      tpu.vector_store_idx %arg9[%scan3A_584], %broadcast_in_dim3A_34 masked %scan3A_592 {add = true} : memref<1040xf32, #tpu.memory_space<vmem>>[vector<16xi32>], vector<16xf32>, vector<16xi1>
      tpu.vector_store_idx %arg9[%scan3A_585], %broadcast_in_dim3A_34 masked %scan3A_593 {add = true} : memref<1040xf32, #tpu.memory_space<vmem>>[vector<16xi32>], vector<16xf32>, vector<16xi1>
      tpu.vector_store_idx %arg9[%scan3A_586], %broadcast_in_dim3A_34 masked %scan3A_594 {add = true} : memref<1040xf32, #tpu.memory_space<vmem>>[vector<16xi32>], vector<16xf32>, vector<16xi1>
      tpu.vector_store_idx %arg9[%scan3A_587], %broadcast_in_dim3A_34 masked %scan3A_595 {add = true} : memref<1040xf32, #tpu.memory_space<vmem>>[vector<16xi32>], vector<16xf32>, vector<16xi1>
      tpu.vector_store_idx %arg9[%scan3A_588], %broadcast_in_dim3A_34 masked %scan3A_596 {add = true} : memref<1040xf32, #tpu.memory_space<vmem>>[vector<16xi32>], vector<16xf32>, vector<16xi1>
      tpu.vector_store_idx %arg9[%scan3A_589], %broadcast_in_dim3A_34 masked %scan3A_597 {add = true} : memref<1040xf32, #tpu.memory_space<vmem>>[vector<16xi32>], vector<16xf32>, vector<16xi1>
      tpu.vector_store_idx %arg9[%scan3A_590], %broadcast_in_dim3A_34 masked %scan3A_598 {add = true} : memref<1040xf32, #tpu.memory_space<vmem>>[vector<16xi32>], vector<16xf32>, vector<16xi1>
      tpu.vector_store_idx %arg9[%scan3A_591], %broadcast_in_dim3A_34 masked %scan3A_599 {add = true} : memref<1040xf32, #tpu.memory_space<vmem>>[vector<16xi32>], vector<16xf32>, vector<16xi1>
      scf.yield %add3A_612, %add3A_627, %add3A_642, %add3A_657, %add3A_672, %add3A_687, %add3A_702, %add3A_717, %le3A_611, %le3A_626, %le3A_641, %le3A_656, %le3A_671, %le3A_686, %le3A_701, %le3A_716 : vector<16xi32>, vector<16xi32>, vector<16xi32>, vector<16xi32>, vector<16xi32>, vector<16xi32>, vector<16xi32>, vector<16xi32>, vector<16xi1>, vector<16xi1>, vector<16xi1>, vector<16xi1>, vector<16xi1>, vector<16xi1>, vector<16xi1>, vector<16xi1>
    }
    %scan3A_368 = arith.constant 128 : i32
    tpu.vector_store_idx %arg9[%scan3A_367#0], %broadcast_in_dim3A_34 masked %scan3A_367#8 {add = true} : memref<1040xf32, #tpu.memory_space<vmem>>[vector<16xi32>], vector<16xf32>, vector<16xi1>
    tpu.vector_store_idx %arg9[%scan3A_367#1], %broadcast_in_dim3A_34 masked %scan3A_367#9 {add = true} : memref<1040xf32, #tpu.memory_space<vmem>>[vector<16xi32>], vector<16xf32>, vector<16xi1>
    tpu.vector_store_idx %arg9[%scan3A_367#2], %broadcast_in_dim3A_34 masked %scan3A_367#10 {add = true} : memref<1040xf32, #tpu.memory_space<vmem>>[vector<16xi32>], vector<16xf32>, vector<16xi1>
    tpu.vector_store_idx %arg9[%scan3A_367#3], %broadcast_in_dim3A_34 masked %scan3A_367#11 {add = true} : memref<1040xf32, #tpu.memory_space<vmem>>[vector<16xi32>], vector<16xf32>, vector<16xi1>
    tpu.vector_store_idx %arg9[%scan3A_367#4], %broadcast_in_dim3A_34 masked %scan3A_367#12 {add = true} : memref<1040xf32, #tpu.memory_space<vmem>>[vector<16xi32>], vector<16xf32>, vector<16xi1>
    tpu.vector_store_idx %arg9[%scan3A_367#5], %broadcast_in_dim3A_34 masked %scan3A_367#13 {add = true} : memref<1040xf32, #tpu.memory_space<vmem>>[vector<16xi32>], vector<16xf32>, vector<16xi1>
    tpu.vector_store_idx %arg9[%scan3A_367#6], %broadcast_in_dim3A_34 masked %scan3A_367#14 {add = true} : memref<1040xf32, #tpu.memory_space<vmem>>[vector<16xi32>], vector<16xf32>, vector<16xi1>
    tpu.vector_store_idx %arg9[%scan3A_367#7], %broadcast_in_dim3A_34 masked %scan3A_367#15 {add = true} : memref<1040xf32, #tpu.memory_space<vmem>>[vector<16xi32>], vector<16xf32>, vector<16xi1>
    %get3A = arith.constant 0 : index
    %get3A_369 = tpu.vector_load %arg9[%get3A] {strides = array<i32>} : memref<1040xf32, #tpu.memory_space<vmem>>, vector<16xf32>,
    %get3A_370 = arith.constant 65 : index
    %get3A_371 = tpu.vector_load %arg9[%get3A_370] {strides = array<i32>} : memref<1040xf32, #tpu.memory_space<vmem>>, vector<16xf32>,
    %add3A_372 = arith.addf %get3A_369, %get3A_371 : vector<16xf32>
    %get3A_373 = arith.constant 130 : index
    %get3A_374 = tpu.vector_load %arg9[%get3A_373] {strides = array<i32>} : memref<1040xf32, #tpu.memory_space<vmem>>, vector<16xf32>,
    %add3A_375 = arith.addf %add3A_372, %get3A_374 : vector<16xf32>
    %get3A_376 = arith.constant 195 : index
    %get3A_377 = tpu.vector_load %arg9[%get3A_376] {strides = array<i32>} : memref<1040xf32, #tpu.memory_space<vmem>>, vector<16xf32>,
    %add3A_378 = arith.addf %add3A_375, %get3A_377 : vector<16xf32>
    %get3A_379 = arith.constant 260 : index
    %get3A_380 = tpu.vector_load %arg9[%get3A_379] {strides = array<i32>} : memref<1040xf32, #tpu.memory_space<vmem>>, vector<16xf32>,
    %add3A_381 = arith.addf %add3A_378, %get3A_380 : vector<16xf32>
    %get3A_382 = arith.constant 325 : index
    %get3A_383 = tpu.vector_load %arg9[%get3A_382] {strides = array<i32>} : memref<1040xf32, #tpu.memory_space<vmem>>, vector<16xf32>,
    %add3A_384 = arith.addf %add3A_381, %get3A_383 : vector<16xf32>
    %get3A_385 = arith.constant 390 : index
    %get3A_386 = tpu.vector_load %arg9[%get3A_385] {strides = array<i32>} : memref<1040xf32, #tpu.memory_space<vmem>>, vector<16xf32>,
    %add3A_387 = arith.addf %add3A_384, %get3A_386 : vector<16xf32>
    %get3A_388 = arith.constant 455 : index
    %get3A_389 = tpu.vector_load %arg9[%get3A_388] {strides = array<i32>} : memref<1040xf32, #tpu.memory_space<vmem>>, vector<16xf32>,
    %add3A_390 = arith.addf %add3A_387, %get3A_389 : vector<16xf32>
    %get3A_391 = arith.constant 520 : index
    %get3A_392 = tpu.vector_load %arg9[%get3A_391] {strides = array<i32>} : memref<1040xf32, #tpu.memory_space<vmem>>, vector<16xf32>,
    %add3A_393 = arith.addf %add3A_390, %get3A_392 : vector<16xf32>
    %get3A_394 = arith.constant 585 : index
    %get3A_395 = tpu.vector_load %arg9[%get3A_394] {strides = array<i32>} : memref<1040xf32, #tpu.memory_space<vmem>>, vector<16xf32>,
    %add3A_396 = arith.addf %add3A_393, %get3A_395 : vector<16xf32>
    %get3A_397 = arith.constant 650 : index
    %get3A_398 = tpu.vector_load %arg9[%get3A_397] {strides = array<i32>} : memref<1040xf32, #tpu.memory_space<vmem>>, vector<16xf32>,
    %add3A_399 = arith.addf %add3A_396, %get3A_398 : vector<16xf32>
    %get3A_400 = arith.constant 715 : index
    %get3A_401 = tpu.vector_load %arg9[%get3A_400] {strides = array<i32>} : memref<1040xf32, #tpu.memory_space<vmem>>, vector<16xf32>,
    %add3A_402 = arith.addf %add3A_399, %get3A_401 : vector<16xf32>
    %get3A_403 = arith.constant 780 : index
    %get3A_404 = tpu.vector_load %arg9[%get3A_403] {strides = array<i32>} : memref<1040xf32, #tpu.memory_space<vmem>>, vector<16xf32>,
    %add3A_405 = arith.addf %add3A_402, %get3A_404 : vector<16xf32>
    %get3A_406 = arith.constant 845 : index
    %get3A_407 = tpu.vector_load %arg9[%get3A_406] {strides = array<i32>} : memref<1040xf32, #tpu.memory_space<vmem>>, vector<16xf32>,
    %add3A_408 = arith.addf %add3A_405, %get3A_407 : vector<16xf32>
    %get3A_409 = arith.constant 910 : index
    %get3A_410 = tpu.vector_load %arg9[%get3A_409] {strides = array<i32>} : memref<1040xf32, #tpu.memory_space<vmem>>, vector<16xf32>,
    %add3A_411 = arith.addf %add3A_408, %get3A_410 : vector<16xf32>
    %get3A_412 = arith.constant 975 : index
    %get3A_413 = tpu.vector_load %arg9[%get3A_412] {strides = array<i32>} : memref<1040xf32, #tpu.memory_space<vmem>>, vector<16xf32>,
    %add3A_414 = arith.addf %add3A_411, %get3A_413 : vector<16xf32>
    %swap3A = arith.constant 0 : index
    %swap3A_415 = tpu.vector_load %arg10[%swap3A] {strides = array<i32>} : memref<64xf32, #tpu.memory_space<vmem>>, vector<16xf32>,
    tpu.vector_store %arg10[%swap3A], %add3A_414 {strides = array<i32>} : memref<64xf32, #tpu.memory_space<vmem>>, vector<16xf32>,
    %get3A_416 = arith.constant 16 : index
    %get3A_417 = tpu.vector_load %arg9[%get3A_416] {strides = array<i32>} : memref<1040xf32, #tpu.memory_space<vmem>>, vector<16xf32>,
    %get3A_418 = arith.constant 81 : index
    %get3A_419 = tpu.vector_load %arg9[%get3A_418] {strides = array<i32>} : memref<1040xf32, #tpu.memory_space<vmem>>, vector<16xf32>,
    %add3A_420 = arith.addf %get3A_417, %get3A_419 : vector<16xf32>
    %get3A_421 = arith.constant 146 : index
    %get3A_422 = tpu.vector_load %arg9[%get3A_421] {strides = array<i32>} : memref<1040xf32, #tpu.memory_space<vmem>>, vector<16xf32>,
    %add3A_423 = arith.addf %add3A_420, %get3A_422 : vector<16xf32>
    %get3A_424 = arith.constant 211 : index
    %get3A_425 = tpu.vector_load %arg9[%get3A_424] {strides = array<i32>} : memref<1040xf32, #tpu.memory_space<vmem>>, vector<16xf32>,
    %add3A_426 = arith.addf %add3A_423, %get3A_425 : vector<16xf32>
    %get3A_427 = arith.constant 276 : index
    %get3A_428 = tpu.vector_load %arg9[%get3A_427] {strides = array<i32>} : memref<1040xf32, #tpu.memory_space<vmem>>, vector<16xf32>,
    %add3A_429 = arith.addf %add3A_426, %get3A_428 : vector<16xf32>
    %get3A_430 = arith.constant 341 : index
    %get3A_431 = tpu.vector_load %arg9[%get3A_430] {strides = array<i32>} : memref<1040xf32, #tpu.memory_space<vmem>>, vector<16xf32>,
    %add3A_432 = arith.addf %add3A_429, %get3A_431 : vector<16xf32>
    %get3A_433 = arith.constant 406 : index
    %get3A_434 = tpu.vector_load %arg9[%get3A_433] {strides = array<i32>} : memref<1040xf32, #tpu.memory_space<vmem>>, vector<16xf32>,
    %add3A_435 = arith.addf %add3A_432, %get3A_434 : vector<16xf32>
    %get3A_436 = arith.constant 471 : index
    %get3A_437 = tpu.vector_load %arg9[%get3A_436] {strides = array<i32>} : memref<1040xf32, #tpu.memory_space<vmem>>, vector<16xf32>,
    %add3A_438 = arith.addf %add3A_435, %get3A_437 : vector<16xf32>
    %get3A_439 = arith.constant 536 : index
    %get3A_440 = tpu.vector_load %arg9[%get3A_439] {strides = array<i32>} : memref<1040xf32, #tpu.memory_space<vmem>>, vector<16xf32>,
    %add3A_441 = arith.addf %add3A_438, %get3A_440 : vector<16xf32>
    %get3A_442 = arith.constant 601 : index
    %get3A_443 = tpu.vector_load %arg9[%get3A_442] {strides = array<i32>} : memref<1040xf32, #tpu.memory_space<vmem>>, vector<16xf32>,
    %add3A_444 = arith.addf %add3A_441, %get3A_443 : vector<16xf32>
    %get3A_445 = arith.constant 666 : index
    %get3A_446 = tpu.vector_load %arg9[%get3A_445] {strides = array<i32>} : memref<1040xf32, #tpu.memory_space<vmem>>, vector<16xf32>,
    %add3A_447 = arith.addf %add3A_444, %get3A_446 : vector<16xf32>
    %get3A_448 = arith.constant 731 : index
    %get3A_449 = tpu.vector_load %arg9[%get3A_448] {strides = array<i32>} : memref<1040xf32, #tpu.memory_space<vmem>>, vector<16xf32>,
    %add3A_450 = arith.addf %add3A_447, %get3A_449 : vector<16xf32>
    %get3A_451 = arith.constant 796 : index
    %get3A_452 = tpu.vector_load %arg9[%get3A_451] {strides = array<i32>} : memref<1040xf32, #tpu.memory_space<vmem>>, vector<16xf32>,
    %add3A_453 = arith.addf %add3A_450, %get3A_452 : vector<16xf32>
    %get3A_454 = arith.constant 861 : index
    %get3A_455 = tpu.vector_load %arg9[%get3A_454] {strides = array<i32>} : memref<1040xf32, #tpu.memory_space<vmem>>, vector<16xf32>,
    %add3A_456 = arith.addf %add3A_453, %get3A_455 : vector<16xf32>
    %get3A_457 = arith.constant 926 : index
    %get3A_458 = tpu.vector_load %arg9[%get3A_457] {strides = array<i32>} : memref<1040xf32, #tpu.memory_space<vmem>>, vector<16xf32>,
    %add3A_459 = arith.addf %add3A_456, %get3A_458 : vector<16xf32>
    %get3A_460 = arith.constant 991 : index
    %get3A_461 = tpu.vector_load %arg9[%get3A_460] {strides = array<i32>} : memref<1040xf32, #tpu.memory_space<vmem>>, vector<16xf32>,
    %add3A_462 = arith.addf %add3A_459, %get3A_461 : vector<16xf32>
    %swap3A_463 = arith.constant 16 : index
    %swap3A_464 = tpu.vector_load %arg10[%swap3A_463] {strides = array<i32>} : memref<64xf32, #tpu.memory_space<vmem>>, vector<16xf32>,
    tpu.vector_store %arg10[%swap3A_463], %add3A_462 {strides = array<i32>} : memref<64xf32, #tpu.memory_space<vmem>>, vector<16xf32>,
    %get3A_465 = arith.constant 32 : index
    %get3A_466 = tpu.vector_load %arg9[%get3A_465] {strides = array<i32>} : memref<1040xf32, #tpu.memory_space<vmem>>, vector<16xf32>,
    %get3A_467 = arith.constant 97 : index
    %get3A_468 = tpu.vector_load %arg9[%get3A_467] {strides = array<i32>} : memref<1040xf32, #tpu.memory_space<vmem>>, vector<16xf32>,
    %add3A_469 = arith.addf %get3A_466, %get3A_468 : vector<16xf32>
    %get3A_470 = arith.constant 162 : index
    %get3A_471 = tpu.vector_load %arg9[%get3A_470] {strides = array<i32>} : memref<1040xf32, #tpu.memory_space<vmem>>, vector<16xf32>,
    %add3A_472 = arith.addf %add3A_469, %get3A_471 : vector<16xf32>
    %get3A_473 = arith.constant 227 : index
    %get3A_474 = tpu.vector_load %arg9[%get3A_473] {strides = array<i32>} : memref<1040xf32, #tpu.memory_space<vmem>>, vector<16xf32>,
    %add3A_475 = arith.addf %add3A_472, %get3A_474 : vector<16xf32>
    %get3A_476 = arith.constant 292 : index
    %get3A_477 = tpu.vector_load %arg9[%get3A_476] {strides = array<i32>} : memref<1040xf32, #tpu.memory_space<vmem>>, vector<16xf32>,
    %add3A_478 = arith.addf %add3A_475, %get3A_477 : vector<16xf32>
    %get3A_479 = arith.constant 357 : index
    %get3A_480 = tpu.vector_load %arg9[%get3A_479] {strides = array<i32>} : memref<1040xf32, #tpu.memory_space<vmem>>, vector<16xf32>,
    %add3A_481 = arith.addf %add3A_478, %get3A_480 : vector<16xf32>
    %get3A_482 = arith.constant 422 : index
    %get3A_483 = tpu.vector_load %arg9[%get3A_482] {strides = array<i32>} : memref<1040xf32, #tpu.memory_space<vmem>>, vector<16xf32>,
    %add3A_484 = arith.addf %add3A_481, %get3A_483 : vector<16xf32>
    %get3A_485 = arith.constant 487 : index
    %get3A_486 = tpu.vector_load %arg9[%get3A_485] {strides = array<i32>} : memref<1040xf32, #tpu.memory_space<vmem>>, vector<16xf32>,
    %add3A_487 = arith.addf %add3A_484, %get3A_486 : vector<16xf32>
    %get3A_488 = arith.constant 552 : index
    %get3A_489 = tpu.vector_load %arg9[%get3A_488] {strides = array<i32>} : memref<1040xf32, #tpu.memory_space<vmem>>, vector<16xf32>,
    %add3A_490 = arith.addf %add3A_487, %get3A_489 : vector<16xf32>
    %get3A_491 = arith.constant 617 : index
    %get3A_492 = tpu.vector_load %arg9[%get3A_491] {strides = array<i32>} : memref<1040xf32, #tpu.memory_space<vmem>>, vector<16xf32>,
    %add3A_493 = arith.addf %add3A_490, %get3A_492 : vector<16xf32>
    %get3A_494 = arith.constant 682 : index
    %get3A_495 = tpu.vector_load %arg9[%get3A_494] {strides = array<i32>} : memref<1040xf32, #tpu.memory_space<vmem>>, vector<16xf32>,
    %add3A_496 = arith.addf %add3A_493, %get3A_495 : vector<16xf32>
    %get3A_497 = arith.constant 747 : index
    %get3A_498 = tpu.vector_load %arg9[%get3A_497] {strides = array<i32>} : memref<1040xf32, #tpu.memory_space<vmem>>, vector<16xf32>,
    %add3A_499 = arith.addf %add3A_496, %get3A_498 : vector<16xf32>
    %get3A_500 = arith.constant 812 : index
    %get3A_501 = tpu.vector_load %arg9[%get3A_500] {strides = array<i32>} : memref<1040xf32, #tpu.memory_space<vmem>>, vector<16xf32>,
    %add3A_502 = arith.addf %add3A_499, %get3A_501 : vector<16xf32>
    %get3A_503 = arith.constant 877 : index
    %get3A_504 = tpu.vector_load %arg9[%get3A_503] {strides = array<i32>} : memref<1040xf32, #tpu.memory_space<vmem>>, vector<16xf32>,
    %add3A_505 = arith.addf %add3A_502, %get3A_504 : vector<16xf32>
    %get3A_506 = arith.constant 942 : index
    %get3A_507 = tpu.vector_load %arg9[%get3A_506] {strides = array<i32>} : memref<1040xf32, #tpu.memory_space<vmem>>, vector<16xf32>,
    %add3A_508 = arith.addf %add3A_505, %get3A_507 : vector<16xf32>
    %get3A_509 = arith.constant 1007 : index
    %get3A_510 = tpu.vector_load %arg9[%get3A_509] {strides = array<i32>} : memref<1040xf32, #tpu.memory_space<vmem>>, vector<16xf32>,
    %add3A_511 = arith.addf %add3A_508, %get3A_510 : vector<16xf32>
    %swap3A_512 = arith.constant 32 : index
    %swap3A_513 = tpu.vector_load %arg10[%swap3A_512] {strides = array<i32>} : memref<64xf32, #tpu.memory_space<vmem>>, vector<16xf32>,
    tpu.vector_store %arg10[%swap3A_512], %add3A_511 {strides = array<i32>} : memref<64xf32, #tpu.memory_space<vmem>>, vector<16xf32>,
    %get3A_514 = arith.constant 48 : index
    %get3A_515 = tpu.vector_load %arg9[%get3A_514] {strides = array<i32>} : memref<1040xf32, #tpu.memory_space<vmem>>, vector<16xf32>,
    %get3A_516 = arith.constant 113 : index
    %get3A_517 = tpu.vector_load %arg9[%get3A_516] {strides = array<i32>} : memref<1040xf32, #tpu.memory_space<vmem>>, vector<16xf32>,
    %add3A_518 = arith.addf %get3A_515, %get3A_517 : vector<16xf32>
    %get3A_519 = arith.constant 178 : index
    %get3A_520 = tpu.vector_load %arg9[%get3A_519] {strides = array<i32>} : memref<1040xf32, #tpu.memory_space<vmem>>, vector<16xf32>,
    %add3A_521 = arith.addf %add3A_518, %get3A_520 : vector<16xf32>
    %get3A_522 = arith.constant 243 : index
    %get3A_523 = tpu.vector_load %arg9[%get3A_522] {strides = array<i32>} : memref<1040xf32, #tpu.memory_space<vmem>>, vector<16xf32>,
    %add3A_524 = arith.addf %add3A_521, %get3A_523 : vector<16xf32>
    %get3A_525 = arith.constant 308 : index
    %get3A_526 = tpu.vector_load %arg9[%get3A_525] {strides = array<i32>} : memref<1040xf32, #tpu.memory_space<vmem>>, vector<16xf32>,
    %add3A_527 = arith.addf %add3A_524, %get3A_526 : vector<16xf32>
    %get3A_528 = arith.constant 373 : index
    %get3A_529 = tpu.vector_load %arg9[%get3A_528] {strides = array<i32>} : memref<1040xf32, #tpu.memory_space<vmem>>, vector<16xf32>,
    %add3A_530 = arith.addf %add3A_527, %get3A_529 : vector<16xf32>
    %get3A_531 = arith.constant 438 : index
    %get3A_532 = tpu.vector_load %arg9[%get3A_531] {strides = array<i32>} : memref<1040xf32, #tpu.memory_space<vmem>>, vector<16xf32>,
    %add3A_533 = arith.addf %add3A_530, %get3A_532 : vector<16xf32>
    %get3A_534 = arith.constant 503 : index
    %get3A_535 = tpu.vector_load %arg9[%get3A_534] {strides = array<i32>} : memref<1040xf32, #tpu.memory_space<vmem>>, vector<16xf32>,
    %add3A_536 = arith.addf %add3A_533, %get3A_535 : vector<16xf32>
    %get3A_537 = arith.constant 568 : index
    %get3A_538 = tpu.vector_load %arg9[%get3A_537] {strides = array<i32>} : memref<1040xf32, #tpu.memory_space<vmem>>, vector<16xf32>,
    %add3A_539 = arith.addf %add3A_536, %get3A_538 : vector<16xf32>
    %get3A_540 = arith.constant 633 : index
    %get3A_541 = tpu.vector_load %arg9[%get3A_540] {strides = array<i32>} : memref<1040xf32, #tpu.memory_space<vmem>>, vector<16xf32>,
    %add3A_542 = arith.addf %add3A_539, %get3A_541 : vector<16xf32>
    %get3A_543 = arith.constant 698 : index
    %get3A_544 = tpu.vector_load %arg9[%get3A_543] {strides = array<i32>} : memref<1040xf32, #tpu.memory_space<vmem>>, vector<16xf32>,
    %add3A_545 = arith.addf %add3A_542, %get3A_544 : vector<16xf32>
    %get3A_546 = arith.constant 763 : index
    %get3A_547 = tpu.vector_load %arg9[%get3A_546] {strides = array<i32>} : memref<1040xf32, #tpu.memory_space<vmem>>, vector<16xf32>,
    %add3A_548 = arith.addf %add3A_545, %get3A_547 : vector<16xf32>
    %get3A_549 = arith.constant 828 : index
    %get3A_550 = tpu.vector_load %arg9[%get3A_549] {strides = array<i32>} : memref<1040xf32, #tpu.memory_space<vmem>>, vector<16xf32>,
    %add3A_551 = arith.addf %add3A_548, %get3A_550 : vector<16xf32>
    %get3A_552 = arith.constant 893 : index
    %get3A_553 = tpu.vector_load %arg9[%get3A_552] {strides = array<i32>} : memref<1040xf32, #tpu.memory_space<vmem>>, vector<16xf32>,
    %add3A_554 = arith.addf %add3A_551, %get3A_553 : vector<16xf32>
    %get3A_555 = arith.constant 958 : index
    %get3A_556 = tpu.vector_load %arg9[%get3A_555] {strides = array<i32>} : memref<1040xf32, #tpu.memory_space<vmem>>, vector<16xf32>,
    %add3A_557 = arith.addf %add3A_554, %get3A_556 : vector<16xf32>
    %get3A_558 = arith.constant 1023 : index
    %get3A_559 = tpu.vector_load %arg9[%get3A_558] {strides = array<i32>} : memref<1040xf32, #tpu.memory_space<vmem>>, vector<16xf32>,
    %add3A_560 = arith.addf %add3A_557, %get3A_559 : vector<16xf32>
    %mul3A_561 = arith.constant 65 : i32
    %mul3A_562 = vector.broadcast %mul3A_561 : i32 to vector<16xi32>
    %mul3A_563 = arith.muli %iota3A, %mul3A_562 : vector<16xi32>
    %add3A_564 = arith.constant 64 : i32
    %add3A_565 = vector.broadcast %add3A_564 : i32 to vector<16xi32>
    %add3A_566 = arith.addi %mul3A_563, %add3A_565 : vector<16xi32>
    %gather3A = tpu.vector_load_idx %arg9[%add3A_566] : memref<1040xf32, #tpu.memory_space<vmem>>[vector<16xi32>], vector<16xf32>,
    %reduce_sum3A = arith.constant true
    %reduce_sum3A_567 = vector.broadcast %reduce_sum3A : i1 to vector<16xi1>
    %reduce_sum3A_568 = tpu.scan <sum>, %gather3A masked %reduce_sum3A_567 : vector<16xf32>, vector<16xi1> -> vector<16xf32>
    %reduce_sum3A_569 = vector.extract %reduce_sum3A_568[15] : f32 from vector<16xf32>
    %eq3A_570 = arith.constant 15 : i32
    %eq3A_571 = vector.broadcast %eq3A_570 : i32 to vector<16xi32>
    %eq3A_572 = arith.cmpi eq, %iota3A, %eq3A_571 : vector<16xi32>
    %jit3A_573 = arith.constant 0.000000e+00 : f32
    %broadcast_in_dim3A_574 = vector.broadcast %reduce_sum3A_569 : f32 to vector<16xf32>
    %broadcast_in_dim3A_575 = vector.broadcast %jit3A_573 : f32 to vector<16xf32>
    %select_n3A_576 = arith.select %eq3A_572, %broadcast_in_dim3A_574, %broadcast_in_dim3A_575 : vector<16xi1>, vector<16xf32>
    %add3A_577 = arith.addf %add3A_560, %select_n3A_576 : vector<16xf32>
    %swap3A_578 = arith.constant 48 : index
    %swap3A_579 = tpu.vector_load %arg10[%swap3A_578] {strides = array<i32>} : memref<64xf32, #tpu.memory_space<vmem>>, vector<16xf32>,
    tpu.vector_store %arg10[%swap3A_578], %add3A_577 {strides = array<i32>} : memref<64xf32, #tpu.memory_space<vmem>>, vector<16xf32>,
    %mul3A_580 = arith.constant 16 : i32
    %mul3A_581 = arith.muli %select_n3A_30, %mul3A_580 : i32
    %add3A_582 = arith.addi %mul3A_581, %select_n3A : i32
    "tpu.region"() ({
      %run_scoped3A = tpu.sem_alloc : memref<!tpu.dma_semaphore, #tpu.memory_space<semaphore_mem>>
      %dma_start3A_583 = arith.constant 0 : i32
      %dma_start3A_584 = tpu.memref_slice %arg4[%add3A_582, %dma_start3A_583] : memref<32x64xf32, #tpu.memory_space<hbm>> -> memref<1x64xf32, #tpu.memory_space<hbm>>
      %dma_start3A_585 = tpu.memref_squeeze %dma_start3A_584 : memref<1x64xf32, #tpu.memory_space<hbm>> -> memref<64xf32, #tpu.memory_space<hbm>>
      %dma_start3A_586 = arith.constant 0 : i32
      %dma_start3A_587 = tpu.memref_slice %arg4[%add3A_582, %dma_start3A_586] : memref<32x64xf32, #tpu.memory_space<hbm>> -> memref<1x64xf32, #tpu.memory_space<hbm>>
      %dma_start3A_588 = tpu.memref_squeeze %dma_start3A_587 : memref<1x64xf32, #tpu.memory_space<hbm>> -> memref<64xf32, #tpu.memory_space<hbm>>
      tpu.enqueue_dma source(%arg10 : memref<64xf32, #tpu.memory_space<vmem>>) target(%dma_start3A_588 : memref<64xf32, #tpu.memory_space<hbm>>) target_semaphore(%run_scoped3A : memref<!tpu.dma_semaphore, #tpu.memory_space<semaphore_mem>>)
      %dma_wait3A_589 = arith.constant 0 : i32
      %dma_wait3A_590 = tpu.memref_slice %arg4[%add3A_582, %dma_wait3A_589] : memref<32x64xf32, #tpu.memory_space<hbm>> -> memref<1x64xf32, #tpu.memory_space<hbm>>
      %dma_wait3A_591 = tpu.memref_squeeze %dma_wait3A_590 : memref<1x64xf32, #tpu.memory_space<hbm>> -> memref<64xf32, #tpu.memory_space<hbm>>
      %dma_wait3A_592 = arith.constant 0 : i32
      %dma_wait3A_593 = tpu.memref_slice %arg4[%add3A_582, %dma_wait3A_592] : memref<32x64xf32, #tpu.memory_space<hbm>> -> memref<1x64xf32, #tpu.memory_space<hbm>>
      %dma_wait3A_594 = tpu.memref_squeeze %dma_wait3A_593 : memref<1x64xf32, #tpu.memory_space<hbm>> -> memref<64xf32, #tpu.memory_space<hbm>>
      tpu.wait_dma2 semaphore(%run_scoped3A : memref<!tpu.dma_semaphore, #tpu.memory_space<semaphore_mem>>) src(%arg10 : memref<64xf32, #tpu.memory_space<vmem>>) dst(%dma_wait3A_594 : memref<64xf32, #tpu.memory_space<hbm>>)
      tpu.yield
    }) : () -> ()
    return
  }
}

module attributes {stable_mosaic.version = 14 : i64} {
  func.func @_mi_body(%arg0: memref<32x64xf32, #tpu.memory_space<vmem>>, %arg1: memref<1x1xf32, #tpu.memory_space<vmem>>) attributes {dimension_semantics = [], scalar_prefetch = 0 : i64, scratch_operands = 0 : i64, tpu.core_type = #tpu.core_type<tc>} {
    %get3A = arith.constant 0 : index
    %get3A_0 = arith.constant 0 : index
    %get3A_1 = vector.load %arg0[%get3A, %get3A_0] : memref<32x64xf32, #tpu.memory_space<vmem>>, vector<32x64xf32>
    %slice3A = vector.extract_strided_slice %get3A_1 {offsets = [0, 0], sizes = [16, 64], strides = [1, 1]} : vector<32x64xf32> to vector<16x64xf32>
    %slice3A_2 = vector.extract_strided_slice %get3A_1 {offsets = [16, 0], sizes = [16, 64], strides = [1, 1]} : vector<32x64xf32> to vector<16x64xf32>
    %add3A = arith.addf %slice3A, %slice3A_2 : vector<16x64xf32>
    %reduce_sum3A = arith.constant dense<0.000000e+00> : vector<16xf32>
    %reduce_sum3A_3 = vector.multi_reduction <add>, %add3A, %reduce_sum3A [1] : vector<16x64xf32> to vector<16xf32>
    %broadcast_in_dim3A = vector.shape_cast %reduce_sum3A_3 : vector<16xf32> to vector<16x1xf32>
    %div3A = vector.broadcast %broadcast_in_dim3A : vector<16x1xf32> to vector<16x64xf32>
    %div3A_4 = arith.divf %add3A, %div3A : vector<16x64xf32>
    %add3A_5 = arith.constant 9.99999993E-9 : f32
    %add3A_6 = vector.broadcast %add3A_5 : f32 to vector<16x64xf32>
    %add3A_7 = arith.addf %div3A_4, %add3A_6 : vector<16x64xf32>
    %reduce_sum3A_8 = arith.constant dense<0.000000e+00> : vector<16xf32>
    %reduce_sum3A_9 = vector.multi_reduction <add>, %add3A_7, %reduce_sum3A_8 [1] : vector<16x64xf32> to vector<16xf32>
    %broadcast_in_dim3A_10 = vector.shape_cast %reduce_sum3A_9 : vector<16xf32> to vector<16x1xf32>
    %mul3A = arith.mulf %broadcast_in_dim3A_10, %broadcast_in_dim3A_10 : vector<16x1xf32>
    %div3A_11 = vector.broadcast %mul3A : vector<16x1xf32> to vector<16x64xf32>
    %div3A_12 = arith.divf %add3A_7, %div3A_11 : vector<16x64xf32>
    %log3A = math.log %div3A_12 : vector<16x64xf32>
    %mul3A_13 = arith.mulf %add3A_7, %log3A : vector<16x64xf32>
    %reduce_sum3A_14 = arith.constant dense<0.000000e+00> : vector<16xf32>
    %reduce_sum3A_15 = vector.multi_reduction <add>, %mul3A_13, %reduce_sum3A_14 [1] : vector<16x64xf32> to vector<16xf32>
    %broadcast_in_dim3A_16 = vector.shape_cast %reduce_sum3A_15 : vector<16xf32> to vector<16x1xf32>
    %reduce_sum3A_17 = arith.constant dense<0.000000e+00> : vector<1xf32>
    %reduce_sum3A_18 = vector.multi_reduction <add>, %broadcast_in_dim3A_16, %reduce_sum3A_17 [0] : vector<16x1xf32> to vector<1xf32>
    %broadcast_in_dim3A_19 = vector.shape_cast %reduce_sum3A_18 : vector<1xf32> to vector<1x1xf32>
    %neg3A = arith.constant 0.000000e+00 : f32
    %neg3A_20 = vector.broadcast %neg3A : f32 to vector<1x1xf32>
    %neg3A_21 = arith.subf %neg3A_20, %broadcast_in_dim3A_19 : vector<1x1xf32>
    %div3A_22 = arith.constant 1.600000e+01 : f32
    %div3A_23 = vector.broadcast %div3A_22 : f32 to vector<1x1xf32>
    %div3A_24 = arith.divf %neg3A_21, %div3A_23 : vector<1x1xf32>
    %swap3A = arith.constant 0 : index
    %swap3A_25 = arith.constant 0 : index
    %swap3A_26 = vector.load %arg1[%swap3A, %swap3A_25] : memref<1x1xf32, #tpu.memory_space<vmem>>, vector<1x1xf32>
    tpu.vector_store %arg1[%swap3A, %swap3A_25], %div3A_24 {strides = array<i32>} : memref<1x1xf32, #tpu.memory_space<vmem>>, vector<1x1xf32>,
    return
  }
}

</mosaic_0001>

<sc_bundles>
// kernel: kernel.4.cloned.1.call-start
scs
__scs_entry_jumppad:
0x0: {  	(pc) =	sbr.rel $0x88, $3  }
0x1: {  	(tag) =	ssettag $0x0;
	lr =	simm.s32 $0x1  }
0x2: {  	[smem:$0x3F9F] =	sst lr;
	_ =	strace $0xD0000000  }
0x3: {  	_ = 	snop  }
0x4: {  	_ = 	snop  }
0x5: {  	_ = 	snop  }
0x6: {  	_ = 	snop  }
0x7: {  	_ = 	snop  }
__scs_overlays_trampoline_lowered:
0x8: {  	[smem:$0x3FAE] =	sst s0  }
0x9: {  	[smem:$0x3FAF] =	sst s1  }
0xa: {  	[smem:$0x3FB0] =	sst s2  }
0xb: {  	[smem:$0x3FB1] =	sst s3  }
0xc: {  	[smem:$0x3FB2] =	sst s4  }
0xd: {  	[smem:$0x3FB3] =	sst s5  }
0xe: {  	[smem:$0x3FB4] =	sst s6  }
0xf: {  	[smem:$0x3FB5] =	sst s7  }
0x10: {  	[smem:$0x3FB6] =	sst s8  }
0x11: {  	[smem:$0x3FB7] =	sst s9;
	s0 =	simm.s32 @!p0 $0x0  }
0x12: {  	s1 =	sld [smem:$0x3F9D];
	s0 =	simm.s32 @p0 $0x1  }
0x13: {  	[smem:$0x3FB8] =	sst s0;
	s0 =	simm.s32 @!p1 $0x0  }
0x14: {  	s2 =	sld [smem:$0x3F9C];
	s0 =	simm.s32 @p1 $0x1  }
0x15: {  	[smem:$0x3FB9] =	sst s0;
	s0 =	simm.s32 @!p2 $0x0  }
0x16: {  	s3 =	sld [smem:$0x3FDB];
	s0 =	simm.s32 @p2 $0x1  }
0x17: {  	s4 =	simm.s32 $0x1BF5;
	[smem:$0x3FBB] =	sst s0  }
0x18: {  	s0 =	sld [smem:$0x3F9E];
	_ =	swait.ge [sflag:s4], $0x0  }
0x19: {  	s7 =	sld [smem:$0x3F9F]  }
0x1a: {  	s8 =	sadd.s32 $0xFFFFE003, lr  }
0x1b: {  	s9 =	sadd.s32 $0xFFFFFEF7, lr;
	s5 =	simm.s32 $0xFFFFFFFF;
	p2 =	slt.u32 s8, $0xFFFFF086  }
0x1c: {  	p1 =	slt.u32 s9, $0xF7A;
	s5 =	simm.s32 @!p2 $0x0  }
0x1d: {  	s5 =	simm.s32 @p1 $0x1;
	p0 =	seq.s32 s7, s2  }
0x1e: {  	s7 =	smul.u32 @!p0 $0xF7A, s2;
	p2 =	seq.s32 @!p0 s5, $0x0  }
0x1f: {  	s9 =	smul.u32 $0xF7A, s1;
	s8 =	simm.s32 @!p0 $0x1BF5;
	p2 =	por !p2, p0  }
0x20: {  	[sflag:s8] =	ssyncset.s32 @!p0 $0xFFFFF086;
	s6 =	sadd.s32 @!p0 s3, s7;
	s7 =	simm.s32 @!p0 $0x108  }
0x21: {  	s3 =	sadd.s32 s3, s9;
	s6 =	sadd.s32 @!p0 $0x88, s6;
	s7 =	simm.s32 @p2 $0x1082  }
0x22: {  	[simem:s7], [sflag:s8] =	dma.local @!p0 [hbm:s6], $0xF7A  }
0x23: {  	s9 =	sor.u32 $0xD0000000, s2;
	s6 =	simm.s32 $0x108;
	_ =	swait.ge @!p0 [sflag:s8], $0x0  }
0x24: {  	s3 =	sadd.s32 $0x88, s3;
	s6 =	simm.s32 @!p1 $0x1082;
	[sflag:s4] =	ssyncset.s32 $0xFFFFF086  }
0x25: {  	[simem:s6], [sflag:s4] =	dma.local [hbm:s3], $0xF7A  }
0x26: {  	[smem:$0x3F9F] =	sst s1;
	(tag) =	ssettag s2;
	_ =	strace s9  }
0x27: {  	s1 =	sld [smem:$0x3FAF]  }
0x28: {  	s2 =	sld [smem:$0x3FB0]  }
0x29: {  	s4 =	sld [smem:$0x3FB2]  }
0x2a: {  	p0 =	seq.s32 s5, $0x0;
	s5 =	sld [smem:$0x3FB3]  }
0x2b: {  	s6 =	sld [smem:$0x3FB4]  }
0x2c: {  	s7 =	sld [smem:$0x3FB5]  }
0x2d: {  	s3 =	simm.s32 $0x108;
	s8 =	sld [smem:$0x3FB6]  }
0x2e: {  	s3 =	simm.s32 @!p0 $0x1082;
	s9 =	sld [smem:$0x3FB7]  }
0x2f: {  	lr =	sadd.s32 s0, s3;
	s0 =	sld [smem:$0x3FAE]  }
0x30: {  	s3 =	sld [smem:$0x3FB1]  }
0x31: {  	[smem:$0x3FBA] =	sst s10  }
0x32: {  	s10 =	sld [smem:$0x3FB8];
	_ =	sdelay $0x3  }
0x33: {  	p0 =	seq.s32 s10, $0x1;
	s10 =	sld [smem:$0x3FBA];
	_ =	sdelay $0x3  }
0x34: {  	[smem:$0x3FBA] =	sst s10  }
0x35: {  	s10 =	sld [smem:$0x3FB9];
	_ =	sdelay $0x3  }
0x36: {  	p1 =	seq.s32 s10, $0x1;
	s10 =	sld [smem:$0x3FBA];
	_ =	sdelay $0x3  }
0x37: {  	[smem:$0x3FBA] =	sst s10  }
0x38: {  	s10 =	sld [smem:$0x3FBB]  }
0x39: {  	_ = 	snop;
	(pc) =	sbr.ind lr, $3  }
0x3a: {  	_ = 	snop  }
0x3b: {  	_ = 	snop  }
0x3c: {  	p2 =	seq.s32 s10, $0x1;
	s10 =	sld [smem:$0x3FBA]  }
0x3d: {  	_ =	shalt  }
0x3e: {  	_ =	shalt  }
0x3f: {  	_ =	shalt  }
0x40: {  	_ =	shalt  }
0x41: {  	_ =	shalt  }
0x42: {  	_ =	shalt  }
0x43: {  	_ =	shalt  }
0x44: {  	_ =	shalt  }
0x45: {  	_ =	shalt  }
0x46: {  	_ =	shalt  }
0x47: {  	_ =	shalt  }
0x48: {  	_ =	shalt  }
0x49: {  	_ =	shalt  }
0x4a: {  	_ =	shalt  }
0x4b: {  	_ =	shalt  }
0x4c: {  	_ =	shalt  }
0x4d: {  	_ =	shalt  }
0x4e: {  	_ =	shalt  }
0x4f: {  	_ =	shalt  }
0x50: {  	_ =	shalt  }
0x51: {  	_ =	shalt  }
0x52: {  	_ =	shalt  }
0x53: {  	_ =	shalt  }
0x54: {  	_ =	shalt  }
0x55: {  	_ =	shalt  }
0x56: {  	_ =	shalt  }
0x57: {  	_ =	shalt  }
0x58: {  	_ =	shalt  }
0x59: {  	_ =	shalt  }
0x5a: {  	_ =	shalt  }
0x5b: {  	_ =	shalt  }
0x5c: {  	_ =	shalt  }
0x5d: {  	_ =	shalt  }
0x5e: {  	_ =	shalt  }
0x5f: {  	_ =	shalt  }
0x60: {  	_ =	shalt  }
0x61: {  	_ =	shalt  }
0x62: {  	_ =	shalt  }
0x63: {  	_ =	shalt  }
0x64: {  	_ =	shalt  }
0x65: {  	_ =	shalt  }
0x66: {  	_ =	shalt  }
0x67: {  	_ =	shalt  }
0x68: {  	_ =	shalt  }
0x69: {  	_ =	shalt  }
0x6a: {  	_ =	shalt  }
0x6b: {  	_ =	shalt  }
0x6c: {  	_ =	shalt  }
0x6d: {  	_ =	shalt  }
0x6e: {  	_ =	shalt  }
0x6f: {  	_ =	shalt  }
0x70: {  	_ =	shalt  }
0x71: {  	_ =	shalt  }
0x72: {  	_ =	shalt  }
0x73: {  	_ =	shalt  }
0x74: {  	_ =	shalt  }
0x75: {  	_ =	shalt  }
0x76: {  	_ =	shalt  }
0x77: {  	_ =	shalt  }
0x78: {  	_ =	shalt  }
0x79: {  	_ =	shalt  }
0x7a: {  	_ =	shalt  }
0x7b: {  	_ =	shalt  }
0x7c: {  	_ =	shalt  }
0x7d: {  	_ =	shalt  }
0x7e: {  	_ =	shalt  }
0x7f: {  	_ =	shalt  }
0x80: {  	_ =	shalt  }
0x81: {  	_ =	shalt  }
0x82: {  	_ =	shalt  }
0x83: {  	_ =	shalt  }
0x84: {  	_ =	shalt  }
0x85: {  	_ =	shalt  }
0x86: {  	_ =	shalt  }
0x87: {  	_ =	shalt  }
.Lfunc_end0:
.L_simem_size_0:
called_computation_lowered:
.L_overlay_start_0:
0x88: {  	s2 =	sld [smem:$0x3FD9]  }
0x89: {  	s3 =	sld [smem:$0x3FFE];
	_ =	sdelay $0x1  }
0x8a: {  	s1 =	srdreg.scid  }
0x8b: {  	s0 =	sand.u32 $0x1, s1  }
0x8c: {  	s17 =	sshll.u32 s0, $0xA;
	s2 =	sadd.s32 s3, s2  }
0x8d: {  	s2 =	sadd.s32 s2, s17  }
0x8e: {  	[smem:$0x3FC6] =	sst s2  }
0x8f: {  	_ = 	snop  }
0x90: {  	s2 =	sld [smem:$0x3FC9]  }
0x91: {  	s18 =	sld [smem:$0x3FC8];
	(tm) =	ssettm $0x1  }
0x92: {  	s4 =	sld [smem:$0x3FFB];
	_ =	sdelay $0x3  }
0x93: {  	_ =	strace s4  }
0x94: {  	s4 =	sld [smem:$0x3FFC];
	_ =	sdelay $0x3  }
0x95: {  	_ =	strace s4  }
0x96: {  	s4 =	sld [smem:$0x3FFD];
	_ =	sdelay $0x3  }
0x97: {  	_ =	strace s4  }
0x98: {  	_ =	strace $0x8FFFFFFF  }
0x99: {  	s19 =	sld [smem:$0x3FDB];
	_ =	sdelay $0x1  }
0x9a: {  	s5 =	simm.s32 $_scs_section_size  }
0x9b: {  	s6 =	simm.s32 $_size__tile_overlayer_lowered;
	s7 =	simm.s32 $_tile_overlayer_lowered  }
0x9c: {  	s22 =	simm.s32 $0x1BFF;
	s21 =	sshll.u32 s7, $0x1;
	s4 =	sadd.s32 s5, s19  }
0x9d: {  	s8 =	simm.s32 $0x0;
	s20 =	sshll.u32 s6, $0x1;
	s6 =	sadd.s32 s21, s4  }
0x9e: {  	[timem:s8], [sflag:s22] =	dma.local [hbm:s6], s20  }
0x9f: {  	_ =	swait.ge [sflag:s22], s20  }
0xa0: {  	s5 =	ssub.s32 $0x0, s20;
	[sflag:s22] =	ssyncset.done $0x0  }
0xa1: {  	[sflag:s22] =	ssyncadd.s32 s5;
	_ =	sdelay $0x1  }
0xa2: {  	s23 =	simm.s32 $0x1B8B  }
0xa3: {  	_ =	swait.ge [sflag:s23], $0x1  }
0xa4: {  	[sflag:s23] =	ssyncset.done $0x0  }
0xa5: {  	s25 =	simm.s32 $0x1B8E;
	s24 =	sld [smem:$0x3FFE];
	[sflag:s23] =	ssyncadd.s32 $0xFFFFFFFF  }
0xa6: {  	s26 =	simm.s32 $execute0_lowered;
	[smem:$0x3FD2] =	sst s25  }
0xa7: {  	s6 =	sshll.u32 s26, $0x1;
	_ =	strace $0x80000046;
	[dreg:$0x1] =	wrdreg $0xFFFFFFFF  }
0xa8: {  	s28 =	simm.s32 $_size_execute0_lowered;
	s4 =	sadd.s32 s4, s6;
	[dreg:$0x0] =	wrdreg $0x0  }
0xa9: {  	s6 =	sshll.u32 s28, $0x1;
	[dreg:$0x2] =	wrdreg s4  }
0xaa: {  	[dreg:$0x3] =	wrdreg s6  }
0xab: {  	[dreg:$0x4] =	wrdreg $0xC0  }
0xac: {  	_ =	task [dreg:s8], $0x5FFFF  }
0xad: {  	[dreg:$0x1] =	wrdreg $0xFFFFFFFF  }
0xae: {  	[dreg:$0x0] =	wrdreg $0x60  }
0xaf: {  	[dreg:$0x2] =	wrdreg s2  }
0xb0: {  	[dreg:$0x3] =	wrdreg s18  }
0xb1: {  	[dreg:$0x4] =	wrdreg s24  }
0xb2: {  	[dreg:$0x5] =	wrdreg $0x9  }
0xb3: {  	_ =	task.clear_ibuf [dreg:s8], $0x6FFFF;
	_ =	strace $0x90000046  }
0xb4: {  	s29 =	simm.s32 $0x9;
	_ =	strace $0x80000048  }
0xb5: {  	_ =	swait.ge [sflag:s29], $0x1  }
0xb6: {  	[sflag:s29] =	ssyncadd.s32 $0xFFFFFFFF  }
0xb7: {  	_ =	strace $0x90000048  }
0xb8: {  	_ =	sfence  }
0xb9: {  	s30 =	sld [smem:$0x0];
	_ =	sdelay $0x2  }
0xba: {  	s31 =	sshll.u32 s1, $0xD;
	s1 =	sshrl.u32 s1, $0x2  }
0xbb: {  	s3 =	sand.u32 $0x4000, s31;
	s1 =	sadd.s32 s1, s30  }
0xbc: {  	s0 =	sor.u32 s3, s0;
	s1 =	sshll.u32 s1, $0x11  }
0xbd: {  	s0 =	sor.u32 s1, s0  }
0xbe: {  	s0 =	sadd.s32 $0x8F2B, s0  }
0xbf: {  	[sflag:s0] =	ssyncadd.remote.s32 $0x1  }
0xc0: {  	_ =	sfence.sel $0xFFFF  }
0xc1: {  	[dreg:$0x0] =	wrdreg $0xFFFFFFFF;
	(pc) =	sbr.abs _section_cstart, $3  }
0xc2: {  	[dreg:$0x1] =	wrdreg $0xFFFFFFFF  }
0xc3: {  	_ =	task.clear_ibuf [dreg:s8], $0x2FFFF;
	_ =	strace $0x9FFFFFFF  }
0xc4: {  	(tm) =	ssettm $0x7FFFFFFF  }
0xc5: {  	_ =	shalt  }
tec
execute0_lowered:
.L_overlay_start_1:
0x0: {  	(tag) =	ssettag $0x1  }
0x1: {  	s0 =	srdreg.scid;
	s22 =	rddreg [dreg:$0x0]  }
0x2: {  	s5 =	stileid.u32;
	s2 =	rddreg [dreg:$0x1]  }
0x3: {  	s3 =	simm.s32 $0x1;
	s4 =	rddreg [dreg:$0x2];
	s7 =	simm.s32 $0x0  }
0x4: {  	s28 =	simm.s32 $0x3;
	s29 =	simm.s32 $0x10000;
	s0 =	sand.u32 $0x1, s0  }
0x5: {  	s30 =	simm.s32 $0x2;
	s31 =	simm.s32 $0x4;
	s1 =	sor.u32 s0, s5  }
0x6: {  	p1 =	seq.s32 s0, $0x1;
	s23 =	sshll.u32 s0, $0xB;
	p0 =	seq.s32 s1, $0x0  }
0x7: {  	s8 =	sshll.u32 s0, $0x11;
	s0 =	ssub.s32 $0x2, s0;
	p0 =	por !p0, !p1  }
0x8: {  	[smem:$0x7FF] =	sst s7;
	s25 =	sshrl.u32 s0, $0x1;
	p0 =	por !p0, !p0  }
0x9: {  	_ =	strace $0x80000047;
	s0 =	ssub.s32 s0, s25;
	s3 =	simm.s32 @!p0 $0x0  }
0xa: {  	s25 =	simm.s32 $0x4000;
	s21 =	smax.u32 s0, $0x1;
	s5 =	ssub.s32 s5, s3  }
0xb: {  	s0 =	simm.s32 $0x5;
	s3 =	simm.s32 $0x1;
	s6 =	sshll.u32 s5, $0x7  }
0xc: {  	s5 =	sshll.u32 s5, $0x12;
	s24 =	sadd.s32 s23, s6;
	s6 =	sand.u32 $0x380, s6  }
0xd: {  	s5 =	sor.u32 s8, s5;
	s23 =	simm.s32 $0x1000;
	s7 =	sand.u32 $0xFFFFFC00, s24  }
0xe: {  	s16 =	sshrl.u32 s5, $0x3;
	s24 =	simm.s32 $0x8000;
	s6 =	sor.u32 s6, s7  }
0xf: {  	s26 =	sor.u32 $0x80, s16;
	s5 =	sadd.s32 s22, s16;
	s9 =	sor.u32 $0x100, s16  }
0x10: {  	s11 =	sor.u32 $0x180, s16;
	s13 =	sor.u32 $0x2000, s16;
	s15 =	sor.u32 $0x2080, s16  }
0x11: {  	s17 =	sor.u32 $0x2100, s16;
	s19 =	sor.u32 $0x2180, s16;
	s6 =	sshrl.u32 s6, $0x3  }
0x12: {  	[dreg:$0x4] =	wrdreg s5;
	s5 =	sadd.s32 s2, s16;
	s7 =	sadd.s32 s2, s26  }
0x13: {  	s8 =	sadd.s32 s22, s9;
	s9 =	sadd.s32 s2, s9;
	s10 =	sadd.s32 s22, s11  }
0x14: {  	s11 =	sadd.s32 s2, s11;
	s12 =	sadd.s32 s22, s13;
	s13 =	sadd.s32 s2, s13  }
0x15: {  	s14 =	sadd.s32 s22, s15;
	s15 =	sadd.s32 s2, s15;
	s16 =	sadd.s32 s22, s17  }
0x16: {  	s17 =	sadd.s32 s2, s17;
	s18 =	sadd.s32 s22, s19;
	s19 =	sadd.s32 s2, s19  }
0x17: {  	v0 =	vimm.f32 $0.0e+00;
	v1 =	vlaneseq.u32;
	s2 =	simm.s32 $0x0;
	s4 =	sadd.s32 s6, s4;
	s6 =	sadd.s32 s22, s26  }
0x18: {  	vm0 =	vmxor vm0, vm0;
	v2 =	vimm.f32 $1.000000000e+00;
	v1 =	vmul.u32 $0x41, v1;
	s22 =	simm.s32 $0x400;
	s26 =	simm.s32 $0xC000;
	s20 =	sadd.s32 $0x600, s4  }
.LBB2_1:
0x19: {  	s1 =	simm.s32 $0x40;
	s4 =	simm.s32 $0x0  }
.LBB2_2:
0x1a: {  	p0 =	sne.s32 s1, $0x1000;
	[tilespmem:s4+$0x10000] =	vst v0;
	s4 =	smov.u32 s1;
	s1 =	sadd.s32 $0x40, s1  }
.Ltmp0:
0x1b: {  	(pc) =	sbr.rel @p0 .LBB2_2-.Ltmp0, $2  }
0x1c: {  	_ =	sdelay $0x2  }
0x1d: {  	s4 =	sshra.s32 s4, $0x2  }
0x1e: {  	[tilespmem:s4+$0x10000] =	vst v0;
	s1 =	simm.s32 $0x0;
	s4 =	rddreg [dreg:$0x4]  }
0x1f: {  	[tilespmem:s1], [sflag:$0x1] =	stream.strided.gather [hbm4b:s4+s22], $0x4000, s23, s22, $0x38;
	[tilespmem:$0x10500] =	vst v63  }
0x20: {  	_ = 	snop  }
0x21: {  	[tilespmem:s24], [sflag:$0x3] =	stream.strided.gather [hbm4b:s5+s22], $0x4000, s23, s22, $0x38;
	[tilespmem:$0x10500] =	vst v63  }
0x22: {  	_ = 	snop  }
0x23: {  	[tilespmem:s25], [sflag:$0x2] =	stream.strided.gather [hbm4b:s6+s22], $0x4000, s23, s22, $0x38;
	[tilespmem:$0x10500] =	vst v63  }
0x24: {  	_ = 	snop  }
0x25: {  	[tilespmem:s26], [sflag:$0x4] =	stream.strided.gather [hbm4b:s7+s22], $0x4000, s23, s22, $0x38;
	[tilespmem:$0x10500] =	vst v63  }
0x26: {  	_ =	swait.ge [sflag:s3], $0x4000  }
0x27: {  	[sflag:s3] =	ssyncset.done $0x0  }
0x28: {  	[sflag:s3] =	ssyncadd.s32 $0xFFFFC000  }
0x29: {  	_ =	swait.ge [sflag:s28], $0x4000  }
0x2a: {  	[sflag:s28] =	ssyncset.done $0x0  }
0x2b: {  	s4 =	simm.s32 $0x0;
	[sflag:s28] =	ssyncadd.s32 $0xFFFFC000  }
0x2c: {  	v4 =	vld [tilespmem:s4+$0x70]  }
0x2d: {  	v3 =	vld [tilespmem:s4+$0x8070]  }
0x2e: {  	v5 =	vld [tilespmem:s4+$0x8060]  }
0x2f: {  	v7 =	vld [tilespmem:s4+$0x60]  }
0x30: {  	v6 =	vld [tilespmem:s4+$0x8050]  }
0x31: {  	v8 =	vld [tilespmem:s4+$0x50];
	v4 =	vmul.f32 $6.400000000e+01, v4  }
0x32: {  	v10 =	vld [tilespmem:s4+$0x40]  }
0x33: {  	v3 =	vadd.f32 v3, v4;
	v4 =	vld [tilespmem:s4+$0x30]  }
0x34: {  	v9 =	vld [tilespmem:s4+$0x8040];
	v7 =	vmul.f32 $6.400000000e+01, v7  }
0x35: {  	v11 =	vld [tilespmem:s4+$0x8030]  }
0x36: {  	v14 =	vld [tilespmem:s4+$0x20];
	v8 =	vmul.f32 $6.400000000e+01, v8;
	v5 =	vadd.f32 v5, v7  }
0x37: {  	v7 =	vld [tilespmem:s4+$0x10];
	v13 =	vtrunc.f32 v3;
	vm3 =	vle.f32 v3, $6.400000000e+01;
	v3 =	vmul.f32 $6.400000000e+01, v10  }
0x38: {  	v6 =	vadd.f32 v6, v8;
	v15 =	vtrunc.f32 v5;
	v4 =	vmul.f32 $6.400000000e+01, v4  }
0x39: {  	vm4 =	vle.f32 v5, $6.400000000e+01;
	v10 =	vcvt.f32.s32 v13;
	v13 =	vld [tilespmem:s4+$0x8010];
	v5 =	vadd.f32 v9, v3  }
0x3a: {  	v9 =	vtrunc.f32 v6;
	v4 =	vadd.f32 v11, v4  }
0x3b: {  	v12 =	vld [tilespmem:s4+$0x8020];
	vm5 =	vle.f32 v6, $6.400000000e+01;
	v6 =	vmul.f32 $6.400000000e+01, v14;
	v14 =	vtrunc.f32 v5  }
0x3c: {  	v16 =	vld [tilespmem:s4+$0x0];
	vm6 =	vle.f32 v5, $6.400000000e+01;
	v11 =	vmul.f32 $6.400000000e+01, v7;
	v5 =	vtrunc.f32 v4  }
0x3d: {  	v8 =	vld [tilespmem:s4+$0x8000];
	vm1 =	vle.f32 v4, $6.400000000e+01;
	v4 =	vcvt.f32.s32 v5  }
0x3e: {  	[tilespmem:v1+s29+$0x0] =	vst.idx.add.f32.msk vm0, v2;
	v3 =	vadd.s32 v1, v10;
	v10 =	vcvt.f32.s32 v15;
	v11 =	vadd.f32 v13, v11  }
0x3f: {  	vm2 =	vmmov vm0;
	[tilespmem:v1+s29+$0x0] =	vst.idx.add.f32.msk vm0, v2;
	v14 =	vcvt.f32.s32 v14  }
0x40: {  	[tilespmem:v1+s29+$0x0] =	vst.idx.add.f32.msk vm0, v2;
	v7 =	vadd.s32 v1, v10;
	v10 =	vadd.f32 v12, v6;
	v6 =	vtrunc.f32 v11  }
0x41: {  	v5 =	vadd.s32 v1, v14;
	v14 =	vcvt.f32.s32 v6;
	v6 =	vadd.s32 v1, v4;
	v4 =	vmovc v1  }
0x42: {  	[tilespmem:v1+s29+$0x0] =	vst.idx.add.f32.msk vm0, v2  }
0x43: {  	v9 =	vcvt.f32.s32 v9;
	[tilespmem:v1+s29+$0x0] =	vst.idx.add.f32.msk vm0, v2  }
0x44: {  	[tilespmem:v1+s29+$0x0] =	vst.idx.add.f32.msk vm0, v2;
	v13 =	vmul.f32 $6.400000000e+01, v16;
	v12 =	vtrunc.f32 v10  }
0x45: {  	vm7 =	vmmov vm0;
	s1 =	simm.s32 $0x200;
	v9 =	vadd.s32 v1, v9;
	[tilespmem:v1+s29+$0x0] =	vst.idx.add.f32.msk vm0, v2;
	v12 =	vcvt.f32.s32 v12  }
.LBB2_4:
0x46: {  	s4 =	sshra.s32 s1, $0x2;
	p0 =	sne.s32 s1, $0xFE00;
	s1 =	sadd.s32 $0x200, s1;
	v8 =	vadd.f32 v8, v13;
	vm10 =	vle.f32 v11, $6.400000000e+01;
	vm8 =	vle.f32 v10, $6.400000000e+01;
	[tilespmem:v4+s29+$0x0] =	vst.idx.add.f32.msk vm2, v2;
	v4 =	vmovc v3  }
0x47: {  	v15 =	vmovc v7;
	vm2 =	vmmov vm3;
	v3 =	vld [tilespmem:s4+$0x8070];
	v10 =	vadd.s32 v1, v14;
	v11 =	vadd.s32 v1, v12;
	v12 =	vmovc v9  }
0x48: {  	vm7 =	vmmov vm4;
	v7 =	vld [tilespmem:s4+$0x70];
	v9 =	vtrunc.f32 v8;
	vm12 =	vle.f32 v8, $6.400000000e+01  }
0x49: {  	vm9 =	vmmov vm5;
	vm11 =	vmmov vm6;
	v8 =	vld [tilespmem:s4+$0x8060];
	v9 =	vcvt.f32.s32 v9  }
0x4a: {  	v13 =	vld [tilespmem:s4+$0x8050]  }
0x4b: {  	v14 =	vld [tilespmem:s4+$0x60];
	v9 =	vadd.s32 v1, v9  }
0x4c: {  	v16 =	vld [tilespmem:s4+$0x50]  }
0x4d: {  	v17 =	vld [tilespmem:s4+$0x8040];
	v7 =	vmul.f32 $6.400000000e+01, v7  }
0x4e: {  	v18 =	vld [tilespmem:s4+$0x40]  }
0x4f: {  	v19 =	vld [tilespmem:s4+$0x8030];
	v3 =	vadd.f32 v3, v7  }
0x50: {  	v7 =	vld [tilespmem:s4+$0x30];
	v14 =	vmul.f32 $6.400000000e+01, v14  }
0x51: {  	v20 =	vld [tilespmem:s4+$0x8020];
	v16 =	vmul.f32 $6.400000000e+01, v16;
	v21 =	vtrunc.f32 v3;
	vm3 =	vle.f32 v3, $6.400000000e+01  }
0x52: {  	v22 =	vld [tilespmem:s4+$0x20];
	v3 =	vadd.f32 v8, v14;
	v8 =	vcvt.f32.s32 v21  }
0x53: {  	v14 =	vld [tilespmem:s4+$0x10];
	v18 =	vmul.f32 $6.400000000e+01, v18;
	v13 =	vadd.f32 v13, v16  }
0x54: {  	v16 =	vld [tilespmem:s4+$0x8010];
	v21 =	vtrunc.f32 v3;
	vm4 =	vle.f32 v3, $6.400000000e+01;
	v3 =	vadd.s32 v1, v8  }
0x55: {  	v8 =	vld [tilespmem:s4+$0x8000];
	v7 =	vmul.f32 $6.400000000e+01, v7;
	v17 =	vadd.f32 v17, v18;
	v18 =	vtrunc.f32 v13  }
0x56: {  	vm5 =	vle.f32 v13, $6.400000000e+01;
	v13 =	vcvt.f32.s32 v21;
	v23 =	vld [tilespmem:s4+$0x0];
	v18 =	vcvt.f32.s32 v18  }
0x57: {  	v21 =	vmul.f32 $6.400000000e+01, v22;
	v19 =	vadd.f32 v19, v7;
	v7 =	vtrunc.f32 v17;
	[tilespmem:v9+s29+$0x0] =	vst.idx.add.f32.msk vm12, v2  }
0x58: {  	vm6 =	vle.f32 v17, $6.400000000e+01;
	v14 =	vmul.f32 $6.400000000e+01, v14;
	v22 =	vcvt.f32.s32 v7;
	[tilespmem:v10+s29+$0x0] =	vst.idx.add.f32.msk vm10, v2  }
.Ltmp1:
0x59: {  	v9 =	vadd.s32 v1, v18;
	v7 =	vadd.s32 v1, v13;
	v17 =	vtrunc.f32 v19;
	[tilespmem:v11+s29+$0x0] =	vst.idx.add.f32.msk vm8, v2;
	(pc) =	sbr.rel @p0 .LBB2_4-.Ltmp1, $4  }
0x5a: {  	v10 =	vadd.f32 v20, v21;
	v11 =	vadd.f32 v16, v14;
	[tilespmem:v6+s29+$0x0] =	vst.idx.add.f32.msk vm1, v2;
	vm1 =	vle.f32 v19, $6.400000000e+01  }
0x5b: {  	v6 =	vcvt.f32.s32 v17;
	v13 =	vmul.f32 $6.400000000e+01, v23;
	[tilespmem:v5+s29+$0x0] =	vst.idx.add.f32.msk vm11, v2;
	v5 =	vadd.s32 v1, v22  }
0x5c: {  	v16 =	vtrunc.f32 v10;
	v14 =	vtrunc.f32 v11;
	[tilespmem:v12+s29+$0x0] =	vst.idx.add.f32.msk vm9, v2  }
0x5d: {  	v12 =	vcvt.f32.s32 v16;
	v6 =	vadd.s32 v1, v6;
	v14 =	vcvt.f32.s32 v14;
	[tilespmem:v15+s29+$0x0] =	vst.idx.add.f32.msk vm7, v2  }
0x5e: {  	_ =	sdelay $0x4  }
0x5f: {  	[tilespmem:v4+s29+$0x0] =	vst.idx.add.f32.msk vm2, v2;
	s1 =	simm.s32 $0x0  }
0x60: {  	[tilespmem:s1], [sflag:$0x1] =	stream.strided.gather [hbm4b:s8+s22], $0x4000, s23, s22, $0x38;
	[tilespmem:$0x10500] =	vst v63  }
0x61: {  	_ = 	snop  }
0x62: {  	[tilespmem:s24], [sflag:$0x3] =	stream.strided.gather [hbm4b:s9+s22], $0x4000, s23, s22, $0x38;
	[tilespmem:$0x10500] =	vst v63  }
0x63: {  	_ =	swait.ge [sflag:s30], $0x4000  }
0x64: {  	[sflag:s30] =	ssyncset.done $0x0  }
0x65: {  	[sflag:s30] =	ssyncadd.s32 $0xFFFFC000  }
0x66: {  	_ =	swait.ge [sflag:s31], $0x4000  }
0x67: {  	[sflag:s31] =	ssyncset.done $0x0  }
0x68: {  	s4 =	simm.s32 $0x0;
	[sflag:s31] =	ssyncadd.s32 $0xFFFFC000  }
0x69: {  	v4 =	vld [tilespmem:s4+$0xC070]  }
0x6a: {  	v15 =	vld [tilespmem:s4+$0x4070]  }
0x6b: {  	v16 =	vld [tilespmem:s4+$0xC060]  }
0x6c: {  	v19 =	vld [tilespmem:s4+$0x4050]  }
0x6d: {  	v8 =	vadd.f32 v8, v13;
	v17 =	vld [tilespmem:s4+$0x4060]  }
0x6e: {  	v13 =	vld [tilespmem:s4+$0xC050]  }
0x6f: {  	vm9 =	vle.f32 v11, $6.400000000e+01;
	vm8 =	vle.f32 v10, $6.400000000e+01;
	v18 =	vtrunc.f32 v8;
	v22 =	vld [tilespmem:s4+$0x4020]  }
0x70: {  	vm2 =	vmmov vm3;
	vm7 =	vmmov vm4;
	v11 =	vcvt.f32.s32 v18;
	v60 =	vld [tilespmem:s4+$0xC040]  }
0x71: {  	v10 =	vadd.s32 v1, v14;
	v14 =	vmul.f32 $6.400000000e+01, v15;
	v15 =	vld [tilespmem:s4+$0x4040];
	v19 =	vmul.f32 $6.400000000e+01, v19  }
0x72: {  	vm12 =	vle.f32 v8, $6.400000000e+01;
	v8 =	vadd.s32 v1, v11;
	v20 =	vld [tilespmem:s4+$0xC030];
	v11 =	vmul.f32 $6.400000000e+01, v17  }
0x73: {  	vm10 =	vmmov vm5;
	v4 =	vadd.f32 v4, v14;
	v14 =	vld [tilespmem:s4+$0x4030];
	v13 =	vadd.f32 v13, v19  }
0x74: {  	vm11 =	vmmov vm6;
	v22 =	vmul.f32 $6.400000000e+01, v22;
	v11 =	vadd.f32 v16, v11;
	v16 =	vld [tilespmem:s4+$0x4010]  }
0x75: {  	v12 =	vadd.s32 v1, v12;
	v61 =	vld [tilespmem:s4+$0xC010];
	v21 =	vtrunc.f32 v4;
	v23 =	vtrunc.f32 v13  }
0x76: {  	v17 =	vld [tilespmem:s4+$0xC020];
	vm3 =	vle.f32 v4, $6.400000000e+01;
	v4 =	vmul.f32 $6.400000000e+01, v15;
	v15 =	vcvt.f32.s32 v21  }
0x77: {  	v62 =	vtrunc.f32 v11;
	vm4 =	vle.f32 v11, $6.400000000e+01;
	v11 =	vld [tilespmem:s4+$0xC000];
	v23 =	vcvt.f32.s32 v23  }
0x78: {  	v14 =	vmul.f32 $6.400000000e+01, v14;
	v18 =	vadd.f32 v60, v4;
	v4 =	vadd.s32 v1, v15;
	v15 =	vld [tilespmem:s4+$0x4000]  }
0x79: {  	vm5 =	vle.f32 v13, $6.400000000e+01;
	v21 =	vcvt.f32.s32 v62;
	[tilespmem:v8+s29+$0x0] =	vst.idx.add.f32.msk vm12, v2;
	v13 =	vmul.f32 $6.400000000e+01, v16  }
0x7a: {  	[tilespmem:v10+s29+$0x0] =	vst.idx.add.f32.msk vm9, v2;
	v10 =	vadd.s32 v1, v23;
	v8 =	vtrunc.f32 v18;
	v14 =	vadd.f32 v20, v14  }
0x7b: {  	vm6 =	vle.f32 v18, $6.400000000e+01;
	[tilespmem:v12+s29+$0x0] =	vst.idx.add.f32.msk vm8, v2;
	v13 =	vadd.f32 v61, v13;
	v12 =	vadd.f32 v17, v22  }
0x7c: {  	v16 =	vcvt.f32.s32 v8;
	v8 =	vadd.s32 v1, v21;
	[tilespmem:v6+s29+$0x0] =	vst.idx.add.f32.msk vm1, v2;
	v63 =	vtrunc.f32 v14  }
0x7d: {  	vm1 =	vle.f32 v14, $6.400000000e+01;
	[tilespmem:v5+s29+$0x0] =	vst.idx.add.f32.msk vm11, v2;
	v14 =	vmul.f32 $6.400000000e+01, v15;
	v6 =	vcvt.f32.s32 v63  }
0x7e: {  	v5 =	vadd.s32 v1, v16;
	v15 =	vtrunc.f32 v13;
	v16 =	vtrunc.f32 v12;
	[tilespmem:v9+s29+$0x0] =	vst.idx.add.f32.msk vm10, v2  }
0x7f: {  	s1 =	simm.s32 $0x200;
	v15 =	vcvt.f32.s32 v15;
	v9 =	vcvt.f32.s32 v16;
	[tilespmem:v7+s29+$0x0] =	vst.idx.add.f32.msk vm7, v2;
	v6 =	vadd.s32 v1, v6  }
.LBB2_6:
0x80: {  	s4 =	sshra.s32 s1, $0x2;
	p0 =	sne.s32 s1, $0xFE00;
	s1 =	sadd.s32 $0x200, s1;
	v7 =	vadd.f32 v11, v14;
	vm10 =	vle.f32 v13, $6.400000000e+01;
	vm8 =	vle.f32 v12, $6.400000000e+01;
	[tilespmem:v3+s29+$0x0] =	vst.idx.add.f32.msk vm2, v2;
	v3 =	vmovc v4  }
0x81: {  	v16 =	vmovc v8;
	vm2 =	vmmov vm3;
	v4 =	vld [tilespmem:s4+$0xC070];
	v12 =	vadd.s32 v1, v15;
	v9 =	vadd.s32 v1, v9;
	v15 =	vmovc v10  }
0x82: {  	vm7 =	vmmov vm4;
	v8 =	vld [tilespmem:s4+$0x4070];
	v10 =	vtrunc.f32 v7;
	vm12 =	vle.f32 v7, $6.400000000e+01  }
0x83: {  	vm9 =	vmmov vm5;
	vm11 =	vmmov vm6;
	v7 =	vld [tilespmem:s4+$0xC060];
	v10 =	vcvt.f32.s32 v10  }
0x84: {  	v11 =	vld [tilespmem:s4+$0xC050]  }
0x85: {  	v13 =	vld [tilespmem:s4+$0x4060];
	v10 =	vadd.s32 v1, v10  }
0x86: {  	v14 =	vld [tilespmem:s4+$0x4050]  }
0x87: {  	v17 =	vld [tilespmem:s4+$0xC040];
	v8 =	vmul.f32 $6.400000000e+01, v8  }
0x88: {  	v18 =	vld [tilespmem:s4+$0x4040]  }
0x89: {  	v19 =	vld [tilespmem:s4+$0xC030];
	v4 =	vadd.f32 v4, v8  }
0x8a: {  	v8 =	vld [tilespmem:s4+$0x4030];
	v13 =	vmul.f32 $6.400000000e+01, v13  }
0x8b: {  	v20 =	vld [tilespmem:s4+$0xC020];
	v14 =	vmul.f32 $6.400000000e+01, v14;
	v21 =	vtrunc.f32 v4;
	vm3 =	vle.f32 v4, $6.400000000e+01  }
0x8c: {  	v22 =	vld [tilespmem:s4+$0x4020];
	v4 =	vadd.f32 v7, v13;
	v7 =	vcvt.f32.s32 v21  }
0x8d: {  	v13 =	vld [tilespmem:s4+$0x4010];
	v18 =	vmul.f32 $6.400000000e+01, v18;
	v14 =	vadd.f32 v11, v14  }
0x8e: {  	v21 =	vld [tilespmem:s4+$0xC010];
	v23 =	vtrunc.f32 v4;
	vm4 =	vle.f32 v4, $6.400000000e+01;
	v4 =	vadd.s32 v1, v7  }
0x8f: {  	v11 =	vld [tilespmem:s4+$0xC000];
	v7 =	vmul.f32 $6.400000000e+01, v8;
	v8 =	vadd.f32 v17, v18;
	v17 =	vtrunc.f32 v14  }
0x90: {  	vm5 =	vle.f32 v14, $6.400000000e+01;
	v14 =	vcvt.f32.s32 v23;
	v18 =	vld [tilespmem:s4+$0x4000];
	v17 =	vcvt.f32.s32 v17  }
0x91: {  	v22 =	vmul.f32 $6.400000000e+01, v22;
	v7 =	vadd.f32 v19, v7;
	v19 =	vtrunc.f32 v8;
	[tilespmem:v10+s29+$0x0] =	vst.idx.add.f32.msk vm12, v2  }
0x92: {  	vm6 =	vle.f32 v8, $6.400000000e+01;
	v13 =	vmul.f32 $6.400000000e+01, v13;
	v19 =	vcvt.f32.s32 v19;
	[tilespmem:v12+s29+$0x0] =	vst.idx.add.f32.msk vm10, v2  }
.Ltmp2:
0x93: {  	v8 =	vadd.s32 v1, v14;
	v10 =	vadd.s32 v1, v17;
	v23 =	vtrunc.f32 v7;
	[tilespmem:v9+s29+$0x0] =	vst.idx.add.f32.msk vm8, v2;
	(pc) =	sbr.rel @p0 .LBB2_6-.Ltmp2, $4  }
0x94: {  	v12 =	vadd.f32 v20, v22;
	v13 =	vadd.f32 v21, v13;
	[tilespmem:v6+s29+$0x0] =	vst.idx.add.f32.msk vm1, v2;
	vm1 =	vle.f32 v7, $6.400000000e+01  }
0x95: {  	v6 =	vcvt.f32.s32 v23;
	v14 =	vmul.f32 $6.400000000e+01, v18;
	[tilespmem:v5+s29+$0x0] =	vst.idx.add.f32.msk vm11, v2;
	v5 =	vadd.s32 v1, v19  }
0x96: {  	v9 =	vtrunc.f32 v12;
	v7 =	vtrunc.f32 v13;
	[tilespmem:v15+s29+$0x0] =	vst.idx.add.f32.msk vm9, v2  }
0x97: {  	v9 =	vcvt.f32.s32 v9;
	v6 =	vadd.s32 v1, v6;
	v15 =	vcvt.f32.s32 v7;
	[tilespmem:v16+s29+$0x0] =	vst.idx.add.f32.msk vm7, v2  }
0x98: {  	_ =	sdelay $0x4  }
0x99: {  	[tilespmem:v3+s29+$0x0] =	vst.idx.add.f32.msk vm2, v2  }
0x9a: {  	[tilespmem:s25], [sflag:$0x2] =	stream.strided.gather [hbm4b:s10+s22], $0x4000, s23, s22, $0x38;
	[tilespmem:$0x10500] =	vst v63  }
0x9b: {  	_ = 	snop  }
0x9c: {  	[tilespmem:s26], [sflag:$0x4] =	stream.strided.gather [hbm4b:s11+s22], $0x4000, s23, s22, $0x38;
	[tilespmem:$0x10500] =	vst v63  }
0x9d: {  	_ =	swait.ge [sflag:s3], $0x4000  }
0x9e: {  	[sflag:s3] =	ssyncset.done $0x0  }
0x9f: {  	[sflag:s3] =	ssyncadd.s32 $0xFFFFC000  }
0xa0: {  	_ =	swait.ge [sflag:s28], $0x4000  }
0xa1: {  	[sflag:s28] =	ssyncset.done $0x0  }
0xa2: {  	s1 =	simm.s32 $0x0;
	[sflag:s28] =	ssyncadd.s32 $0xFFFFC000  }
0xa3: {  	v3 =	vld [tilespmem:s1+$0x8070]  }
0xa4: {  	v7 =	vld [tilespmem:s1+$0x70]  }
0xa5: {  	v16 =	vld [tilespmem:s1+$0x8060]  }
0xa6: {  	v11 =	vadd.f32 v11, v14;
	v17 =	vld [tilespmem:s1+$0x60]  }
0xa7: {  	v19 =	vld [tilespmem:s1+$0x50]  }
0xa8: {  	v18 =	vtrunc.f32 v11;
	v14 =	vld [tilespmem:s1+$0x8050]  }
0xa9: {  	vm9 =	vle.f32 v13, $6.400000000e+01;
	vm8 =	vle.f32 v12, $6.400000000e+01;
	v13 =	vcvt.f32.s32 v18;
	v59 =	vld [tilespmem:s1+$0x8040]  }
0xaa: {  	v12 =	vadd.s32 v1, v15;
	v20 =	vadd.s32 v1, v9;
	v15 =	vld [tilespmem:s1+$0x40];
	v7 =	vmul.f32 $6.400000000e+01, v7  }
0xab: {  	vm12 =	vle.f32 v11, $6.400000000e+01;
	v9 =	vadd.s32 v1, v13;
	v13 =	vld [tilespmem:s1+$0x8030];
	v11 =	vmul.f32 $6.400000000e+01, v17  }
0xac: {  	vm2 =	vmmov vm3;
	v22 =	vld [tilespmem:s1+$0x20];
	v19 =	vmul.f32 $6.400000000e+01, v19;
	v3 =	vadd.f32 v3, v7  }
0xad: {  	vm7 =	vmmov vm4;
	vm10 =	vmmov vm5;
	v7 =	vld [tilespmem:s1+$0x30];
	v11 =	vadd.f32 v16, v11  }
0xae: {  	vm11 =	vmmov vm6;
	v60 =	vld [tilespmem:s1+$0x8010];
	v14 =	vadd.f32 v14, v19;
	v21 =	vtrunc.f32 v3  }
0xaf: {  	v16 =	vld [tilespmem:s1+$0x10];
	vm3 =	vle.f32 v3, $6.400000000e+01;
	v3 =	vmul.f32 $6.400000000e+01, v15;
	v61 =	vtrunc.f32 v11  }
0xb0: {  	v17 =	vld [tilespmem:s1+$0x8020];
	vm4 =	vle.f32 v11, $6.400000000e+01;
	v23 =	vtrunc.f32 v14;
	v15 =	vcvt.f32.s32 v21  }
0xb1: {  	v11 =	vld [tilespmem:s1+$0x8000];
	vm5 =	vle.f32 v14, $6.400000000e+01;
	v14 =	vmul.f32 $6.400000000e+01, v22;
	v18 =	vadd.f32 v59, v3  }
0xb2: {  	v23 =	vcvt.f32.s32 v23;
	v7 =	vmul.f32 $6.400000000e+01, v7;
	v3 =	vadd.s32 v1, v15;
	v15 =	vld [tilespmem:s1+$0x0]  }
0xb3: {  	v21 =	vcvt.f32.s32 v61;
	[tilespmem:v9+s29+$0x0] =	vst.idx.add.f32.msk vm12, v2;
	v9 =	vtrunc.f32 v18  }
0xb4: {  	[tilespmem:v12+s29+$0x0] =	vst.idx.add.f32.msk vm9, v2;
	vm6 =	vle.f32 v18, $6.400000000e+01;
	v62 =	vadd.f32 v13, v7;
	v13 =	vmul.f32 $6.400000000e+01, v16  }
0xb5: {  	v12 =	vadd.f32 v17, v14;
	v16 =	vcvt.f32.s32 v9;
	v9 =	vadd.s32 v1, v23;
	[tilespmem:v20+s29+$0x0] =	vst.idx.add.f32.msk vm8, v2  }
0xb6: {  	v7 =	vadd.s32 v1, v21;
	[tilespmem:v6+s29+$0x0] =	vst.idx.add.f32.msk vm1, v2;
	v63 =	vtrunc.f32 v62;
	v13 =	vadd.f32 v60, v13  }
0xb7: {  	[tilespmem:v5+s29+$0x0] =	vst.idx.add.f32.msk vm11, v2;
	v5 =	vadd.s32 v1, v16;
	v16 =	vtrunc.f32 v12;
	v6 =	vcvt.f32.s32 v63  }
0xb8: {  	vm1 =	vle.f32 v62, $6.400000000e+01;
	v14 =	vmul.f32 $6.400000000e+01, v15;
	[tilespmem:v10+s29+$0x0] =	vst.idx.add.f32.msk vm10, v2;
	v15 =	vtrunc.f32 v13  }
0xb9: {  	s1 =	simm.s32 $0x200;
	v10 =	vcvt.f32.s32 v16;
	[tilespmem:v8+s29+$0x0] =	vst.idx.add.f32.msk vm7, v2;
	v15 =	vcvt.f32.s32 v15;
	v6 =	vadd.s32 v1, v6  }
.LBB2_8:
0xba: {  	s4 =	sshra.s32 s1, $0x2;
	p0 =	sne.s32 s1, $0xFE00;
	s1 =	sadd.s32 $0x200, s1;
	v8 =	vadd.f32 v11, v14;
	vm10 =	vle.f32 v13, $6.400000000e+01;
	vm8 =	vle.f32 v12, $6.400000000e+01;
	[tilespmem:v4+s29+$0x0] =	vst.idx.add.f32.msk vm2, v2;
	v4 =	vmovc v3  }
0xbb: {  	v16 =	vmovc v7;
	vm2 =	vmmov vm3;
	v3 =	vld [tilespmem:s4+$0x8070];
	v12 =	vadd.s32 v1, v15;
	v10 =	vadd.s32 v1, v10;
	v15 =	vmovc v9  }
0xbc: {  	vm7 =	vmmov vm4;
	v7 =	vld [tilespmem:s4+$0x70];
	v9 =	vtrunc.f32 v8;
	vm12 =	vle.f32 v8, $6.400000000e+01  }
0xbd: {  	vm9 =	vmmov vm5;
	vm11 =	vmmov vm6;
	v8 =	vld [tilespmem:s4+$0x8060];
	v9 =	vcvt.f32.s32 v9  }
0xbe: {  	v11 =	vld [tilespmem:s4+$0x8050]  }
0xbf: {  	v13 =	vld [tilespmem:s4+$0x60];
	v9 =	vadd.s32 v1, v9  }
0xc0: {  	v14 =	vld [tilespmem:s4+$0x50]  }
0xc1: {  	v17 =	vld [tilespmem:s4+$0x8040];
	v7 =	vmul.f32 $6.400000000e+01, v7  }
0xc2: {  	v18 =	vld [tilespmem:s4+$0x40]  }
0xc3: {  	v19 =	vld [tilespmem:s4+$0x8030];
	v3 =	vadd.f32 v3, v7  }
0xc4: {  	v7 =	vld [tilespmem:s4+$0x30];
	v13 =	vmul.f32 $6.400000000e+01, v13  }
0xc5: {  	v20 =	vld [tilespmem:s4+$0x8020];
	v14 =	vmul.f32 $6.400000000e+01, v14;
	v21 =	vtrunc.f32 v3;
	vm3 =	vle.f32 v3, $6.400000000e+01  }
0xc6: {  	v22 =	vld [tilespmem:s4+$0x20];
	v3 =	vadd.f32 v8, v13;
	v8 =	vcvt.f32.s32 v21  }
0xc7: {  	v13 =	vld [tilespmem:s4+$0x10];
	v18 =	vmul.f32 $6.400000000e+01, v18;
	v14 =	vadd.f32 v11, v14  }
0xc8: {  	v21 =	vld [tilespmem:s4+$0x8010];
	v23 =	vtrunc.f32 v3;
	vm4 =	vle.f32 v3, $6.400000000e+01;
	v3 =	vadd.s32 v1, v8  }
0xc9: {  	v11 =	vld [tilespmem:s4+$0x8000];
	v7 =	vmul.f32 $6.400000000e+01, v7;
	v8 =	vadd.f32 v17, v18;
	v17 =	vtrunc.f32 v14  }
0xca: {  	vm5 =	vle.f32 v14, $6.400000000e+01;
	v14 =	vcvt.f32.s32 v23;
	v18 =	vld [tilespmem:s4+$0x0];
	v17 =	vcvt.f32.s32 v17  }
0xcb: {  	v22 =	vmul.f32 $6.400000000e+01, v22;
	v19 =	vadd.f32 v19, v7;
	v7 =	vtrunc.f32 v8;
	[tilespmem:v9+s29+$0x0] =	vst.idx.add.f32.msk vm12, v2  }
0xcc: {  	vm6 =	vle.f32 v8, $6.400000000e+01;
	v13 =	vmul.f32 $6.400000000e+01, v13;
	v23 =	vcvt.f32.s32 v7;
	[tilespmem:v12+s29+$0x0] =	vst.idx.add.f32.msk vm10, v2  }
.Ltmp3:
0xcd: {  	v9 =	vadd.s32 v1, v17;
	v7 =	vadd.s32 v1, v14;
	v8 =	vtrunc.f32 v19;
	[tilespmem:v10+s29+$0x0] =	vst.idx.add.f32.msk vm8, v2;
	(pc) =	sbr.rel @p0 .LBB2_8-.Ltmp3, $4  }
0xce: {  	v12 =	vadd.f32 v20, v22;
	v13 =	vadd.f32 v21, v13;
	[tilespmem:v6+s29+$0x0] =	vst.idx.add.f32.msk vm1, v2;
	vm1 =	vle.f32 v19, $6.400000000e+01  }
0xcf: {  	v6 =	vcvt.f32.s32 v8;
	v14 =	vmul.f32 $6.400000000e+01, v18;
	[tilespmem:v5+s29+$0x0] =	vst.idx.add.f32.msk vm11, v2;
	v5 =	vadd.s32 v1, v23  }
0xd0: {  	v10 =	vtrunc.f32 v12;
	v8 =	vtrunc.f32 v13;
	[tilespmem:v15+s29+$0x0] =	vst.idx.add.f32.msk vm9, v2  }
0xd1: {  	v10 =	vcvt.f32.s32 v10;
	v6 =	vadd.s32 v1, v6;
	v15 =	vcvt.f32.s32 v8;
	[tilespmem:v16+s29+$0x0] =	vst.idx.add.f32.msk vm7, v2  }
0xd2: {  	_ =	sdelay $0x4  }
0xd3: {  	[tilespmem:v4+s29+$0x0] =	vst.idx.add.f32.msk vm2, v2;
	s1 =	simm.s32 $0x0  }
0xd4: {  	[tilespmem:s1], [sflag:$0x1] =	stream.strided.gather [hbm4b:s12+s22], $0x4000, s23, s22, $0x38;
	[tilespmem:$0x10500] =	vst v63  }
0xd5: {  	_ = 	snop  }
0xd6: {  	[tilespmem:s24], [sflag:$0x3] =	stream.strided.gather [hbm4b:s13+s22], $0x4000, s23, s22, $0x38;
	[tilespmem:$0x10500] =	vst v63  }
0xd7: {  	_ =	swait.ge [sflag:s30], $0x4000  }
0xd8: {  	[sflag:s30] =	ssyncset.done $0x0  }
0xd9: {  	[sflag:s30] =	ssyncadd.s32 $0xFFFFC000  }
0xda: {  	_ =	swait.ge [sflag:s31], $0x4000  }
0xdb: {  	[sflag:s31] =	ssyncset.done $0x0  }
0xdc: {  	s4 =	simm.s32 $0x0;
	[sflag:s31] =	ssyncadd.s32 $0xFFFFC000  }
0xdd: {  	v4 =	vld [tilespmem:s4+$0xC070]  }
0xde: {  	v8 =	vld [tilespmem:s4+$0x4070]  }
0xdf: {  	v16 =	vld [tilespmem:s4+$0xC060]  }
0xe0: {  	v11 =	vadd.f32 v11, v14;
	v17 =	vld [tilespmem:s4+$0x4060]  }
0xe1: {  	v19 =	vld [tilespmem:s4+$0x4050]  }
0xe2: {  	v18 =	vtrunc.f32 v11;
	v14 =	vld [tilespmem:s4+$0xC050]  }
0xe3: {  	vm9 =	vle.f32 v13, $6.400000000e+01;
	vm8 =	vle.f32 v12, $6.400000000e+01;
	v13 =	vcvt.f32.s32 v18;
	v59 =	vld [tilespmem:s4+$0xC040]  }
0xe4: {  	v12 =	vadd.s32 v1, v15;
	v20 =	vadd.s32 v1, v10;
	v15 =	vld [tilespmem:s4+$0x4040];
	v8 =	vmul.f32 $6.400000000e+01, v8  }
0xe5: {  	vm12 =	vle.f32 v11, $6.400000000e+01;
	v10 =	vadd.s32 v1, v13;
	v13 =	vld [tilespmem:s4+$0xC030];
	v11 =	vmul.f32 $6.400000000e+01, v17  }
0xe6: {  	vm2 =	vmmov vm3;
	v22 =	vld [tilespmem:s4+$0x4020];
	v19 =	vmul.f32 $6.400000000e+01, v19;
	v4 =	vadd.f32 v4, v8  }
0xe7: {  	vm7 =	vmmov vm4;
	vm10 =	vmmov vm5;
	v8 =	vld [tilespmem:s4+$0x4030];
	v11 =	vadd.f32 v16, v11  }
0xe8: {  	vm11 =	vmmov vm6;
	v60 =	vld [tilespmem:s4+$0xC010];
	v14 =	vadd.f32 v14, v19;
	v21 =	vtrunc.f32 v4  }
0xe9: {  	v16 =	vld [tilespmem:s4+$0x4010];
	vm3 =	vle.f32 v4, $6.400000000e+01;
	v4 =	vmul.f32 $6.400000000e+01, v15;
	v61 =	vtrunc.f32 v11  }
0xea: {  	v17 =	vld [tilespmem:s4+$0xC020];
	vm4 =	vle.f32 v11, $6.400000000e+01;
	v23 =	vtrunc.f32 v14;
	v15 =	vcvt.f32.s32 v21  }
0xeb: {  	v11 =	vld [tilespmem:s4+$0xC000];
	vm5 =	vle.f32 v14, $6.400000000e+01;
	v14 =	vmul.f32 $6.400000000e+01, v22;
	v18 =	vadd.f32 v59, v4  }
0xec: {  	v23 =	vcvt.f32.s32 v23;
	v8 =	vmul.f32 $6.400000000e+01, v8;
	v4 =	vadd.s32 v1, v15;
	v15 =	vld [tilespmem:s4+$0x4000]  }
0xed: {  	v21 =	vcvt.f32.s32 v61;
	[tilespmem:v10+s29+$0x0] =	vst.idx.add.f32.msk vm12, v2;
	v10 =	vtrunc.f32 v18  }
0xee: {  	[tilespmem:v12+s29+$0x0] =	vst.idx.add.f32.msk vm9, v2;
	vm6 =	vle.f32 v18, $6.400000000e+01;
	v62 =	vadd.f32 v13, v8;
	v13 =	vmul.f32 $6.400000000e+01, v16  }
0xef: {  	v12 =	vadd.f32 v17, v14;
	v16 =	vcvt.f32.s32 v10;
	v10 =	vadd.s32 v1, v23;
	[tilespmem:v20+s29+$0x0] =	vst.idx.add.f32.msk vm8, v2  }
0xf0: {  	v8 =	vadd.s32 v1, v21;
	[tilespmem:v6+s29+$0x0] =	vst.idx.add.f32.msk vm1, v2;
	v63 =	vtrunc.f32 v62;
	v13 =	vadd.f32 v60, v13  }
0xf1: {  	[tilespmem:v5+s29+$0x0] =	vst.idx.add.f32.msk vm11, v2;
	v5 =	vadd.s32 v1, v16;
	v16 =	vtrunc.f32 v12;
	v6 =	vcvt.f32.s32 v63  }
0xf2: {  	vm1 =	vle.f32 v62, $6.400000000e+01;
	v14 =	vmul.f32 $6.400000000e+01, v15;
	[tilespmem:v9+s29+$0x0] =	vst.idx.add.f32.msk vm10, v2;
	v15 =	vtrunc.f32 v13  }
0xf3: {  	s1 =	simm.s32 $0x200;
	v9 =	vcvt.f32.s32 v16;
	[tilespmem:v7+s29+$0x0] =	vst.idx.add.f32.msk vm7, v2;
	v15 =	vcvt.f32.s32 v15;
	v6 =	vadd.s32 v1, v6  }
.LBB2_10:
0xf4: {  	s4 =	sshra.s32 s1, $0x2;
	p0 =	sne.s32 s1, $0xFE00;
	s1 =	sadd.s32 $0x200, s1;
	v7 =	vadd.f32 v11, v14;
	vm10 =	vle.f32 v13, $6.400000000e+01;
	vm8 =	vle.f32 v12, $6.400000000e+01;
	[tilespmem:v3+s29+$0x0] =	vst.idx.add.f32.msk vm2, v2;
	v3 =	vmovc v4  }
0xf5: {  	v16 =	vmovc v8;
	vm2 =	vmmov vm3;
	v4 =	vld [tilespmem:s4+$0xC070];
	v12 =	vadd.s32 v1, v15;
	v9 =	vadd.s32 v1, v9;
	v15 =	vmovc v10  }
0xf6: {  	vm7 =	vmmov vm4;
	v8 =	vld [tilespmem:s4+$0x4070];
	v10 =	vtrunc.f32 v7;
	vm12 =	vle.f32 v7, $6.400000000e+01  }
0xf7: {  	vm9 =	vmmov vm5;
	vm11 =	vmmov vm6;
	v7 =	vld [tilespmem:s4+$0xC060];
	v10 =	vcvt.f32.s32 v10  }
0xf8: {  	v11 =	vld [tilespmem:s4+$0xC050]  }
0xf9: {  	v13 =	vld [tilespmem:s4+$0x4060];
	v10 =	vadd.s32 v1, v10  }
0xfa: {  	v14 =	vld [tilespmem:s4+$0x4050]  }
0xfb: {  	v17 =	vld [tilespmem:s4+$0xC040];
	v8 =	vmul.f32 $6.400000000e+01, v8  }
0xfc: {  	v18 =	vld [tilespmem:s4+$0x4040]  }
0xfd: {  	v19 =	vld [tilespmem:s4+$0xC030];
	v4 =	vadd.f32 v4, v8  }
0xfe: {  	v8 =	vld [tilespmem:s4+$0x4030];
	v13 =	vmul.f32 $6.400000000e+01, v13  }
0xff: {  	v20 =	vld [tilespmem:s4+$0xC020];
	v14 =	vmul.f32 $6.400000000e+01, v14;
	v21 =	vtrunc.f32 v4;
	vm3 =	vle.f32 v4, $6.400000000e+01  }
0x100: {  	v22 =	vld [tilespmem:s4+$0x4020];
	v4 =	vadd.f32 v7, v13;
	v7 =	vcvt.f32.s32 v21  }
0x101: {  	v13 =	vld [tilespmem:s4+$0x4010];
	v18 =	vmul.f32 $6.400000000e+01, v18;
	v14 =	vadd.f32 v11, v14  }
0x102: {  	v21 =	vld [tilespmem:s4+$0xC010];
	v23 =	vtrunc.f32 v4;
	vm4 =	vle.f32 v4, $6.400000000e+01;
	v4 =	vadd.s32 v1, v7  }
0x103: {  	v11 =	vld [tilespmem:s4+$0xC000];
	v7 =	vmul.f32 $6.400000000e+01, v8;
	v8 =	vadd.f32 v17, v18;
	v17 =	vtrunc.f32 v14  }
0x104: {  	vm5 =	vle.f32 v14, $6.400000000e+01;
	v14 =	vcvt.f32.s32 v23;
	v18 =	vld [tilespmem:s4+$0x4000];
	v17 =	vcvt.f32.s32 v17  }
0x105: {  	v22 =	vmul.f32 $6.400000000e+01, v22;
	v7 =	vadd.f32 v19, v7;
	v19 =	vtrunc.f32 v8;
	[tilespmem:v10+s29+$0x0] =	vst.idx.add.f32.msk vm12, v2  }
0x106: {  	vm6 =	vle.f32 v8, $6.400000000e+01;
	v13 =	vmul.f32 $6.400000000e+01, v13;
	v19 =	vcvt.f32.s32 v19;
	[tilespmem:v12+s29+$0x0] =	vst.idx.add.f32.msk vm10, v2  }
.Ltmp4:
0x107: {  	v8 =	vadd.s32 v1, v14;
	v10 =	vadd.s32 v1, v17;
	v23 =	vtrunc.f32 v7;
	[tilespmem:v9+s29+$0x0] =	vst.idx.add.f32.msk vm8, v2;
	(pc) =	sbr.rel @p0 .LBB2_10-.Ltmp4, $4  }
0x108: {  	v12 =	vadd.f32 v20, v22;
	v13 =	vadd.f32 v21, v13;
	[tilespmem:v6+s29+$0x0] =	vst.idx.add.f32.msk vm1, v2;
	vm1 =	vle.f32 v7, $6.400000000e+01  }
0x109: {  	v6 =	vcvt.f32.s32 v23;
	v14 =	vmul.f32 $6.400000000e+01, v18;
	[tilespmem:v5+s29+$0x0] =	vst.idx.add.f32.msk vm11, v2;
	v5 =	vadd.s32 v1, v19  }
0x10a: {  	v9 =	vtrunc.f32 v12;
	v7 =	vtrunc.f32 v13;
	[tilespmem:v15+s29+$0x0] =	vst.idx.add.f32.msk vm9, v2  }
0x10b: {  	v9 =	vcvt.f32.s32 v9;
	v6 =	vadd.s32 v1, v6;
	v15 =	vcvt.f32.s32 v7;
	[tilespmem:v16+s29+$0x0] =	vst.idx.add.f32.msk vm7, v2  }
0x10c: {  	_ =	sdelay $0x4  }
0x10d: {  	[tilespmem:v3+s29+$0x0] =	vst.idx.add.f32.msk vm2, v2  }
0x10e: {  	[tilespmem:s25], [sflag:$0x2] =	stream.strided.gather [hbm4b:s14+s22], $0x4000, s23, s22, $0x38;
	[tilespmem:$0x10500] =	vst v63  }
0x10f: {  	_ = 	snop  }
0x110: {  	[tilespmem:s26], [sflag:$0x4] =	stream.strided.gather [hbm4b:s15+s22], $0x4000, s23, s22, $0x38;
	[tilespmem:$0x10500] =	vst v63  }
0x111: {  	_ =	swait.ge [sflag:s3], $0x4000  }
0x112: {  	[sflag:s3] =	ssyncset.done $0x0  }
0x113: {  	[sflag:s3] =	ssyncadd.s32 $0xFFFFC000  }
0x114: {  	_ =	swait.ge [sflag:s28], $0x4000  }
0x115: {  	[sflag:s28] =	ssyncset.done $0x0  }
0x116: {  	s1 =	simm.s32 $0x0;
	[sflag:s28] =	ssyncadd.s32 $0xFFFFC000  }
0x117: {  	v3 =	vld [tilespmem:s1+$0x8070]  }
0x118: {  	v7 =	vld [tilespmem:s1+$0x8060]  }
0x119: {  	v16 =	vld [tilespmem:s1+$0x70]  }
0x11a: {  	v17 =	vld [tilespmem:s1+$0x60]  }
0x11b: {  	v19 =	vld [tilespmem:s1+$0x8040]  }
0x11c: {  	v11 =	vadd.f32 v11, v14;
	v56 =	vld [tilespmem:s1+$0x50]  }
0x11d: {  	vm2 =	vle.f32 v12, $6.400000000e+01;
	v12 =	vadd.s32 v1, v15;
	v15 =	vld [tilespmem:s1+$0x40]  }
0x11e: {  	v18 =	vtrunc.f32 v11;
	v20 =	vld [tilespmem:s1+$0x30]  }
0x11f: {  	vm9 =	vle.f32 v13, $6.400000000e+01;
	vm8 =	vmmov vm4;
	v13 =	vcvt.f32.s32 v18;
	v21 =	vld [tilespmem:s1+$0x20]  }
0x120: {  	vm10 =	vmmov vm5;
	vm11 =	vmmov vm6;
	v14 =	vld [tilespmem:s1+$0x8050];
	v16 =	vmul.f32 $6.400000000e+01, v16  }
0x121: {  	vm7 =	vle.f32 v11, $6.400000000e+01;
	v11 =	vadd.s32 v1, v13;
	v13 =	vld [tilespmem:s1+$0x8030];
	v17 =	vmul.f32 $6.400000000e+01, v17  }
0x122: {  	v9 =	vadd.s32 v1, v9;
	v57 =	vld [tilespmem:s1+$0x8020];
	v15 =	vmul.f32 $6.400000000e+01, v15;
	v3 =	vadd.f32 v3, v16  }
0x123: {  	v23 =	vld [tilespmem:s1+$0x10];
	v18 =	vmul.f32 $6.400000000e+01, v56;
	v59 =	vmul.f32 $6.400000000e+01, v20;
	v7 =	vadd.f32 v7, v17  }
0x124: {  	v22 =	vld [tilespmem:s1+$0x8010];
	v62 =	vmul.f32 $6.400000000e+01, v21;
	v15 =	vadd.f32 v19, v15;
	v58 =	vtrunc.f32 v3  }
0x125: {  	v60 =	vld [tilespmem:s1+$0x8000];
	vm4 =	vle.f32 v3, $6.400000000e+01;
	v3 =	vadd.f32 v14, v18;
	v14 =	vtrunc.f32 v7  }
0x126: {  	vm5 =	vle.f32 v7, $6.400000000e+01;
	v7 =	vld [tilespmem:s1+$0x0];
	v18 =	vadd.f32 v13, v59;
	v13 =	vtrunc.f32 v15  }
0x127: {  	vm3 =	vmmov vm3;
	[tilespmem:v11+s29+$0x0] =	vst.idx.add.f32.msk vm7, v2;
	v17 =	vcvt.f32.s32 v58;
	v14 =	vcvt.f32.s32 v14  }
0x128: {  	vm7 =	vle.f32 v15, $6.400000000e+01;
	v11 =	vcvt.f32.s32 v13;
	[tilespmem:v12+s29+$0x0] =	vst.idx.add.f32.msk vm9, v2;
	v12 =	vmul.f32 $6.400000000e+01, v23  }
0x129: {  	v13 =	vadd.f32 v57, v62;
	v61 =	vtrunc.f32 v3;
	vm6 =	vle.f32 v3, $6.400000000e+01  }
0x12a: {  	v63 =	vtrunc.f32 v18;
	[tilespmem:v9+s29+$0x0] =	vst.idx.add.f32.msk vm2, v2;
	vm2 =	vle.f32 v18, $6.400000000e+01;
	v15 =	vcvt.f32.s32 v61  }
0x12b: {  	v3 =	vadd.s32 v1, v17;
	v16 =	vcvt.f32.s32 v63;
	[tilespmem:v6+s29+$0x0] =	vst.idx.add.f32.msk vm1, v2;
	v7 =	vmul.f32 $6.400000000e+01, v7  }
0x12c: {  	v9 =	vadd.s32 v1, v11;
	v12 =	vadd.f32 v22, v12;
	v6 =	vtrunc.f32 v13;
	[tilespmem:v5+s29+$0x0] =	vst.idx.add.f32.msk vm11, v2  }
0x12d: {  	vm1 =	vle.f32 v13, $6.400000000e+01;
	v5 =	vadd.s32 v1, v14;
	[tilespmem:v10+s29+$0x0] =	vst.idx.add.f32.msk vm10, v2;
	v11 =	vadd.f32 v60, v7  }
0x12e: {  	s1 =	simm.s32 $0x200;
	v13 =	vcvt.f32.s32 v6;
	v6 =	vadd.s32 v1, v16;
	[tilespmem:v8+s29+$0x0] =	vst.idx.add.f32.msk vm8, v2;
	v7 =	vadd.s32 v1, v15  }
.LBB2_12:
0x12f: {  	s4 =	sshra.s32 s1, $0x2;
	p0 =	sne.s32 s1, $0xFE00;
	s1 =	sadd.s32 $0x200, s1;
	v8 =	vtrunc.f32 v11;
	v10 =	vtrunc.f32 v12;
	[tilespmem:v4+s29+$0x0] =	vst.idx.add.f32.msk vm3, v2;
	v4 =	vmovc v3;
	v14 =	vmovc v9;
	vm3 =	vmmov vm4  }
0x130: {  	vm8 =	vmmov vm5;
	v3 =	vld [tilespmem:s4+$0x8070];
	v8 =	vcvt.f32.s32 v8;
	v9 =	vcvt.f32.s32 v10  }
0x131: {  	vm11 =	vle.f32 v12, $6.400000000e+01;
	v12 =	vadd.s32 v1, v13;
	vm9 =	vmmov vm6;
	v10 =	vld [tilespmem:s4+$0x8060]  }
0x132: {  	vm12 =	vle.f32 v11, $6.400000000e+01;
	v13 =	vld [tilespmem:s4+$0x70];
	v8 =	vadd.s32 v1, v8;
	v9 =	vadd.s32 v1, v9  }
0x133: {  	vm10 =	vmmov vm7;
	v11 =	vld [tilespmem:s4+$0x8050]  }
0x134: {  	v15 =	vld [tilespmem:s4+$0x60]  }
0x135: {  	v16 =	vld [tilespmem:s4+$0x8040]  }
0x136: {  	v17 =	vld [tilespmem:s4+$0x50]  }
0x137: {  	v18 =	vld [tilespmem:s4+$0x40];
	v13 =	vmul.f32 $6.400000000e+01, v13  }
0x138: {  	v19 =	vld [tilespmem:s4+$0x8030]  }
0x139: {  	v20 =	vld [tilespmem:s4+$0x30];
	v15 =	vmul.f32 $6.400000000e+01, v15;
	v3 =	vadd.f32 v3, v13  }
0x13a: {  	v13 =	vld [tilespmem:s4+$0x8020]  }
0x13b: {  	v21 =	vld [tilespmem:s4+$0x20];
	v17 =	vmul.f32 $6.400000000e+01, v17;
	v10 =	vadd.f32 v10, v15;
	v15 =	vtrunc.f32 v3  }
0x13c: {  	vm4 =	vle.f32 v3, $6.400000000e+01;
	v22 =	vld [tilespmem:s4+$0x8010];
	v18 =	vmul.f32 $6.400000000e+01, v18;
	v15 =	vcvt.f32.s32 v15  }
0x13d: {  	v23 =	vld [tilespmem:s4+$0x10];
	v3 =	vadd.f32 v11, v17;
	v11 =	vtrunc.f32 v10;
	vm5 =	vle.f32 v10, $6.400000000e+01  }
0x13e: {  	v10 =	vld [tilespmem:s4+$0x0];
	v17 =	vmul.f32 $6.400000000e+01, v20;
	v16 =	vadd.f32 v16, v18;
	v18 =	vcvt.f32.s32 v11  }
0x13f: {  	v11 =	vld [tilespmem:s4+$0x8000];
	v20 =	vtrunc.f32 v3;
	vm6 =	vle.f32 v3, $6.400000000e+01;
	v3 =	vadd.s32 v1, v15  }
0x140: {  	v15 =	vmul.f32 $6.400000000e+01, v21;
	v17 =	vadd.f32 v19, v17;
	v19 =	vtrunc.f32 v16;
	[tilespmem:v8+s29+$0x0] =	vst.idx.add.f32.msk vm12, v2  }
0x141: {  	vm7 =	vle.f32 v16, $6.400000000e+01;
	v16 =	vcvt.f32.s32 v20;
	v8 =	vcvt.f32.s32 v19;
	[tilespmem:v9+s29+$0x0] =	vst.idx.add.f32.msk vm11, v2  }
.Ltmp5:
0x142: {  	v19 =	vmul.f32 $6.400000000e+01, v23;
	v13 =	vadd.f32 v13, v15;
	v9 =	vtrunc.f32 v17;
	[tilespmem:v12+s29+$0x0] =	vst.idx.add.f32.msk vm1, v2;
	(pc) =	sbr.rel @p0 .LBB2_12-.Ltmp5, $4  }
0x143: {  	v10 =	vmul.f32 $6.400000000e+01, v10;
	v15 =	vcvt.f32.s32 v9;
	v9 =	vadd.s32 v1, v8;
	[tilespmem:v6+s29+$0x0] =	vst.idx.add.f32.msk vm2, v2  }
0x144: {  	v12 =	vadd.f32 v22, v19;
	v6 =	vtrunc.f32 v13;
	vm1 =	vle.f32 v13, $6.400000000e+01;
	[tilespmem:v14+s29+$0x0] =	vst.idx.add.f32.msk vm10, v2  }
0x145: {  	v11 =	vadd.f32 v11, v10;
	v13 =	vcvt.f32.s32 v6;
	v6 =	vadd.s32 v1, v15;
	[tilespmem:v7+s29+$0x0] =	vst.idx.add.f32.msk vm9, v2  }
0x146: {  	vm2 =	vle.f32 v17, $6.400000000e+01;
	v7 =	vadd.s32 v1, v16;
	[tilespmem:v5+s29+$0x0] =	vst.idx.add.f32.msk vm8, v2;
	v5 =	vadd.s32 v1, v18  }
0x147: {  	_ =	sdelay $0x4  }
0x148: {  	[tilespmem:v4+s29+$0x0] =	vst.idx.add.f32.msk vm3, v2;
	s1 =	simm.s32 $0x0  }
0x149: {  	[tilespmem:s1], [sflag:$0x1] =	stream.strided.gather [hbm4b:s16+s22], $0x4000, s23, s22, $0x38;
	[tilespmem:$0x10500] =	vst v63  }
0x14a: {  	_ = 	snop  }
0x14b: {  	[tilespmem:s24], [sflag:$0x3] =	stream.strided.gather [hbm4b:s17+s22], $0x4000, s23, s22, $0x38;
	[tilespmem:$0x10500] =	vst v63  }
0x14c: {  	_ =	swait.ge [sflag:s30], $0x4000  }
0x14d: {  	[sflag:s30] =	ssyncset.done $0x0  }
0x14e: {  	[sflag:s30] =	ssyncadd.s32 $0xFFFFC000  }
0x14f: {  	_ =	swait.ge [sflag:s31], $0x4000  }
0x150: {  	[sflag:s31] =	ssyncset.done $0x0  }
0x151: {  	s4 =	simm.s32 $0x0;
	[sflag:s31] =	ssyncadd.s32 $0xFFFFC000  }
0x152: {  	v4 =	vld [tilespmem:s4+$0xC070]  }
0x153: {  	v8 =	vld [tilespmem:s4+$0x4070]  }
0x154: {  	v10 =	vld [tilespmem:s4+$0xC060]  }
0x155: {  	v14 =	vld [tilespmem:s4+$0xC050]  }
0x156: {  	v15 =	vld [tilespmem:s4+$0x4060]  }
0x157: {  	v16 =	vtrunc.f32 v11;
	v18 =	vld [tilespmem:s4+$0x4050]  }
0x158: {  	v17 =	vtrunc.f32 v12;
	vm10 =	vle.f32 v12, $6.400000000e+01;
	v12 =	vadd.s32 v1, v13;
	v22 =	vld [tilespmem:s4+$0x4020]  }
0x159: {  	vm12 =	vle.f32 v11, $6.400000000e+01;
	vm3 =	vmmov vm4;
	v16 =	vcvt.f32.s32 v16;
	v13 =	vld [tilespmem:s4+$0x4040]  }
0x15a: {  	vm8 =	vmmov vm5;
	v17 =	vcvt.f32.s32 v17;
	v23 =	vld [tilespmem:s4+$0x4010];
	v8 =	vmul.f32 $6.400000000e+01, v8  }
0x15b: {  	vm9 =	vmmov vm6;
	vm11 =	vmmov vm7;
	v19 =	vld [tilespmem:s4+$0xC040];
	v11 =	vmul.f32 $6.400000000e+01, v15  }
0x15c: {  	v16 =	vadd.s32 v1, v16;
	v17 =	vadd.s32 v1, v17;
	v4 =	vadd.f32 v4, v8;
	v8 =	vld [tilespmem:s4+$0x4030]  }
0x15d: {  	v20 =	vld [tilespmem:s4+$0xC030];
	v18 =	vmul.f32 $6.400000000e+01, v18;
	v22 =	vmul.f32 $6.400000000e+01, v22;
	v10 =	vadd.f32 v10, v11  }
0x15e: {  	v59 =	vld [tilespmem:s4+$0xC010];
	v21 =	vtrunc.f32 v4;
	vm4 =	vle.f32 v4, $6.400000000e+01;
	v4 =	vmul.f32 $6.400000000e+01, v13  }
0x15f: {  	v15 =	vld [tilespmem:s4+$0xC020];
	v62 =	vmul.f32 $6.400000000e+01, v23;
	v13 =	vadd.f32 v14, v18;
	v14 =	vcvt.f32.s32 v21  }
0x160: {  	v11 =	vld [tilespmem:s4+$0xC000];
	v60 =	vtrunc.f32 v10;
	vm5 =	vle.f32 v10, $6.400000000e+01;
	v10 =	vadd.f32 v19, v4  }
0x161: {  	v61 =	vtrunc.f32 v13;
	v8 =	vmul.f32 $6.400000000e+01, v8;
	v4 =	vadd.s32 v1, v14;
	v14 =	vld [tilespmem:s4+$0x4000]  }
0x162: {  	v21 =	vcvt.f32.s32 v60;
	vm6 =	vle.f32 v13, $6.400000000e+01;
	v19 =	vcvt.f32.s32 v61;
	[tilespmem:v16+s29+$0x0] =	vst.idx.add.f32.msk vm12, v2  }
0x163: {  	v13 =	vtrunc.f32 v10;
	[tilespmem:v17+s29+$0x0] =	vst.idx.add.f32.msk vm10, v2;
	vm7 =	vle.f32 v10, $6.400000000e+01;
	v16 =	vadd.f32 v20, v8  }
0x164: {  	v63 =	vcvt.f32.s32 v13;
	v10 =	vadd.s32 v1, v19;
	[tilespmem:v12+s29+$0x0] =	vst.idx.add.f32.msk vm1, v2;
	v13 =	vadd.f32 v59, v62  }
0x165: {  	v8 =	vadd.s32 v1, v21;
	v12 =	vadd.f32 v15, v22;
	[tilespmem:v6+s29+$0x0] =	vst.idx.add.f32.msk vm2, v2;
	v17 =	vtrunc.f32 v16  }
0x166: {  	vm1 =	vle.f32 v16, $6.400000000e+01;
	[tilespmem:v9+s29+$0x0] =	vst.idx.add.f32.msk vm11, v2;
	v9 =	vtrunc.f32 v13;
	v16 =	vcvt.f32.s32 v17  }
0x167: {  	v6 =	vadd.s32 v1, v63;
	v14 =	vmul.f32 $6.400000000e+01, v14;
	v17 =	vtrunc.f32 v12;
	[tilespmem:v7+s29+$0x0] =	vst.idx.add.f32.msk vm9, v2  }
0x168: {  	s1 =	simm.s32 $0x200;
	v15 =	vcvt.f32.s32 v9;
	v9 =	vcvt.f32.s32 v17;
	[tilespmem:v5+s29+$0x0] =	vst.idx.add.f32.msk vm8, v2;
	v7 =	vadd.s32 v1, v16  }
.LBB2_14:
0x169: {  	s4 =	sshra.s32 s1, $0x2;
	p0 =	sne.s32 s1, $0xFE00;
	s1 =	sadd.s32 $0x200, s1;
	v5 =	vadd.f32 v11, v14;
	vm10 =	vle.f32 v13, $6.400000000e+01;
	vm8 =	vle.f32 v12, $6.400000000e+01;
	[tilespmem:v3+s29+$0x0] =	vst.idx.add.f32.msk vm3, v2;
	v3 =	vmovc v4  }
0x16a: {  	v16 =	vmovc v8;
	vm3 =	vmmov vm4;
	v4 =	vld [tilespmem:s4+$0xC070];
	v12 =	vadd.s32 v1, v15;
	v9 =	vadd.s32 v1, v9;
	v15 =	vmovc v10  }
0x16b: {  	vm2 =	vmmov vm5;
	v8 =	vld [tilespmem:s4+$0x4070];
	v10 =	vtrunc.f32 v5;
	vm12 =	vle.f32 v5, $6.400000000e+01  }
0x16c: {  	vm9 =	vmmov vm6;
	vm11 =	vmmov vm7;
	v5 =	vld [tilespmem:s4+$0xC060];
	v10 =	vcvt.f32.s32 v10  }
0x16d: {  	v11 =	vld [tilespmem:s4+$0xC050]  }
0x16e: {  	v13 =	vld [tilespmem:s4+$0x4060];
	v10 =	vadd.s32 v1, v10  }
0x16f: {  	v14 =	vld [tilespmem:s4+$0x4050]  }
0x170: {  	v17 =	vld [tilespmem:s4+$0xC040];
	v8 =	vmul.f32 $6.400000000e+01, v8  }
0x171: {  	v18 =	vld [tilespmem:s4+$0x4040]  }
0x172: {  	v19 =	vld [tilespmem:s4+$0xC030];
	v4 =	vadd.f32 v4, v8  }
0x173: {  	v8 =	vld [tilespmem:s4+$0x4030];
	v13 =	vmul.f32 $6.400000000e+01, v13  }
0x174: {  	v20 =	vld [tilespmem:s4+$0xC020];
	v14 =	vmul.f32 $6.400000000e+01, v14;
	v21 =	vtrunc.f32 v4;
	vm4 =	vle.f32 v4, $6.400000000e+01  }
0x175: {  	v22 =	vld [tilespmem:s4+$0x4020];
	v4 =	vadd.f32 v5, v13;
	v5 =	vcvt.f32.s32 v21  }
0x176: {  	v13 =	vld [tilespmem:s4+$0x4010];
	v18 =	vmul.f32 $6.400000000e+01, v18;
	v14 =	vadd.f32 v11, v14  }
0x177: {  	v21 =	vld [tilespmem:s4+$0xC010];
	v23 =	vtrunc.f32 v4;
	vm5 =	vle.f32 v4, $6.400000000e+01;
	v4 =	vadd.s32 v1, v5  }
0x178: {  	v11 =	vld [tilespmem:s4+$0xC000];
	v5 =	vmul.f32 $6.400000000e+01, v8;
	v8 =	vadd.f32 v17, v18;
	v17 =	vtrunc.f32 v14  }
0x179: {  	vm6 =	vle.f32 v14, $6.400000000e+01;
	v14 =	vcvt.f32.s32 v23;
	v18 =	vld [tilespmem:s4+$0x4000];
	v17 =	vcvt.f32.s32 v17  }
0x17a: {  	v22 =	vmul.f32 $6.400000000e+01, v22;
	v5 =	vadd.f32 v19, v5;
	v19 =	vtrunc.f32 v8;
	[tilespmem:v10+s29+$0x0] =	vst.idx.add.f32.msk vm12, v2  }
0x17b: {  	vm7 =	vle.f32 v8, $6.400000000e+01;
	v13 =	vmul.f32 $6.400000000e+01, v13;
	v19 =	vcvt.f32.s32 v19;
	[tilespmem:v12+s29+$0x0] =	vst.idx.add.f32.msk vm10, v2  }
.Ltmp6:
0x17c: {  	v8 =	vadd.s32 v1, v14;
	v10 =	vadd.s32 v1, v17;
	v23 =	vtrunc.f32 v5;
	[tilespmem:v9+s29+$0x0] =	vst.idx.add.f32.msk vm8, v2;
	(pc) =	sbr.rel @p0 .LBB2_14-.Ltmp6, $4  }
0x17d: {  	v12 =	vadd.f32 v20, v22;
	v13 =	vadd.f32 v21, v13;
	[tilespmem:v7+s29+$0x0] =	vst.idx.add.f32.msk vm1, v2;
	vm1 =	vle.f32 v5, $6.400000000e+01  }
0x17e: {  	v5 =	vcvt.f32.s32 v23;
	v14 =	vmul.f32 $6.400000000e+01, v18;
	[tilespmem:v6+s29+$0x0] =	vst.idx.add.f32.msk vm11, v2;
	v6 =	vadd.s32 v1, v19  }
0x17f: {  	v9 =	vtrunc.f32 v12;
	v7 =	vtrunc.f32 v13;
	[tilespmem:v15+s29+$0x0] =	vst.idx.add.f32.msk vm9, v2  }
0x180: {  	v9 =	vcvt.f32.s32 v9;
	v15 =	vcvt.f32.s32 v7;
	v7 =	vadd.s32 v1, v5;
	[tilespmem:v16+s29+$0x0] =	vst.idx.add.f32.msk vm2, v2  }
0x181: {  	_ =	sdelay $0x4  }
0x182: {  	[tilespmem:v3+s29+$0x0] =	vst.idx.add.f32.msk vm3, v2  }
0x183: {  	[tilespmem:s25], [sflag:$0x2] =	stream.strided.gather [hbm4b:s18+s22], $0x4000, s23, s22, $0x38;
	[tilespmem:$0x10500] =	vst v63  }
0x184: {  	_ = 	snop  }
0x185: {  	[tilespmem:s26], [sflag:$0x4] =	stream.strided.gather [hbm4b:s19+s22], $0x4000, s23, s22, $0x38;
	[tilespmem:$0x10500] =	vst v63  }
0x186: {  	_ =	swait.ge [sflag:s3], $0x4000  }
0x187: {  	[sflag:s3] =	ssyncset.done $0x0  }
0x188: {  	[sflag:s3] =	ssyncadd.s32 $0xFFFFC000  }
0x189: {  	_ =	swait.ge [sflag:s28], $0x4000  }
0x18a: {  	[sflag:s28] =	ssyncset.done $0x0  }
0x18b: {  	s1 =	simm.s32 $0x0;
	[sflag:s28] =	ssyncadd.s32 $0xFFFFC000  }
0x18c: {  	v3 =	vld [tilespmem:s1+$0x8070]  }
0x18d: {  	v5 =	vld [tilespmem:s1+$0x70]  }
0x18e: {  	v16 =	vld [tilespmem:s1+$0x8060]  }
0x18f: {  	v11 =	vadd.f32 v11, v14;
	v14 =	vld [tilespmem:s1+$0x8050]  }
0x190: {  	v17 =	vld [tilespmem:s1+$0x60]  }
0x191: {  	v19 =	vld [tilespmem:s1+$0x50]  }
0x192: {  	v58 =	vld [tilespmem:s1+$0x8040]  }
0x193: {  	vm10 =	vle.f32 v13, $6.400000000e+01;
	vm9 =	vle.f32 v12, $6.400000000e+01;
	v18 =	vtrunc.f32 v11;
	v22 =	vld [tilespmem:s1+$0x20]  }
0x194: {  	vm2 =	vmmov vm4;
	vm8 =	vmmov vm5;
	v13 =	vcvt.f32.s32 v18;
	v12 =	vld [tilespmem:s1+$0x40]  }
0x195: {  	vm11 =	vmmov vm6;
	vm12 =	vle.f32 v11, $6.400000000e+01;
	v11 =	vld [tilespmem:s1+$0x8030];
	v5 =	vmul.f32 $6.400000000e+01, v5  }
0x196: {  	v20 =	vadd.s32 v1, v9;
	v9 =	vadd.s32 v1, v13;
	v60 =	vld [tilespmem:s1+$0x8010];
	v13 =	vmul.f32 $6.400000000e+01, v17  }
0x197: {  	vm7 =	vmmov vm7;
	v19 =	vmul.f32 $6.400000000e+01, v19;
	v3 =	vadd.f32 v3, v5;
	v5 =	vld [tilespmem:s1+$0x30]  }
0x198: {  	v15 =	vadd.s32 v1, v15;
	v62 =	vld [tilespmem:s1+$0x0];
	v22 =	vmul.f32 $6.400000000e+01, v22;
	v13 =	vadd.f32 v16, v13  }
0x199: {  	v16 =	vld [tilespmem:s1+$0x10];
	v14 =	vadd.f32 v14, v19;
	v21 =	vtrunc.f32 v3;
	vm3 =	vle.f32 v3, $6.400000000e+01  }
0x19a: {  	v17 =	vld [tilespmem:s1+$0x8020];
	v3 =	vmul.f32 $6.400000000e+01, v12;
	v23 =	vtrunc.f32 v13;
	vm4 =	vle.f32 v13, $6.400000000e+01  }
0x19b: {  	v12 =	vld [tilespmem:s1+$0x8000];
	v61 =	vtrunc.f32 v14;
	vm5 =	vle.f32 v14, $6.400000000e+01;
	v59 =	vcvt.f32.s32 v21  }
0x19c: {  	[tilespmem:v9+s29+$0x0] =	vst.idx.add.f32.msk vm12, v2;
	v18 =	vcvt.f32.s32 v61;
	v13 =	vadd.f32 v58, v3;
	v5 =	vmul.f32 $6.400000000e+01, v5  }
0x19d: {  	v23 =	vcvt.f32.s32 v23;
	[tilespmem:v15+s29+$0x0] =	vst.idx.add.f32.msk vm10, v2;
	v15 =	vmul.f32 $6.400000000e+01, v62;
	v3 =	vadd.s32 v1, v59  }
0x19e: {  	v14 =	vmul.f32 $6.400000000e+01, v16;
	v9 =	vtrunc.f32 v13;
	v5 =	vadd.f32 v11, v5  }
0x19f: {  	[tilespmem:v20+s29+$0x0] =	vst.idx.add.f32.msk vm9, v2;
	vm6 =	vle.f32 v13, $6.400000000e+01;
	v13 =	vadd.f32 v17, v22;
	v16 =	vcvt.f32.s32 v9  }
0x1a0: {  	[tilespmem:v7+s29+$0x0] =	vst.idx.add.f32.msk vm1, v2;
	v11 =	vadd.s32 v1, v18;
	v14 =	vadd.f32 v60, v14;
	v63 =	vtrunc.f32 v5  }
0x1a1: {  	[tilespmem:v6+s29+$0x0] =	vst.idx.add.f32.msk vm7, v2;
	v9 =	vadd.s32 v1, v23;
	v7 =	vtrunc.f32 v13;
	v17 =	vcvt.f32.s32 v63  }
0x1a2: {  	[tilespmem:v10+s29+$0x0] =	vst.idx.add.f32.msk vm11, v2;
	vm1 =	vle.f32 v5, $6.400000000e+01;
	v5 =	vadd.s32 v1, v16;
	v6 =	vtrunc.f32 v14  }
0x1a3: {  	s1 =	simm.s32 $0x200;
	[tilespmem:v8+s29+$0x0] =	vst.idx.add.f32.msk vm8, v2;
	v7 =	vcvt.f32.s32 v7;
	v10 =	vcvt.f32.s32 v6;
	v6 =	vadd.s32 v1, v17  }
.LBB2_16:
0x1a4: {  	s4 =	sshra.s32 s1, $0x2;
	p0 =	sne.s32 s1, $0xFE00;
	s1 =	sadd.s32 $0x200, s1;
	v8 =	vadd.f32 v12, v15;
	vm10 =	vle.f32 v14, $6.400000000e+01;
	vm8 =	vle.f32 v13, $6.400000000e+01;
	[tilespmem:v4+s29+$0x0] =	vst.idx.add.f32.msk vm2, v2;
	v4 =	vmovc v3  }
0x1a5: {  	v16 =	vmovc v11;
	v17 =	vmovc v9;
	vm2 =	vmmov vm3;
	v3 =	vld [tilespmem:s4+$0x8070];
	v10 =	vadd.s32 v1, v10;
	v7 =	vadd.s32 v1, v7  }
0x1a6: {  	vm7 =	vmmov vm4;
	v9 =	vld [tilespmem:s4+$0x70];
	v11 =	vtrunc.f32 v8;
	vm12 =	vle.f32 v8, $6.400000000e+01  }
0x1a7: {  	vm9 =	vmmov vm5;
	vm11 =	vmmov vm6;
	v8 =	vld [tilespmem:s4+$0x8060];
	v11 =	vcvt.f32.s32 v11  }
0x1a8: {  	v12 =	vld [tilespmem:s4+$0x8050]  }
0x1a9: {  	v13 =	vld [tilespmem:s4+$0x60];
	v11 =	vadd.s32 v1, v11  }
0x1aa: {  	v14 =	vld [tilespmem:s4+$0x50]  }
0x1ab: {  	v15 =	vld [tilespmem:s4+$0x8040];
	v9 =	vmul.f32 $6.400000000e+01, v9  }
0x1ac: {  	v18 =	vld [tilespmem:s4+$0x40]  }
0x1ad: {  	v19 =	vld [tilespmem:s4+$0x8030];
	v3 =	vadd.f32 v3, v9  }
0x1ae: {  	v9 =	vld [tilespmem:s4+$0x30];
	v13 =	vmul.f32 $6.400000000e+01, v13  }
0x1af: {  	v20 =	vld [tilespmem:s4+$0x8020];
	v14 =	vmul.f32 $6.400000000e+01, v14;
	v21 =	vtrunc.f32 v3;
	vm3 =	vle.f32 v3, $6.400000000e+01  }
0x1b0: {  	v22 =	vld [tilespmem:s4+$0x20];
	v3 =	vadd.f32 v8, v13;
	v8 =	vcvt.f32.s32 v21  }
0x1b1: {  	v13 =	vld [tilespmem:s4+$0x10];
	v18 =	vmul.f32 $6.400000000e+01, v18;
	v14 =	vadd.f32 v12, v14  }
0x1b2: {  	v21 =	vld [tilespmem:s4+$0x8010];
	v23 =	vtrunc.f32 v3;
	vm4 =	vle.f32 v3, $6.400000000e+01;
	v3 =	vadd.s32 v1, v8  }
0x1b3: {  	v12 =	vld [tilespmem:s4+$0x8000];
	v8 =	vmul.f32 $6.400000000e+01, v9;
	v9 =	vadd.f32 v15, v18;
	v15 =	vtrunc.f32 v14  }
0x1b4: {  	vm5 =	vle.f32 v14, $6.400000000e+01;
	v14 =	vcvt.f32.s32 v23;
	v18 =	vld [tilespmem:s4+$0x0];
	v15 =	vcvt.f32.s32 v15  }
0x1b5: {  	v22 =	vmul.f32 $6.400000000e+01, v22;
	v8 =	vadd.f32 v19, v8;
	v19 =	vtrunc.f32 v9;
	[tilespmem:v11+s29+$0x0] =	vst.idx.add.f32.msk vm12, v2  }
0x1b6: {  	vm6 =	vle.f32 v9, $6.400000000e+01;
	v13 =	vmul.f32 $6.400000000e+01, v13;
	v19 =	vcvt.f32.s32 v19;
	[tilespmem:v10+s29+$0x0] =	vst.idx.add.f32.msk vm10, v2  }
.Ltmp7:
0x1b7: {  	v9 =	vadd.s32 v1, v14;
	v11 =	vadd.s32 v1, v15;
	v10 =	vtrunc.f32 v8;
	[tilespmem:v7+s29+$0x0] =	vst.idx.add.f32.msk vm8, v2;
	(pc) =	sbr.rel @p0 .LBB2_16-.Ltmp7, $4  }
0x1b8: {  	v14 =	vadd.f32 v21, v13;
	v13 =	vadd.f32 v20, v22;
	[tilespmem:v6+s29+$0x0] =	vst.idx.add.f32.msk vm1, v2;
	vm1 =	vle.f32 v8, $6.400000000e+01  }
0x1b9: {  	v6 =	vcvt.f32.s32 v10;
	v15 =	vmul.f32 $6.400000000e+01, v18;
	[tilespmem:v5+s29+$0x0] =	vst.idx.add.f32.msk vm11, v2;
	v5 =	vadd.s32 v1, v19  }
0x1ba: {  	v7 =	vtrunc.f32 v14;
	v8 =	vtrunc.f32 v13;
	[tilespmem:v16+s29+$0x0] =	vst.idx.add.f32.msk vm9, v2  }
0x1bb: {  	v6 =	vadd.s32 v1, v6;
	v10 =	vcvt.f32.s32 v7;
	v7 =	vcvt.f32.s32 v8;
	[tilespmem:v17+s29+$0x0] =	vst.idx.add.f32.msk vm7, v2  }
0x1bc: {  	_ =	sdelay $0x4  }
0x1bd: {  	[tilespmem:v4+s29+$0x0] =	vst.idx.add.f32.msk vm2, v2  }
0x1be: {  	_ =	swait.ge [sflag:s30], $0x4000  }
0x1bf: {  	[sflag:s30] =	ssyncset.done $0x0  }
0x1c0: {  	[sflag:s30] =	ssyncadd.s32 $0xFFFFC000  }
0x1c1: {  	_ =	swait.ge [sflag:s31], $0x4000  }
0x1c2: {  	[sflag:s31] =	ssyncset.done $0x0  }
0x1c3: {  	s1 =	simm.s32 $0x0;
	[sflag:s31] =	ssyncadd.s32 $0xFFFFC000  }
0x1c4: {  	v4 =	vld [tilespmem:s1+$0xC070]  }
0x1c5: {  	v8 =	vld [tilespmem:s1+$0x4070]  }
0x1c6: {  	v16 =	vld [tilespmem:s1+$0xC060]  }
0x1c7: {  	v17 =	vld [tilespmem:s1+$0x4060]  }
0x1c8: {  	v12 =	vadd.f32 v12, v15;
	v19 =	vld [tilespmem:s1+$0x4050]  }
0x1c9: {  	vm8 =	vle.f32 v13, $6.400000000e+01;
	v13 =	vld [tilespmem:s1+$0x4040]  }
0x1ca: {  	v20 =	vadd.s32 v1, v7;
	v18 =	vtrunc.f32 v12;
	v7 =	vld [tilespmem:s1+$0x4030]  }
0x1cb: {  	vm9 =	vle.f32 v14, $6.400000000e+01;
	vm2 =	vmmov vm3;
	v14 =	vcvt.f32.s32 v18;
	v15 =	vld [tilespmem:s1+$0xC050]  }
0x1cc: {  	vm7 =	vmmov vm4;
	vm11 =	vmmov vm5;
	v22 =	vld [tilespmem:s1+$0x4020];
	v8 =	vmul.f32 $6.400000000e+01, v8  }
0x1cd: {  	vm6 =	vmmov vm6;
	vm10 =	vle.f32 v12, $6.400000000e+01;
	v12 =	vadd.s32 v1, v14;
	v18 =	vld [tilespmem:s1+$0xC040]  }
0x1ce: {  	v14 =	vld [tilespmem:s1+$0xC030];
	v19 =	vmul.f32 $6.400000000e+01, v19;
	v4 =	vadd.f32 v4, v8;
	v8 =	vmul.f32 $6.400000000e+01, v17  }
0x1cf: {  	v10 =	vadd.s32 v1, v10;
	v13 =	vmul.f32 $6.400000000e+01, v13;
	v23 =	vmul.f32 $6.400000000e+01, v7;
	v17 =	vld [tilespmem:s1+$0xC020]  }
0x1d0: {  	v21 =	vtrunc.f32 v4;
	v8 =	vadd.f32 v16, v8;
	vm3 =	vle.f32 v4, $6.400000000e+01;
	v4 =	vld [tilespmem:s1+$0x4010]  }
0x1d1: {  	v22 =	vmul.f32 $6.400000000e+01, v22;
	v15 =	vadd.f32 v15, v19;
	v19 =	vld [tilespmem:s1+$0xC010];
	v16 =	vcvt.f32.s32 v21  }
0x1d2: {  	v13 =	vadd.f32 v18, v13;
	v63 =	vtrunc.f32 v8;
	vm4 =	vle.f32 v8, $6.400000000e+01;
	v8 =	vld [tilespmem:s1+$0xC000]  }
0x1d3: {  	v23 =	vadd.f32 v14, v23;
	v18 =	vtrunc.f32 v15;
	v7 =	vadd.s32 v1, v16;
	v16 =	vld [tilespmem:s1+$0x4000]  }
0x1d4: {  	vm5 =	vle.f32 v15, $6.400000000e+01;
	v18 =	vcvt.f32.s32 v18;
	v21 =	vcvt.f32.s32 v63;
	[tilespmem:v12+s29+$0x0] =	vst.idx.add.f32.msk vm10, v2  }
0x1d5: {  	v12 =	vtrunc.f32 v13;
	vm10 =	vle.f32 v13, $6.400000000e+01;
	[tilespmem:v10+s29+$0x0] =	vst.idx.add.f32.msk vm9, v2;
	v4 =	vmul.f32 $6.400000000e+01, v4  }
0x1d6: {  	v13 =	vtrunc.f32 v23;
	v14 =	vadd.f32 v17, v22;
	v10 =	vadd.s32 v1, v18;
	[tilespmem:v20+s29+$0x0] =	vst.idx.add.f32.msk vm8, v2  }
0x1d7: {  	v24 =	vcvt.f32.s32 v12;
	v12 =	vadd.s32 v1, v21;
	[tilespmem:v6+s29+$0x0] =	vst.idx.add.f32.msk vm1, v2;
	v15 =	vadd.f32 v19, v4  }
0x1d8: {  	vm1 =	vle.f32 v23, $6.400000000e+01;
	v6 =	vcvt.f32.s32 v13;
	v13 =	vtrunc.f32 v14;
	[tilespmem:v5+s29+$0x0] =	vst.idx.add.f32.msk vm6, v2  }
0x1d9: {  	v4 =	vadd.s32 v1, v24;
	v17 =	vmul.f32 $6.400000000e+01, v16;
	[tilespmem:v11+s29+$0x0] =	vst.idx.add.f32.msk vm11, v2;
	v5 =	vtrunc.f32 v15  }
0x1da: {  	s1 =	simm.s32 $0x200;
	v19 =	vcvt.f32.s32 v13;
	[tilespmem:v9+s29+$0x0] =	vst.idx.add.f32.msk vm7, v2;
	v18 =	vcvt.f32.s32 v5;
	v5 =	vadd.s32 v1, v6  }
.LBB2_18:
0x1db: {  	s4 =	sshra.s32 s1, $0x2;
	p0 =	sne.s32 s1, $0xFE00;
	s1 =	sadd.s32 $0x200, s1;
	v6 =	vadd.f32 v8, v17;
	vm9 =	vle.f32 v15, $6.400000000e+01;
	vm7 =	vle.f32 v14, $6.400000000e+01;
	[tilespmem:v3+s29+$0x0] =	vst.idx.add.f32.msk vm2, v2;
	v3 =	vmovc v7  }
0x1dc: {  	v20 =	vmovc v12;
	vm2 =	vmmov vm3;
	v7 =	vld [tilespmem:s4+$0xC070];
	v14 =	vadd.s32 v1, v18;
	v15 =	vadd.s32 v1, v19;
	v18 =	vmovc v10  }
0x1dd: {  	vm6 =	vmmov vm4;
	v8 =	vld [tilespmem:s4+$0x4070];
	v9 =	vtrunc.f32 v6;
	vm12 =	vle.f32 v6, $6.400000000e+01  }
0x1de: {  	vm8 =	vmmov vm5;
	vm11 =	vmmov vm10;
	v10 =	vld [tilespmem:s4+$0xC060];
	v6 =	vcvt.f32.s32 v9  }
0x1df: {  	v11 =	vld [tilespmem:s4+$0xC050]  }
0x1e0: {  	v9 =	vld [tilespmem:s4+$0x4060];
	v12 =	vadd.s32 v1, v6  }
0x1e1: {  	v13 =	vld [tilespmem:s4+$0x4050]  }
0x1e2: {  	v16 =	vld [tilespmem:s4+$0xC040];
	v6 =	vmul.f32 $6.400000000e+01, v8  }
0x1e3: {  	v8 =	vld [tilespmem:s4+$0x4040]  }
0x1e4: {  	v17 =	vld [tilespmem:s4+$0xC030];
	v6 =	vadd.f32 v7, v6  }
0x1e5: {  	v19 =	vld [tilespmem:s4+$0x4030];
	v7 =	vmul.f32 $6.400000000e+01, v9  }
0x1e6: {  	v21 =	vld [tilespmem:s4+$0xC020];
	v13 =	vmul.f32 $6.400000000e+01, v13;
	v22 =	vtrunc.f32 v6;
	vm3 =	vle.f32 v6, $6.400000000e+01  }
0x1e7: {  	v23 =	vld [tilespmem:s4+$0x4020];
	v9 =	vadd.f32 v10, v7;
	v7 =	vcvt.f32.s32 v22  }
0x1e8: {  	v10 =	vld [tilespmem:s4+$0x4010];
	v22 =	vmul.f32 $6.400000000e+01, v8;
	v11 =	vadd.f32 v11, v13  }
0x1e9: {  	v24 =	vld [tilespmem:s4+$0xC010];
	v25 =	vtrunc.f32 v9;
	vm4 =	vle.f32 v9, $6.400000000e+01;
	v7 =	vadd.s32 v1, v7  }
0x1ea: {  	v8 =	vld [tilespmem:s4+$0xC000];
	v19 =	vmul.f32 $6.400000000e+01, v19;
	v13 =	vadd.f32 v16, v22;
	v16 =	vtrunc.f32 v11  }
0x1eb: {  	vm5 =	vle.f32 v11, $6.400000000e+01;
	v25 =	vcvt.f32.s32 v25;
	v22 =	vld [tilespmem:s4+$0x4000];
	v26 =	vcvt.f32.s32 v16  }
0x1ec: {  	v23 =	vmul.f32 $6.400000000e+01, v23;
	v16 =	vadd.f32 v17, v19;
	v17 =	vtrunc.f32 v13;
	[tilespmem:v12+s29+$0x0] =	vst.idx.add.f32.msk vm12, v2  }
0x1ed: {  	vm10 =	vle.f32 v13, $6.400000000e+01;
	v19 =	vmul.f32 $6.400000000e+01, v10;
	v27 =	vcvt.f32.s32 v17;
	[tilespmem:v14+s29+$0x0] =	vst.idx.add.f32.msk vm9, v2  }
.Ltmp8:
0x1ee: {  	v12 =	vadd.s32 v1, v25;
	v10 =	vadd.s32 v1, v26;
	v28 =	vtrunc.f32 v16;
	[tilespmem:v15+s29+$0x0] =	vst.idx.add.f32.msk vm7, v2;
	(pc) =	sbr.rel @p0 .LBB2_18-.Ltmp8, $4  }
0x1ef: {  	v14 =	vadd.f32 v21, v23;
	v15 =	vadd.f32 v24, v19;
	[tilespmem:v5+s29+$0x0] =	vst.idx.add.f32.msk vm1, v2;
	vm1 =	vle.f32 v16, $6.400000000e+01  }
0x1f0: {  	v5 =	vcvt.f32.s32 v28;
	v17 =	vmul.f32 $6.400000000e+01, v22;
	[tilespmem:v4+s29+$0x0] =	vst.idx.add.f32.msk vm11, v2;
	v4 =	vadd.s32 v1, v27  }
0x1f1: {  	v21 =	vtrunc.f32 v14;
	v19 =	vtrunc.f32 v15;
	[tilespmem:v18+s29+$0x0] =	vst.idx.add.f32.msk vm8, v2  }
0x1f2: {  	v5 =	vadd.s32 v1, v5;
	v18 =	vcvt.f32.s32 v19;
	v19 =	vcvt.f32.s32 v21;
	[tilespmem:v20+s29+$0x0] =	vst.idx.add.f32.msk vm6, v2  }
0x1f3: {  	v8 =	vadd.f32 v8, v17;
	_ =	sdelay $0x1  }
0x1f4: {  	v17 =	vtrunc.f32 v8  }
0x1f5: {  	v17 =	vcvt.f32.s32 v17  }
0x1f6: {  	vm1 =	vle.f32 v8, $6.400000000e+01  }
0x1f7: {  	vm3 =	vle.f32 v15, $6.400000000e+01;
	v46 =	vadd.s32 v1, v17  }
0x1f8: {  	vm4 =	vle.f32 v14, $6.400000000e+01;
	v47 =	vadd.s32 v1, v18  }
0x1f9: {  	vm5 =	vle.f32 v16, $6.400000000e+01;
	v48 =	vadd.s32 v1, v19  }
0x1fa: {  	vm6 =	vle.f32 v13, $6.400000000e+01  }
0x1fb: {  	[tilespmem:v3+s29+$0x0] =	vst.idx.add.f32.msk vm2, v2;
	vm2 =	vle.f32 v11, $6.400000000e+01  }
0x1fc: {  	vm7 =	vle.f32 v9, $6.400000000e+01;
	[tilespmem:v46+s29+$0x0] =	vst.idx.add.f32.msk vm1, v2  }
0x1fd: {  	vm1 =	vle.f32 v6, $6.400000000e+01;
	[tilespmem:v47+s29+$0x0] =	vst.idx.add.f32.msk vm3, v2  }
0x1fe: {  	[tilespmem:v48+s29+$0x0] =	vst.idx.add.f32.msk vm4, v2  }
0x1ff: {  	[tilespmem:v5+s29+$0x0] =	vst.idx.add.f32.msk vm5, v2  }
0x200: {  	[tilespmem:v4+s29+$0x0] =	vst.idx.add.f32.msk vm6, v2  }
0x201: {  	[tilespmem:v10+s29+$0x0] =	vst.idx.add.f32.msk vm2, v2  }
0x202: {  	[tilespmem:v12+s29+$0x0] =	vst.idx.add.f32.msk vm7, v2  }
0x203: {  	[tilespmem:v7+s29+$0x0] =	vst.idx.add.f32.msk vm1, v2  }
0x204: {  	v3 =	vld [tilespmem:$0x10000]  }
0x205: {  	v4 =	vld [tilespmem:$0x10041]  }
0x206: {  	v5 =	vld [tilespmem:$0x10082]  }
0x207: {  	v49 =	vld [tilespmem:$0x100C3]  }
0x208: {  	v7 =	vld [tilespmem:$0x10104]  }
0x209: {  	v8 =	vld [tilespmem:$0x10145]  }
0x20a: {  	v50 =	vld [tilespmem:$0x10186]  }
0x20b: {  	v10 =	vld [tilespmem:$0x101C7]  }
0x20c: {  	v51 =	vld [tilespmem:$0x10208]  }
0x20d: {  	v12 =	vld [tilespmem:$0x10249]  }
0x20e: {  	v52 =	vld [tilespmem:$0x1028A]  }
0x20f: {  	v14 =	vld [tilespmem:$0x102CB]  }
0x210: {  	v15 =	vld [tilespmem:$0x1030C]  }
0x211: {  	v53 =	vld [tilespmem:$0x1034D]  }
0x212: {  	v54 =	vld [tilespmem:$0x1038E]  }
0x213: {  	v55 =	vld [tilespmem:$0x103CF]  }
0x214: {  	v56 =	vld [tilespmem:$0x10010]  }
0x215: {  	v20 =	vld [tilespmem:$0x10051]  }
0x216: {  	v21 =	vld [tilespmem:$0x10092]  }
0x217: {  	v22 =	vld [tilespmem:$0x100D3]  }
0x218: {  	v23 =	vld [tilespmem:$0x10114]  }
0x219: {  	v24 =	vld [tilespmem:$0x10155]  }
0x21a: {  	v25 =	vld [tilespmem:$0x10196]  }
0x21b: {  	v26 =	vld [tilespmem:$0x101D7]  }
0x21c: {  	v27 =	vld [tilespmem:$0x10218]  }
0x21d: {  	v28 =	vld [tilespmem:$0x10020]  }
0x21e: {  	v29 =	vld [tilespmem:$0x10061]  }
0x21f: {  	v30 =	vld [tilespmem:$0x10259]  }
0x220: {  	v57 =	vld [tilespmem:$0x100A2]  }
0x221: {  	v31 =	vld [tilespmem:$0x1029A];
	v3 =	vadd.f32 v4, v3  }
0x222: {  	v59 =	vld [tilespmem:$0x100E3];
	v58 =	vadd.f32 v20, v56  }
0x223: {  	v61 =	vld [tilespmem:$0x102DB];
	v60 =	vadd.f32 v29, v28;
	v3 =	vadd.f32 v5, v3  }
0x224: {  	v62 =	vld [tilespmem:$0x10124];
	v5 =	vadd.f32 v21, v58  }
0x225: {  	v63 =	vld [tilespmem:$0x1031C];
	v4 =	vadd.f32 v57, v60;
	v3 =	vadd.f32 v49, v3  }
0x226: {  	v5 =	vadd.f32 v22, v5;
	v22 =	vld [tilespmem:$0x10165]  }
0x227: {  	v32 =	vld [tilespmem:$0x101A6];
	v4 =	vadd.f32 v59, v4;
	v3 =	vadd.f32 v7, v3  }
0x228: {  	v33 =	vld [tilespmem:$0x1039E];
	v5 =	vadd.f32 v23, v5  }
0x229: {  	v34 =	vld [tilespmem:$0x101E7];
	v4 =	vadd.f32 v62, v4;
	v3 =	vadd.f32 v8, v3  }
0x22a: {  	v35 =	vld [tilespmem:$0x103DF];
	v5 =	vadd.f32 v24, v5  }
0x22b: {  	v36 =	vld [tilespmem:$0x10228];
	v4 =	vadd.f32 v22, v4;
	v3 =	vadd.f32 v50, v3  }
0x22c: {  	v37 =	vld [tilespmem:$0x10269];
	v5 =	vadd.f32 v25, v5  }
0x22d: {  	v38 =	vld [tilespmem:$0x102AA];
	v4 =	vadd.f32 v32, v4;
	v3 =	vadd.f32 v10, v3  }
0x22e: {  	v39 =	vld [tilespmem:$0x10030];
	v5 =	vadd.f32 v26, v5  }
0x22f: {  	v40 =	vld [tilespmem:$0x10071];
	v4 =	vadd.f32 v34, v4;
	v3 =	vadd.f32 v51, v3  }
0x230: {  	v41 =	vld [tilespmem:$0x102EB];
	v5 =	vadd.f32 v27, v5  }
0x231: {  	v42 =	vld [tilespmem:$0x100B2];
	v4 =	vadd.f32 v36, v4;
	v3 =	vadd.f32 v12, v3  }
0x232: {  	v43 =	vld [tilespmem:$0x1032C];
	v5 =	vadd.f32 v30, v5  }
0x233: {  	v44 =	vld [tilespmem:$0x100F3];
	v4 =	vadd.f32 v37, v4;
	v3 =	vadd.f32 v52, v3  }
0x234: {  	v46 =	vld [tilespmem:$0x10134];
	v9 =	vadd.f32 v40, v39;
	v5 =	vadd.f32 v31, v5  }
0x235: {  	v29 =	vld [tilespmem:$0x1035D];
	v4 =	vadd.f32 v38, v4;
	v3 =	vadd.f32 v14, v3  }
0x236: {  	v45 =	vld [tilespmem:$0x1036D];
	v9 =	vadd.f32 v42, v9;
	v5 =	vadd.f32 v61, v5  }
0x237: {  	v48 =	vld [tilespmem:$0x10175];
	v4 =	vadd.f32 v41, v4;
	v3 =	vadd.f32 v15, v3  }
0x238: {  	v47 =	vld [tilespmem:$0x103AE];
	v9 =	vadd.f32 v44, v9;
	v5 =	vadd.f32 v63, v5  }
0x239: {  	v49 =	vld [tilespmem:$0x103EF];
	v4 =	vadd.f32 v43, v4;
	v3 =	vadd.f32 v53, v3  }
0x23a: {  	v9 =	vadd.f32 v46, v9;
	v50 =	vld [tilespmem:$0x101B6];
	v5 =	vadd.f32 v29, v5  }
0x23b: {  	v4 =	vadd.f32 v45, v4;
	v3 =	vadd.f32 v54, v3  }
0x23c: {  	v9 =	vadd.f32 v48, v9;
	v51 =	vld [tilespmem:$0x101F7];
	v5 =	vadd.f32 v33, v5  }
0x23d: {  	v52 =	vadd.s32 $0x40, v1;
	v4 =	vadd.f32 v47, v4;
	v3 =	vadd.f32 v55, v3  }
0x23e: {  	v53 =	vld [tilespmem:$0x10238];
	v5 =	vadd.f32 v35, v5  }
0x23f: {  	v54 =	vadd.f32 v50, v9;
	[tilespmem:$0x10480] =	vst v3;
	v3 =	vadd.f32 v49, v4  }
0x240: {  	v55 =	vld [tilespmem:$0x10279];
	[tilespmem:$0x10490] =	vst v5  }
0x241: {  	v56 =	vld [tilespmem:$0x102BA];
	[tilespmem:$0x104A0] =	vst v3;
	v3 =	vadd.f32 v51, v54  }
0x242: {  	v57 =	vld.idx.msk [tilespmem:v52+s29+$0x0], $0xffff  }
0x243: {  	v3 =	vadd.f32 v53, v3  }
0x244: {  	v58 =	vld [tilespmem:$0x102FB]  }
0x245: {  	v3 =	vadd.f32 v55, v3  }
0x246: {  	v59 =	vld [tilespmem:$0x1033C]  }
0x247: {  	v3 =	vadd.f32 v56, v3;
	(xrf2) =	vadd.scan.msk.f32 $0xffff, v57  }
0x248: {  	v60 =	vld [tilespmem:$0x1037D]  }
0x249: {  	v3 =	vadd.f32 v58, v3  }
0x24a: {  	v61 =	vld [tilespmem:$0x103BE]  }
0x24b: {  	v3 =	vadd.f32 v59, v3  }
0x24c: {  	v62 =	vld [tilespmem:$0x103FF]  }
0x24d: {  	v3 =	vadd.f32 v60, v3;
	_ =	sdelay $0x1  }
0x24e: {  	v3 =	vadd.f32 v61, v3;
	_ =	sdelay $0x1  }
0x24f: {  	vm1 =	vmmov $0x7fff;
	v3 =	vadd.f32 v62, v3;
	v63, _, _ =	vpop (xrf2)  }
0x250: {  	v4 =	vsel vm1, $0x0, v63  }
0x251: {  	s2 =	sadd.s32 $0x1, s2;
	v3 =	vadd.f32 v4, v3  }
0x252: {  	p0 =	sne.s32 s2, s21  }
.Ltmp9:
0x253: {  	s1 =	simm.s32 $0x0;
	s4 =	simm.s32 $0x10480;
	[tilespmem:$0x104B0] =	vst v3;
	(pc) =	sbr.rel @p0 .LBB2_1-.Ltmp9, $4  }
0x254: {  	[hbm4b:s20+s1] =	stream.linear.scatter [tilespmem:s4], [sflag:$0x5], $0x80, $0x38;
	[tilespmem:$0x10500] =	vst v63  }
0x255: {  	_ =	swait.ge [sflag:s0], $0x80  }
0x256: {  	[sflag:s0] =	ssyncset.done $0x0  }
0x257: {  	[sflag:s0] =	ssyncadd.s32 $0xFFFFFF80  }
0x258: {  	_ =	sfence.sel $0x180000  }
0x259: {  	[bflag:$0x0] =	sbarrier.arrive $0xFFFF  }
0x25a: {  	_ =	strace $0x90000047  }
0x25b: {  	s0 =	stileid.u32;
	[bflag:$0x2] =	sbarrier.arrive $0xFFFF  }
0x25c: {  	p0 =	sne.s32 s0, $0x0;
	s0 =	rddreg [dreg:$0x3]  }
0x25d: {  	s0 =	sadd.s32 @!p0 $0x100000, s0  }
0x25e: {  	[sflag:s0] =	ssyncadd.tile.s32 @!p0 $0x1;
	_ =	shalt  }
.Lfunc_end2:
_tile_overlayer_lowered:
.L_overlay_start_2:
0x25f: {  	(tag) =	ssettag $0x2  }
0x260: {  	s0 =	rddreg [dreg:$0x0];
	s2 =	stileid.u32  }
0x261: {  	s1 =	rddreg [dreg:$0x1];
	p0 =	sne.s32 s2, $0x0  }
0x262: {  	s3 =	rddreg [dreg:$0x2];
	[bflag:$0x3] =	sbarrier.arrive $0xFFFF;
	s2 =	simm.s32 @!p0 $0x1C05  }
0x263: {  	[timem:s3], [sflag:s2] =	dma.local @!p0 [hbm:s0], s1  }
0x264: {  	s0 =	simm.s32 @!p0 $0x5  }
0x265: {  	_ =	swait.ge @!p0 [sflag:s0], s1  }
0x266: {  	s1 =	ssub.s32 @!p0 $0x0, s1;
	[sflag:s0] =	ssyncset.done @!p0 $0x0  }
0x267: {  	[sflag:s0] =	ssyncadd.s32 @!p0 s1  }
0x268: {  	[bflag:$0x3] =	sbarrier.arrive $0xFFFF  }
0x269: {  	_ =	shalt  }

</sc_bundles>
